<compile_context>
chip_gen: v7x
topology: tpu7x:2x2x1
jax: 0.10.2.dev20260603
libtpu: 0.0.44.dev20260713+nightly
codegen_flags: <defaults>
</compile_context>

<pallas_src>
import functools

import jax
import jax.numpy as jnp
from jax import lax
from jax.experimental import pallas as pl
from jax.experimental.pallas import tpu as pltpu
from jax.experimental.pallas import tpu_sc as plsc

N = 10000
E = 160000
D_IN = 256
D_HID = 128
D_OUT = 32

NC = 2
NS = 16
NPAD = 10240
RPT = NPAD // NS
NCH = 100
CH = 50
DEGW = 8

_mesh = plsc.VectorSubcoreMesh(
    core_axis_name="c", subcore_axis_name="s", num_cores=NC, num_subcores=NS
)


EPT = E // (NC * NS)
EPT_PAD = 5008


def _deg_body(dstf, out, dst_v, hist, tmp_v, outbuf, acc2):
    c = lax.axis_index("c")
    s = lax.axis_index("s")
    zeros16 = jnp.zeros((16,), jnp.float32)
    dst_v[pl.ds(EPT_PAD - 16, 16)] = jnp.full((16,), NPAD - 1, jnp.int32)
    pltpu.sync_copy(dstf.at[c, s], dst_v.at[pl.ds(0, EPT)])

    def zstep(j, carry):
        hist[pl.ds(j * 16, 16)] = zeros16
        return carry

    lax.fori_loop(0, NPAD // 16, zstep, 0)

    ones16 = jnp.ones((16,), jnp.float32)

    def hstep(j, carry):
        idx = dst_v[pl.ds(j * 16, 16)]
        plsc.addupdate_scatter(hist, [idx], ones16)
        return carry

    lax.fori_loop(0, EPT_PAD // 16, hstep, 0)

    pltpu.sync_copy(hist, acc2.at[s])
    plsc.subcore_barrier()

    pltpu.sync_copy(acc2.at[0, pl.ds(s * RPT, RPT)], outbuf)
    for t in range(1, NS):
        pltpu.sync_copy(acc2.at[t, pl.ds(s * RPT, RPT)], tmp_v)

        def astep(j, carry):
            outbuf[pl.ds(j * 16, 16)] = outbuf[pl.ds(j * 16, 16)] + tmp_v[pl.ds(j * 16, 16)]
            return carry

        lax.fori_loop(0, RPT // 16, astep, 0)
    pltpu.sync_copy(outbuf, out.at[c, pl.ds(s * RPT, RPT)])


_deg_kernel = pl.kernel(
    _deg_body,
    out_type=jax.ShapeDtypeStruct((NC, NPAD), jnp.float32),
    mesh=_mesh,
    compiler_params=pltpu.CompilerParams(
        use_tc_tiling_on_sc=False, needs_layout_passes=False
    ),
    scratch_types=[
        pltpu.VMEM((EPT_PAD,), jnp.int32),
        pltpu.VMEM((NPAD,), jnp.float32),
        pltpu.VMEM((RPT,), jnp.float32),
        pltpu.VMEM((RPT,), jnp.float32),
        pltpu.VMEM_SHARED((NS, NPAD), jnp.float32),
    ],
)


def _make_scatter(D, nbuf):
    ngrp = NCH // nbuf

    def body(ys, srci, dsti, zeros_src, out, src_v, dst_v, acc, *rest):
        bufs = rest[:nbuf]
        sems = rest[nbuf:]
        c = lax.axis_index("c")
        s = lax.axis_index("s")
        pltpu.sync_copy(srci.at[c, s], src_v)
        pltpu.sync_copy(dsti.at[c, s], dst_v)
        for b in range(nbuf):
            pltpu.async_copy(ys.at[src_v.at[b]], bufs[b], sems[b])
        own = ((c == 0) & (s < NS // 2)) | ((c == 1) & (s >= NS // 2))
        r0 = s * RPT

        @pl.when(own & (s != NS - 1))
        def _():
            pltpu.sync_copy(ys.at[pl.ds(r0, RPT)], acc.at[pl.ds(r0, RPT)])

        @pl.when(own & (s == NS - 1))
        def _():
            pltpu.sync_copy(ys.at[pl.ds(r0, N - (NS - 1) * RPT)],
                            acc.at[pl.ds(r0, N - (NS - 1) * RPT)])
            pltpu.sync_copy(zeros_src.at[pl.ds(N, NPAD - N)], acc.at[pl.ds(N, NPAD - N)])

        @pl.when(~own)
        def _():
            pltpu.sync_copy(zeros_src.at[pl.ds(r0, RPT)], acc.at[pl.ds(r0, RPT)])

        plsc.subcore_barrier()

        def group(g, carry):
            for b in range(nbuf):
                j = g * nbuf + b
                pltpu.make_async_copy(ys.at[src_v.at[0]], bufs[b], sems[b]).wait()
                pltpu.sync_copy(bufs[b], acc.at[dst_v.at[j]], add=True)

                @pl.when(g + 1 < ngrp)
                def _():
                    pltpu.async_copy(ys.at[src_v.at[j + nbuf]], bufs[b], sems[b])

            return carry

        lax.fori_loop(0, ngrp, group, 0)
        plsc.subcore_barrier()
        pltpu.sync_copy(acc.at[pl.ds(s * RPT, RPT)], out.at[c, pl.ds(s * RPT, RPT)])

    return pl.kernel(
        body,
        out_type=jax.ShapeDtypeStruct((NC, NPAD, D), jnp.float32),
        mesh=_mesh,
        compiler_params=pltpu.CompilerParams(use_tc_tiling_on_sc=False),
        scratch_types=[
            pltpu.VMEM((NCH, CH), jnp.int32),
            pltpu.VMEM((NCH, CH), jnp.int32),
            pltpu.VMEM_SHARED((NPAD, D), jnp.float32),
        ] + [pltpu.VMEM((CH, D), jnp.float32) for _ in range(nbuf)]
        + [pltpu.SemaphoreType.DMA for _ in range(nbuf)],
    )


_scatter_hid = _make_scatter(D_HID, 5)
_scatter_out = _make_scatter(D_OUT, 5)

_R = 4096


def _dinv_from_deg(deg_ref):
    d = deg_ref[0, :] + deg_ref[1, :] + 1.0
    return lax.rsqrt(d)


def _a1_body(x_ref, w1_ref, deg_ref, out_ref):
    dinv = _dinv_from_deg(deg_ref)
    xw = jnp.dot(x_ref[...], w1_ref[...], preferred_element_type=jnp.float32)
    out_ref[...] = xw * dinv[:, None]


def _a1(x, W1, deg):
    grid = (pl.cdiv(N, _R),)
    return pl.pallas_call(
        _a1_body,
        grid=grid,
        in_specs=[
            pl.BlockSpec((_R, D_IN), lambda i: (i, 0)),
            pl.BlockSpec((D_IN, D_HID), lambda i: (0, 0)),
            pl.BlockSpec((NC, _R), lambda i: (0, i)),
        ],
        out_specs=pl.BlockSpec((_R, D_HID), lambda i: (i, 0)),
        out_shape=jax.ShapeDtypeStruct((N, D_HID), jnp.float32),
    )(x, W1, deg)


def _ca_body(s_ref, deg_ref, b1_ref, w2_ref, out_ref):
    dinv = _dinv_from_deg(deg_ref)[:, None]
    h = dinv * (s_ref[0] + s_ref[1]) + b1_ref[...]
    h = jnp.maximum(h, 0.0)
    out_ref[...] = jnp.dot(h, w2_ref[...], preferred_element_type=jnp.float32) * dinv


def _ca(s1, deg, b1, W2):
    grid = (pl.cdiv(N, _R),)
    return pl.pallas_call(
        _ca_body,
        grid=grid,
        in_specs=[
            pl.BlockSpec((NC, _R, D_HID), lambda i: (0, i, 0)),
            pl.BlockSpec((NC, _R), lambda i: (0, i)),
            pl.BlockSpec((1, D_HID), lambda i: (0, 0)),
            pl.BlockSpec((D_HID, D_OUT), lambda i: (0, 0)),
        ],
        out_specs=pl.BlockSpec((_R, D_OUT), lambda i: (i, 0)),
        out_shape=jax.ShapeDtypeStruct((N, D_OUT), jnp.float32),
    )(s1, deg, b1, W2)


def _c2_body(s_ref, deg_ref, b2_ref, out_ref):
    dinv = _dinv_from_deg(deg_ref)[:, None]
    out_ref[...] = dinv * (s_ref[0] + s_ref[1]) + b2_ref[...]


def _c2(s2, deg, b2):
    grid = (pl.cdiv(N, _R),)
    return pl.pallas_call(
        _c2_body,
        grid=grid,
        in_specs=[
            pl.BlockSpec((NC, _R, D_OUT), lambda i: (0, i, 0)),
            pl.BlockSpec((NC, _R), lambda i: (0, i)),
            pl.BlockSpec((1, D_OUT), lambda i: (0, 0)),
        ],
        out_specs=pl.BlockSpec((_R, D_OUT), lambda i: (i, 0)),
        out_shape=jax.ShapeDtypeStruct((N, D_OUT), jnp.float32),
    )(s2, deg, b2)


def kernel(x, edge_index, W1, b1, W2, b2):
    ei = edge_index.astype(jnp.int32)
    src = ei[0].reshape(NC, NS, NCH, CH)
    dst = ei[1].reshape(NC, NS, NCH, CH)

    zeros_hid = jnp.zeros((NPAD, D_HID), jnp.float32)
    zeros_out = jnp.zeros((NPAD, D_OUT), jnp.float32)

    deg = _deg_kernel(ei[1].reshape(NC, NS, EPT))

    ys1 = _a1(x, W1, deg)
    s1 = _scatter_hid(ys1, src, dst, zeros_hid)
    ys2 = _ca(s1, deg, b1.reshape(1, D_HID), W2)
    s2 = _scatter_out(ys2, src, dst, zeros_out)
    z = _c2(s2, deg, b2.reshape(1, D_OUT))
    return z

# --- scband reference (transcript-rebuilt; emitter-appended) ---
"""Pipeline reference for scband-cluster-gae-46849503265002 (READ-ONLY COPY).

The authoritative reference and input builder live on the scoring server;
editing this copy changes nothing except your own understanding.
"""

import jax, jax.numpy as jnp
import numpy as np

N_NODES = 10000
D_IN = 256
D_HID = 128
D_OUT = 32
N_EDGES = 160000


def _glorot(key, shape):
    limit = jnp.sqrt(6.0 / (shape[0] + shape[1]))
    return jax.random.uniform(key, shape, dtype=jnp.float32, minval=-limit, maxval=limit)


def setup_inputs(seed: int = 0) -> dict:
    key = jax.random.key(seed)
    k_x, k_e, k_w1, k_w2 = jax.random.split(key, 4)
    x = jax.random.normal(k_x, (N_NODES, D_IN), dtype=jnp.float32)
    edge_index = jax.random.randint(k_e, (2, N_EDGES), 0, N_NODES, dtype=jnp.int64)
    W1 = _glorot(k_w1, (D_IN, D_HID))
    b1 = jnp.zeros((D_HID,), dtype=jnp.float32)
    W2 = _glorot(k_w2, (D_HID, D_OUT))
    b2 = jnp.zeros((D_OUT,), dtype=jnp.float32)
    return {"x": x, "edge_index": edge_index, "W1": W1, "b1": b1, "W2": W2, "b2": b2}


def _gcn_conv(x, src, dst, W, b, n):
    # GCNConv with self-loops and symmetric normalization:
    # out = D^{-1/2} (A + I) D^{-1/2} (X W) + b
    xw = x @ W
    loop = jnp.arange(n, dtype=src.dtype)
    s = jnp.concatenate([src, loop])
    d = jnp.concatenate([dst, loop])
    deg = jnp.zeros((n,), dtype=x.dtype).at[d].add(1.0)
    dinv = jax.lax.rsqrt(jnp.maximum(deg, 1e-12))
    norm = dinv[s] * dinv[d]
    msg = jnp.take(xw, s, axis=0) * norm[:, None]
    out = jax.ops.segment_sum(msg, d, num_segments=n)
    return out + b


def reference(x, edge_index, W1, b1, W2, b2):
    # ClusterGAE forward == encode (GAE convention): 2-layer GCN encoder.
    # Dropout is inactive in eval mode (training=False).
    n = x.shape[0]
    src = edge_index[0]
    dst = edge_index[1]
    h = _gcn_conv(x, src, dst, W1, b1, n)
    h = jax.nn.relu(h)
    z = _gcn_conv(h, src, dst, W2, b2, n)
    return z

if __name__ == "__main__":
    import jax
    _d = setup_inputs()
    print(jax.jit(kernel)(*tuple(_d.values())))

</pallas_src>

<mosaic_0001>
#map = affine_map<(d0, d1) -> (0, 0)>
#map1 = affine_map<(d0, d1) -> (0, 0, 0, 0)>
#map2 = affine_map<(d0, d1) -> (0, 0, 0)>
module attributes {stable_mosaic.version = 14 : i64} {
  func.func @body(%arg0: i32, %arg1: i32, %arg2: memref<10000x32xf32, #tpu.memory_space<hbm>>, %arg3: memref<2x16x100x50xi32, #tpu.memory_space<hbm>>, %arg4: memref<2x16x100x50xi32, #tpu.memory_space<hbm>>, %arg5: memref<10240x32xf32, #tpu.memory_space<hbm>>, %arg6: memref<2x10240x32xf32, #tpu.memory_space<hbm>>, %arg7: memref<100x50xi32, #tpu.memory_space<vmem>>, %arg8: memref<100x50xi32, #tpu.memory_space<vmem>>, %arg9: memref<10240x32xf32, #tpu.memory_space<vmem_shared>>, %arg10: memref<50x32xf32, #tpu.memory_space<vmem>>, %arg11: memref<50x32xf32, #tpu.memory_space<vmem>>, %arg12: memref<50x32xf32, #tpu.memory_space<vmem>>, %arg13: memref<50x32xf32, #tpu.memory_space<vmem>>, %arg14: memref<50x32xf32, #tpu.memory_space<vmem>>, %arg15: memref<!tpu.dma_semaphore, #tpu.memory_space<semaphore_mem>>, %arg16: memref<!tpu.dma_semaphore, #tpu.memory_space<semaphore_mem>>, %arg17: memref<!tpu.dma_semaphore, #tpu.memory_space<semaphore_mem>>, %arg18: memref<!tpu.dma_semaphore, #tpu.memory_space<semaphore_mem>>, %arg19: memref<!tpu.dma_semaphore, #tpu.memory_space<semaphore_mem>>) attributes {dimension_semantics = [#tpu.dimension_semantics<core_parallel>, #tpu.dimension_semantics<subcore_parallel>], iteration_bounds = array<i64: 2, 16>, scalar_prefetch = 0 : i64, scratch_operands = 13 : i64, tpu.core_type = #tpu.core_type<sc_vector_subcore>, window_params = [{transform_indices = #map}, {transform_indices = #map1}, {transform_indices = #map1}, {transform_indices = #map}, {transform_indices = #map2}]} {
    "tpu.region"() ({
      %run_scoped3A = tpu.sem_alloc : memref<!tpu.dma_semaphore, #tpu.memory_space<semaphore_mem>>
      %dma_start3A_64 = arith.constant 0 : i32
      %dma_start3A_65 = arith.constant 0 : i32
      %dma_start3A_66 = tpu.memref_slice %arg3[%arg0, %arg1, %dma_start3A_64, %dma_start3A_65] : memref<2x16x100x50xi32, #tpu.memory_space<hbm>> -> memref<1x1x100x50xi32, #tpu.memory_space<hbm>>
      %dma_start3A_67 = tpu.memref_squeeze %dma_start3A_66 : memref<1x1x100x50xi32, #tpu.memory_space<hbm>> -> memref<100x50xi32, #tpu.memory_space<hbm>>
      %dma_start3A_68 = arith.constant 0 : i32
      %dma_start3A_69 = arith.constant 0 : i32
      %dma_start3A_70 = tpu.memref_slice %arg3[%arg0, %arg1, %dma_start3A_68, %dma_start3A_69] : memref<2x16x100x50xi32, #tpu.memory_space<hbm>> -> memref<1x1x100x50xi32, #tpu.memory_space<hbm>>
      %dma_start3A_71 = tpu.memref_squeeze %dma_start3A_70 : memref<1x1x100x50xi32, #tpu.memory_space<hbm>> -> memref<100x50xi32, #tpu.memory_space<hbm>>
      tpu.enqueue_dma source(%dma_start3A_71 : memref<100x50xi32, #tpu.memory_space<hbm>>) target(%arg7 : memref<100x50xi32, #tpu.memory_space<vmem>>) target_semaphore(%run_scoped3A : memref<!tpu.dma_semaphore, #tpu.memory_space<semaphore_mem>>)
      %dma_wait3A = arith.constant 0 : i32
      %dma_wait3A_72 = arith.constant 0 : i32
      %dma_wait3A_73 = tpu.memref_slice %arg3[%arg0, %arg1, %dma_wait3A, %dma_wait3A_72] : memref<2x16x100x50xi32, #tpu.memory_space<hbm>> -> memref<1x1x100x50xi32, #tpu.memory_space<hbm>>
      %dma_wait3A_74 = tpu.memref_squeeze %dma_wait3A_73 : memref<1x1x100x50xi32, #tpu.memory_space<hbm>> -> memref<100x50xi32, #tpu.memory_space<hbm>>
      %dma_wait3A_75 = arith.constant 0 : i32
      %dma_wait3A_76 = arith.constant 0 : i32
      %dma_wait3A_77 = tpu.memref_slice %arg3[%arg0, %arg1, %dma_wait3A_75, %dma_wait3A_76] : memref<2x16x100x50xi32, #tpu.memory_space<hbm>> -> memref<1x1x100x50xi32, #tpu.memory_space<hbm>>
      %dma_wait3A_78 = tpu.memref_squeeze %dma_wait3A_77 : memref<1x1x100x50xi32, #tpu.memory_space<hbm>> -> memref<100x50xi32, #tpu.memory_space<hbm>>
      tpu.wait_dma2 semaphore(%run_scoped3A : memref<!tpu.dma_semaphore, #tpu.memory_space<semaphore_mem>>) src(%dma_wait3A_78 : memref<100x50xi32, #tpu.memory_space<hbm>>) dst(%arg7 : memref<100x50xi32, #tpu.memory_space<vmem>>)
      tpu.yield
    }) : () -> ()
    "tpu.region"() ({
      %run_scoped3A = tpu.sem_alloc : memref<!tpu.dma_semaphore, #tpu.memory_space<semaphore_mem>>
      %dma_start3A_64 = arith.constant 0 : i32
      %dma_start3A_65 = arith.constant 0 : i32
      %dma_start3A_66 = tpu.memref_slice %arg4[%arg0, %arg1, %dma_start3A_64, %dma_start3A_65] : memref<2x16x100x50xi32, #tpu.memory_space<hbm>> -> memref<1x1x100x50xi32, #tpu.memory_space<hbm>>
      %dma_start3A_67 = tpu.memref_squeeze %dma_start3A_66 : memref<1x1x100x50xi32, #tpu.memory_space<hbm>> -> memref<100x50xi32, #tpu.memory_space<hbm>>
      %dma_start3A_68 = arith.constant 0 : i32
      %dma_start3A_69 = arith.constant 0 : i32
      %dma_start3A_70 = tpu.memref_slice %arg4[%arg0, %arg1, %dma_start3A_68, %dma_start3A_69] : memref<2x16x100x50xi32, #tpu.memory_space<hbm>> -> memref<1x1x100x50xi32, #tpu.memory_space<hbm>>
      %dma_start3A_71 = tpu.memref_squeeze %dma_start3A_70 : memref<1x1x100x50xi32, #tpu.memory_space<hbm>> -> memref<100x50xi32, #tpu.memory_space<hbm>>
      tpu.enqueue_dma source(%dma_start3A_71 : memref<100x50xi32, #tpu.memory_space<hbm>>) target(%arg8 : memref<100x50xi32, #tpu.memory_space<vmem>>) target_semaphore(%run_scoped3A : memref<!tpu.dma_semaphore, #tpu.memory_space<semaphore_mem>>)
      %dma_wait3A = arith.constant 0 : i32
      %dma_wait3A_72 = arith.constant 0 : i32
      %dma_wait3A_73 = tpu.memref_slice %arg4[%arg0, %arg1, %dma_wait3A, %dma_wait3A_72] : memref<2x16x100x50xi32, #tpu.memory_space<hbm>> -> memref<1x1x100x50xi32, #tpu.memory_space<hbm>>
      %dma_wait3A_74 = tpu.memref_squeeze %dma_wait3A_73 : memref<1x1x100x50xi32, #tpu.memory_space<hbm>> -> memref<100x50xi32, #tpu.memory_space<hbm>>
      %dma_wait3A_75 = arith.constant 0 : i32
      %dma_wait3A_76 = arith.constant 0 : i32
      %dma_wait3A_77 = tpu.memref_slice %arg4[%arg0, %arg1, %dma_wait3A_75, %dma_wait3A_76] : memref<2x16x100x50xi32, #tpu.memory_space<hbm>> -> memref<1x1x100x50xi32, #tpu.memory_space<hbm>>
      %dma_wait3A_78 = tpu.memref_squeeze %dma_wait3A_77 : memref<1x1x100x50xi32, #tpu.memory_space<hbm>> -> memref<100x50xi32, #tpu.memory_space<hbm>>
      tpu.wait_dma2 semaphore(%run_scoped3A : memref<!tpu.dma_semaphore, #tpu.memory_space<semaphore_mem>>) src(%dma_wait3A_78 : memref<100x50xi32, #tpu.memory_space<hbm>>) dst(%arg8 : memref<100x50xi32, #tpu.memory_space<vmem>>)
      tpu.yield
    }) : () -> ()
    %dma_start3A = arith.constant 0 : i32
    %dma_start3A_0 = arith.constant 0 : i32
    %dma_start3A_1 = tpu.memref_slice %arg7[%dma_start3A, %dma_start3A_0] : memref<100x50xi32, #tpu.memory_space<vmem>> -> memref<1x50xi32, #tpu.memory_space<vmem>>
    %dma_start3A_2 = tpu.memref_squeeze %dma_start3A_1 : memref<1x50xi32, #tpu.memory_space<vmem>> -> memref<50xi32, #tpu.memory_space<vmem>>
    %dma_start3A_3 = arith.constant 0 : i32
    %dma_start3A_4 = arith.constant 0 : i32
    %dma_start3A_5 = tpu.memref_slice %arg2[%dma_start3A_3, %dma_start3A_4] : memref<10000x32xf32, #tpu.memory_space<hbm>> -> memref<10000x32xf32, #tpu.memory_space<hbm>>
    tpu.enqueue_indirect_dma source(%dma_start3A_5 : memref<10000x32xf32, #tpu.memory_space<hbm>>) target(%arg10 : memref<50x32xf32, #tpu.memory_space<vmem>>) offsets(%dma_start3A_2 : memref<50xi32, #tpu.memory_space<vmem>>) semaphore(%arg15 : memref<!tpu.dma_semaphore, #tpu.memory_space<semaphore_mem>>)
    %dma_start3A_6 = arith.constant 1 : i32
    %dma_start3A_7 = arith.constant 0 : i32
    %dma_start3A_8 = tpu.memref_slice %arg7[%dma_start3A_6, %dma_start3A_7] : memref<100x50xi32, #tpu.memory_space<vmem>> -> memref<1x50xi32, #tpu.memory_space<vmem>>
    %dma_start3A_9 = tpu.memref_squeeze %dma_start3A_8 : memref<1x50xi32, #tpu.memory_space<vmem>> -> memref<50xi32, #tpu.memory_space<vmem>>
    %dma_start3A_10 = arith.constant 0 : i32
    %dma_start3A_11 = arith.constant 0 : i32
    %dma_start3A_12 = tpu.memref_slice %arg2[%dma_start3A_10, %dma_start3A_11] : memref<10000x32xf32, #tpu.memory_space<hbm>> -> memref<10000x32xf32, #tpu.memory_space<hbm>>
    tpu.enqueue_indirect_dma source(%dma_start3A_12 : memref<10000x32xf32, #tpu.memory_space<hbm>>) target(%arg11 : memref<50x32xf32, #tpu.memory_space<vmem>>) offsets(%dma_start3A_9 : memref<50xi32, #tpu.memory_space<vmem>>) semaphore(%arg16 : memref<!tpu.dma_semaphore, #tpu.memory_space<semaphore_mem>>)
    %dma_start3A_13 = arith.constant 2 : i32
    %dma_start3A_14 = arith.constant 0 : i32
    %dma_start3A_15 = tpu.memref_slice %arg7[%dma_start3A_13, %dma_start3A_14] : memref<100x50xi32, #tpu.memory_space<vmem>> -> memref<1x50xi32, #tpu.memory_space<vmem>>
    %dma_start3A_16 = tpu.memref_squeeze %dma_start3A_15 : memref<1x50xi32, #tpu.memory_space<vmem>> -> memref<50xi32, #tpu.memory_space<vmem>>
    %dma_start3A_17 = arith.constant 0 : i32
    %dma_start3A_18 = arith.constant 0 : i32
    %dma_start3A_19 = tpu.memref_slice %arg2[%dma_start3A_17, %dma_start3A_18] : memref<10000x32xf32, #tpu.memory_space<hbm>> -> memref<10000x32xf32, #tpu.memory_space<hbm>>
    tpu.enqueue_indirect_dma source(%dma_start3A_19 : memref<10000x32xf32, #tpu.memory_space<hbm>>) target(%arg12 : memref<50x32xf32, #tpu.memory_space<vmem>>) offsets(%dma_start3A_16 : memref<50xi32, #tpu.memory_space<vmem>>) semaphore(%arg17 : memref<!tpu.dma_semaphore, #tpu.memory_space<semaphore_mem>>)
    %dma_start3A_20 = arith.constant 3 : i32
    %dma_start3A_21 = arith.constant 0 : i32
    %dma_start3A_22 = tpu.memref_slice %arg7[%dma_start3A_20, %dma_start3A_21] : memref<100x50xi32, #tpu.memory_space<vmem>> -> memref<1x50xi32, #tpu.memory_space<vmem>>
    %dma_start3A_23 = tpu.memref_squeeze %dma_start3A_22 : memref<1x50xi32, #tpu.memory_space<vmem>> -> memref<50xi32, #tpu.memory_space<vmem>>
    %dma_start3A_24 = arith.constant 0 : i32
    %dma_start3A_25 = arith.constant 0 : i32
    %dma_start3A_26 = tpu.memref_slice %arg2[%dma_start3A_24, %dma_start3A_25] : memref<10000x32xf32, #tpu.memory_space<hbm>> -> memref<10000x32xf32, #tpu.memory_space<hbm>>
    tpu.enqueue_indirect_dma source(%dma_start3A_26 : memref<10000x32xf32, #tpu.memory_space<hbm>>) target(%arg13 : memref<50x32xf32, #tpu.memory_space<vmem>>) offsets(%dma_start3A_23 : memref<50xi32, #tpu.memory_space<vmem>>) semaphore(%arg18 : memref<!tpu.dma_semaphore, #tpu.memory_space<semaphore_mem>>)
    %dma_start3A_27 = arith.constant 4 : i32
    %dma_start3A_28 = arith.constant 0 : i32
    %dma_start3A_29 = tpu.memref_slice %arg7[%dma_start3A_27, %dma_start3A_28] : memref<100x50xi32, #tpu.memory_space<vmem>> -> memref<1x50xi32, #tpu.memory_space<vmem>>
    %dma_start3A_30 = tpu.memref_squeeze %dma_start3A_29 : memref<1x50xi32, #tpu.memory_space<vmem>> -> memref<50xi32, #tpu.memory_space<vmem>>
    %dma_start3A_31 = arith.constant 0 : i32
    %dma_start3A_32 = arith.constant 0 : i32
    %dma_start3A_33 = tpu.memref_slice %arg2[%dma_start3A_31, %dma_start3A_32] : memref<10000x32xf32, #tpu.memory_space<hbm>> -> memref<10000x32xf32, #tpu.memory_space<hbm>>
    tpu.enqueue_indirect_dma source(%dma_start3A_33 : memref<10000x32xf32, #tpu.memory_space<hbm>>) target(%arg14 : memref<50x32xf32, #tpu.memory_space<vmem>>) offsets(%dma_start3A_30 : memref<50xi32, #tpu.memory_space<vmem>>) semaphore(%arg19 : memref<!tpu.dma_semaphore, #tpu.memory_space<semaphore_mem>>)
    %eq3A = arith.constant 0 : i32
    %eq3A_34 = arith.cmpi eq, %arg0, %eq3A : i32
    %lt3A = arith.constant 8 : i32
    %lt3A_35 = arith.cmpi slt, %arg1, %lt3A : i32
    %and3A = arith.andi %eq3A_34, %lt3A_35 : i1
    %eq3A_36 = arith.constant 1 : i32
    %eq3A_37 = arith.cmpi eq, %arg0, %eq3A_36 : i32
    %ge3A = arith.constant 8 : i32
    %ge3A_38 = arith.cmpi sge, %arg1, %ge3A : i32
    %and3A_39 = arith.andi %eq3A_37, %ge3A_38 : i1
    %or3A = arith.ori %and3A, %and3A_39 : i1
    %mul3A = arith.constant 640 : i32
    %mul3A_40 = arith.muli %arg1, %mul3A : i32
    %ne3A = arith.constant 15 : i32
    %ne3A_41 = arith.cmpi ne, %arg1, %ne3A : i32
    %and3A_42 = arith.andi %or3A, %ne3A_41 : i1
    %convert_element_type3A = arith.extui %and3A_42 : i1 to i32
    %cond3A = arith.constant 0 : i32
    %cond3A_43 = arith.cmpi ne, %convert_element_type3A, %cond3A : i32
    scf.if %cond3A_43 {
      "tpu.region"() ({
        %run_scoped3A = tpu.sem_alloc : memref<!tpu.dma_semaphore, #tpu.memory_space<semaphore_mem>>
        %dma_start3A_64 = arith.constant 0 : i32
        %dma_start3A_65 = tpu.memref_slice %arg9[%mul3A_40, %dma_start3A_64] : memref<10240x32xf32, #tpu.memory_space<vmem_shared>> -> memref<640x32xf32, #tpu.memory_space<vmem_shared>>
        %dma_start3A_66 = arith.constant 0 : i32
        %dma_start3A_67 = tpu.memref_slice %arg2[%mul3A_40, %dma_start3A_66] : memref<10000x32xf32, #tpu.memory_space<hbm>> -> memref<640x32xf32, #tpu.memory_space<hbm>>
        tpu.enqueue_dma source(%dma_start3A_67 : memref<640x32xf32, #tpu.memory_space<hbm>>) target(%dma_start3A_65 : memref<640x32xf32, #tpu.memory_space<vmem_shared>>) target_semaphore(%run_scoped3A : memref<!tpu.dma_semaphore, #tpu.memory_space<semaphore_mem>>)
        %dma_wait3A = arith.constant 0 : i32
        %dma_wait3A_68 = tpu.memref_slice %arg9[%mul3A_40, %dma_wait3A] : memref<10240x32xf32, #tpu.memory_space<vmem_shared>> -> memref<640x32xf32, #tpu.memory_space<vmem_shared>>
        %dma_wait3A_69 = arith.constant 0 : i32
        %dma_wait3A_70 = tpu.memref_slice %arg2[%mul3A_40, %dma_wait3A_69] : memref<10000x32xf32, #tpu.memory_space<hbm>> -> memref<640x32xf32, #tpu.memory_space<hbm>>
        tpu.wait_dma2 semaphore(%run_scoped3A : memref<!tpu.dma_semaphore, #tpu.memory_space<semaphore_mem>>) src(%dma_wait3A_70 : memref<640x32xf32, #tpu.memory_space<hbm>>) dst(%dma_wait3A_68 : memref<640x32xf32, #tpu.memory_space<vmem_shared>>)
        tpu.yield
      }) : () -> ()
    } else {
    }
    %eq3A_44 = arith.constant 15 : i32
    %eq3A_45 = arith.cmpi eq, %arg1, %eq3A_44 : i32
    %and3A_46 = arith.andi %or3A, %eq3A_45 : i1
    %convert_element_type3A_47 = arith.extui %and3A_46 : i1 to i32
    %cond3A_48 = arith.constant 0 : i32
    %cond3A_49 = arith.cmpi ne, %convert_element_type3A_47, %cond3A_48 : i32
    scf.if %cond3A_49 {
      "tpu.region"() ({
        %run_scoped3A = tpu.sem_alloc : memref<!tpu.dma_semaphore, #tpu.memory_space<semaphore_mem>>
        %dma_start3A_64 = arith.constant 0 : i32
        %dma_start3A_65 = tpu.memref_slice %arg9[%mul3A_40, %dma_start3A_64] : memref<10240x32xf32, #tpu.memory_space<vmem_shared>> -> memref<400x32xf32, #tpu.memory_space<vmem_shared>>
        %dma_start3A_66 = arith.constant 0 : i32
        %dma_start3A_67 = tpu.memref_slice %arg2[%mul3A_40, %dma_start3A_66] : memref<10000x32xf32, #tpu.memory_space<hbm>> -> memref<400x32xf32, #tpu.memory_space<hbm>>
        tpu.enqueue_dma source(%dma_start3A_67 : memref<400x32xf32, #tpu.memory_space<hbm>>) target(%dma_start3A_65 : memref<400x32xf32, #tpu.memory_space<vmem_shared>>) target_semaphore(%run_scoped3A : memref<!tpu.dma_semaphore, #tpu.memory_space<semaphore_mem>>)
        %dma_wait3A = arith.constant 0 : i32
        %dma_wait3A_68 = tpu.memref_slice %arg9[%mul3A_40, %dma_wait3A] : memref<10240x32xf32, #tpu.memory_space<vmem_shared>> -> memref<400x32xf32, #tpu.memory_space<vmem_shared>>
        %dma_wait3A_69 = arith.constant 0 : i32
        %dma_wait3A_70 = tpu.memref_slice %arg2[%mul3A_40, %dma_wait3A_69] : memref<10000x32xf32, #tpu.memory_space<hbm>> -> memref<400x32xf32, #tpu.memory_space<hbm>>
        tpu.wait_dma2 semaphore(%run_scoped3A : memref<!tpu.dma_semaphore, #tpu.memory_space<semaphore_mem>>) src(%dma_wait3A_70 : memref<400x32xf32, #tpu.memory_space<hbm>>) dst(%dma_wait3A_68 : memref<400x32xf32, #tpu.memory_space<vmem_shared>>)
        tpu.yield
      }) : () -> ()
      "tpu.region"() ({
        %run_scoped3A = tpu.sem_alloc : memref<!tpu.dma_semaphore, #tpu.memory_space<semaphore_mem>>
        %dma_start3A_64 = arith.constant 10000 : i32
        %dma_start3A_65 = arith.constant 0 : i32
        %dma_start3A_66 = tpu.memref_slice %arg9[%dma_start3A_64, %dma_start3A_65] : memref<10240x32xf32, #tpu.memory_space<vmem_shared>> -> memref<240x32xf32, #tpu.memory_space<vmem_shared>>
        %dma_start3A_67 = arith.constant 10000 : i32
        %dma_start3A_68 = arith.constant 0 : i32
        %dma_start3A_69 = tpu.memref_slice %arg5[%dma_start3A_67, %dma_start3A_68] : memref<10240x32xf32, #tpu.memory_space<hbm>> -> memref<240x32xf32, #tpu.memory_space<hbm>>
        tpu.enqueue_dma source(%dma_start3A_69 : memref<240x32xf32, #tpu.memory_space<hbm>>) target(%dma_start3A_66 : memref<240x32xf32, #tpu.memory_space<vmem_shared>>) target_semaphore(%run_scoped3A : memref<!tpu.dma_semaphore, #tpu.memory_space<semaphore_mem>>)
        %dma_wait3A = arith.constant 10000 : i32
        %dma_wait3A_70 = arith.constant 0 : i32
        %dma_wait3A_71 = tpu.memref_slice %arg9[%dma_wait3A, %dma_wait3A_70] : memref<10240x32xf32, #tpu.memory_space<vmem_shared>> -> memref<240x32xf32, #tpu.memory_space<vmem_shared>>
        %dma_wait3A_72 = arith.constant 10000 : i32
        %dma_wait3A_73 = arith.constant 0 : i32
        %dma_wait3A_74 = tpu.memref_slice %arg5[%dma_wait3A_72, %dma_wait3A_73] : memref<10240x32xf32, #tpu.memory_space<hbm>> -> memref<240x32xf32, #tpu.memory_space<hbm>>
        tpu.wait_dma2 semaphore(%run_scoped3A : memref<!tpu.dma_semaphore, #tpu.memory_space<semaphore_mem>>) src(%dma_wait3A_74 : memref<240x32xf32, #tpu.memory_space<hbm>>) dst(%dma_wait3A_71 : memref<240x32xf32, #tpu.memory_space<vmem_shared>>)
        tpu.yield
      }) : () -> ()
    } else {
    }
    %not3A = arith.constant true
    %not3A_50 = arith.xori %or3A, %not3A : i1
    %convert_element_type3A_51 = arith.extui %not3A_50 : i1 to i32
    %cond3A_52 = arith.constant 0 : i32
    %cond3A_53 = arith.cmpi ne, %convert_element_type3A_51, %cond3A_52 : i32
    scf.if %cond3A_53 {
      "tpu.region"() ({
        %run_scoped3A = tpu.sem_alloc : memref<!tpu.dma_semaphore, #tpu.memory_space<semaphore_mem>>
        %dma_start3A_64 = arith.constant 0 : i32
        %dma_start3A_65 = tpu.memref_slice %arg9[%mul3A_40, %dma_start3A_64] : memref<10240x32xf32, #tpu.memory_space<vmem_shared>> -> memref<640x32xf32, #tpu.memory_space<vmem_shared>>
        %dma_start3A_66 = arith.constant 0 : i32
        %dma_start3A_67 = tpu.memref_slice %arg5[%mul3A_40, %dma_start3A_66] : memref<10240x32xf32, #tpu.memory_space<hbm>> -> memref<640x32xf32, #tpu.memory_space<hbm>>
        tpu.enqueue_dma source(%dma_start3A_67 : memref<640x32xf32, #tpu.memory_space<hbm>>) target(%dma_start3A_65 : memref<640x32xf32, #tpu.memory_space<vmem_shared>>) target_semaphore(%run_scoped3A : memref<!tpu.dma_semaphore, #tpu.memory_space<semaphore_mem>>)
        %dma_wait3A = arith.constant 0 : i32
        %dma_wait3A_68 = tpu.memref_slice %arg9[%mul3A_40, %dma_wait3A] : memref<10240x32xf32, #tpu.memory_space<vmem_shared>> -> memref<640x32xf32, #tpu.memory_space<vmem_shared>>
        %dma_wait3A_69 = arith.constant 0 : i32
        %dma_wait3A_70 = tpu.memref_slice %arg5[%mul3A_40, %dma_wait3A_69] : memref<10240x32xf32, #tpu.memory_space<hbm>> -> memref<640x32xf32, #tpu.memory_space<hbm>>
        tpu.wait_dma2 semaphore(%run_scoped3A : memref<!tpu.dma_semaphore, #tpu.memory_space<semaphore_mem>>) src(%dma_wait3A_70 : memref<640x32xf32, #tpu.memory_space<hbm>>) dst(%dma_wait3A_68 : memref<640x32xf32, #tpu.memory_space<vmem_shared>>)
        tpu.yield
      }) : () -> ()
    } else {
    }
    %barrier3A = arith.constant 0 : index
    tpu.barrier barrier_id(%barrier3A)
    %scan3A = arith.constant 0 : i32
    %scan3A_54 = arith.constant 0 : i32
    %scan3A_55 = arith.constant 20 : i32
    %scan3A_56 = arith.addi %scan3A_54, %scan3A_55 : i32
    %scan3A_57 = arith.constant 1 : i32
    scf.for %scan3A_64 = %scan3A_54 to %scan3A_56 step %scan3A_57  : i32 {
      %mul3A_65 = arith.constant 5 : i32
      %mul3A_66 = arith.muli %scan3A_64, %mul3A_65 : i32
      %add3A = arith.constant 0 : i32
      %add3A_67 = arith.addi %mul3A_66, %add3A : i32
      %dma_wait3A = arith.constant 0 : i32
      %dma_wait3A_68 = arith.constant 0 : i32
      %dma_wait3A_69 = tpu.memref_slice %arg7[%dma_wait3A, %dma_wait3A_68] : memref<100x50xi32, #tpu.memory_space<vmem>> -> memref<1x50xi32, #tpu.memory_space<vmem>>
      %dma_wait3A_70 = tpu.memref_squeeze %dma_wait3A_69 : memref<1x50xi32, #tpu.memory_space<vmem>> -> memref<50xi32, #tpu.memory_space<vmem>>
      %dma_wait3A_71 = arith.constant 0 : i32
      %dma_wait3A_72 = arith.constant 0 : i32
      %dma_wait3A_73 = tpu.memref_slice %arg2[%dma_wait3A_71, %dma_wait3A_72] : memref<10000x32xf32, #tpu.memory_space<hbm>> -> memref<10000x32xf32, #tpu.memory_space<hbm>>
      tpu.wait_indirect_dma semaphore(%arg15 : memref<!tpu.dma_semaphore, #tpu.memory_space<semaphore_mem>>) src(%dma_wait3A_73 : memref<10000x32xf32, #tpu.memory_space<hbm>>) dst(%arg10 : memref<50x32xf32, #tpu.memory_space<vmem>>)
      "tpu.region"() ({
        %run_scoped3A = tpu.sem_alloc : memref<!tpu.dma_semaphore, #tpu.memory_space<semaphore_mem>>
        %dma_start3A_153 = arith.constant 0 : i32
        %dma_start3A_154 = tpu.memref_slice %arg8[%add3A_67, %dma_start3A_153] : memref<100x50xi32, #tpu.memory_space<vmem>> -> memref<1x50xi32, #tpu.memory_space<vmem>>
        %dma_start3A_155 = tpu.memref_squeeze %dma_start3A_154 : memref<1x50xi32, #tpu.memory_space<vmem>> -> memref<50xi32, #tpu.memory_space<vmem>>
        %dma_start3A_156 = arith.constant 0 : i32
        %dma_start3A_157 = arith.constant 0 : i32
        %dma_start3A_158 = tpu.memref_slice %arg9[%dma_start3A_156, %dma_start3A_157] : memref<10240x32xf32, #tpu.memory_space<vmem_shared>> -> memref<10240x32xf32, #tpu.memory_space<vmem_shared>>
        tpu.enqueue_indirect_dma source(%arg10 : memref<50x32xf32, #tpu.memory_space<vmem>>) target(%dma_start3A_158 : memref<10240x32xf32, #tpu.memory_space<vmem_shared>>) offsets(%dma_start3A_155 : memref<50xi32, #tpu.memory_space<vmem>>) semaphore(%run_scoped3A : memref<!tpu.dma_semaphore, #tpu.memory_space<semaphore_mem>>) {add = true}
        %dma_wait3A_159 = arith.constant 0 : i32
        %dma_wait3A_160 = tpu.memref_slice %arg8[%add3A_67, %dma_wait3A_159] : memref<100x50xi32, #tpu.memory_space<vmem>> -> memref<1x50xi32, #tpu.memory_space<vmem>>
        %dma_wait3A_161 = tpu.memref_squeeze %dma_wait3A_160 : memref<1x50xi32, #tpu.memory_space<vmem>> -> memref<50xi32, #tpu.memory_space<vmem>>
        %dma_wait3A_162 = arith.constant 0 : i32
        %dma_wait3A_163 = arith.constant 0 : i32
        %dma_wait3A_164 = tpu.memref_slice %arg9[%dma_wait3A_162, %dma_wait3A_163] : memref<10240x32xf32, #tpu.memory_space<vmem_shared>> -> memref<10240x32xf32, #tpu.memory_space<vmem_shared>>
        tpu.wait_indirect_dma semaphore(%run_scoped3A : memref<!tpu.dma_semaphore, #tpu.memory_space<semaphore_mem>>) src(%arg10 : memref<50x32xf32, #tpu.memory_space<vmem>>) dst(%dma_wait3A_164 : memref<10240x32xf32, #tpu.memory_space<vmem_shared>>)
        tpu.yield
      }) : () -> ()
      %add3A_74 = arith.constant 1 : i32
      %add3A_75 = arith.addi %scan3A_64, %add3A_74 : i32
      %lt3A_76 = arith.constant 20 : i32
      %lt3A_77 = arith.cmpi slt, %add3A_75, %lt3A_76 : i32
      %convert_element_type3A_78 = arith.extui %lt3A_77 : i1 to i32
      %cond3A_79 = arith.constant 0 : i32
      %cond3A_80 = arith.cmpi ne, %convert_element_type3A_78, %cond3A_79 : i32
      scf.if %cond3A_80 {
        %add3A_153 = arith.constant 5 : i32
        %add3A_154 = arith.addi %add3A_67, %add3A_153 : i32
        %dma_start3A_155 = arith.constant 0 : i32
        %dma_start3A_156 = tpu.memref_slice %arg7[%add3A_154, %dma_start3A_155] : memref<100x50xi32, #tpu.memory_space<vmem>> -> memref<1x50xi32, #tpu.memory_space<vmem>>
        %dma_start3A_157 = tpu.memref_squeeze %dma_start3A_156 : memref<1x50xi32, #tpu.memory_space<vmem>> -> memref<50xi32, #tpu.memory_space<vmem>>
        %dma_start3A_158 = arith.constant 0 : i32
        %dma_start3A_159 = arith.constant 0 : i32
        %dma_start3A_160 = tpu.memref_slice %arg2[%dma_start3A_158, %dma_start3A_159] : memref<10000x32xf32, #tpu.memory_space<hbm>> -> memref<10000x32xf32, #tpu.memory_space<hbm>>
        tpu.enqueue_indirect_dma source(%dma_start3A_160 : memref<10000x32xf32, #tpu.memory_space<hbm>>) target(%arg10 : memref<50x32xf32, #tpu.memory_space<vmem>>) offsets(%dma_start3A_157 : memref<50xi32, #tpu.memory_space<vmem>>) semaphore(%arg15 : memref<!tpu.dma_semaphore, #tpu.memory_space<semaphore_mem>>)
      } else {
      }
      %mul3A_81 = arith.constant 5 : i32
      %mul3A_82 = arith.muli %scan3A_64, %mul3A_81 : i32
      %add3A_83 = arith.constant 1 : i32
      %add3A_84 = arith.addi %mul3A_82, %add3A_83 : i32
      %dma_wait3A_85 = arith.constant 0 : i32
      %dma_wait3A_86 = arith.constant 0 : i32
      %dma_wait3A_87 = tpu.memref_slice %arg7[%dma_wait3A_85, %dma_wait3A_86] : memref<100x50xi32, #tpu.memory_space<vmem>> -> memref<1x50xi32, #tpu.memory_space<vmem>>
      %dma_wait3A_88 = tpu.memref_squeeze %dma_wait3A_87 : memref<1x50xi32, #tpu.memory_space<vmem>> -> memref<50xi32, #tpu.memory_space<vmem>>
      %dma_wait3A_89 = arith.constant 0 : i32
      %dma_wait3A_90 = arith.constant 0 : i32
      %dma_wait3A_91 = tpu.memref_slice %arg2[%dma_wait3A_89, %dma_wait3A_90] : memref<10000x32xf32, #tpu.memory_space<hbm>> -> memref<10000x32xf32, #tpu.memory_space<hbm>>
      tpu.wait_indirect_dma semaphore(%arg16 : memref<!tpu.dma_semaphore, #tpu.memory_space<semaphore_mem>>) src(%dma_wait3A_91 : memref<10000x32xf32, #tpu.memory_space<hbm>>) dst(%arg11 : memref<50x32xf32, #tpu.memory_space<vmem>>)
      "tpu.region"() ({
        %run_scoped3A = tpu.sem_alloc : memref<!tpu.dma_semaphore, #tpu.memory_space<semaphore_mem>>
        %dma_start3A_153 = arith.constant 0 : i32
        %dma_start3A_154 = tpu.memref_slice %arg8[%add3A_84, %dma_start3A_153] : memref<100x50xi32, #tpu.memory_space<vmem>> -> memref<1x50xi32, #tpu.memory_space<vmem>>
        %dma_start3A_155 = tpu.memref_squeeze %dma_start3A_154 : memref<1x50xi32, #tpu.memory_space<vmem>> -> memref<50xi32, #tpu.memory_space<vmem>>
        %dma_start3A_156 = arith.constant 0 : i32
        %dma_start3A_157 = arith.constant 0 : i32
        %dma_start3A_158 = tpu.memref_slice %arg9[%dma_start3A_156, %dma_start3A_157] : memref<10240x32xf32, #tpu.memory_space<vmem_shared>> -> memref<10240x32xf32, #tpu.memory_space<vmem_shared>>
        tpu.enqueue_indirect_dma source(%arg11 : memref<50x32xf32, #tpu.memory_space<vmem>>) target(%dma_start3A_158 : memref<10240x32xf32, #tpu.memory_space<vmem_shared>>) offsets(%dma_start3A_155 : memref<50xi32, #tpu.memory_space<vmem>>) semaphore(%run_scoped3A : memref<!tpu.dma_semaphore, #tpu.memory_space<semaphore_mem>>) {add = true}
        %dma_wait3A_159 = arith.constant 0 : i32
        %dma_wait3A_160 = tpu.memref_slice %arg8[%add3A_84, %dma_wait3A_159] : memref<100x50xi32, #tpu.memory_space<vmem>> -> memref<1x50xi32, #tpu.memory_space<vmem>>
        %dma_wait3A_161 = tpu.memref_squeeze %dma_wait3A_160 : memref<1x50xi32, #tpu.memory_space<vmem>> -> memref<50xi32, #tpu.memory_space<vmem>>
        %dma_wait3A_162 = arith.constant 0 : i32
        %dma_wait3A_163 = arith.constant 0 : i32
        %dma_wait3A_164 = tpu.memref_slice %arg9[%dma_wait3A_162, %dma_wait3A_163] : memref<10240x32xf32, #tpu.memory_space<vmem_shared>> -> memref<10240x32xf32, #tpu.memory_space<vmem_shared>>
        tpu.wait_indirect_dma semaphore(%run_scoped3A : memref<!tpu.dma_semaphore, #tpu.memory_space<semaphore_mem>>) src(%arg11 : memref<50x32xf32, #tpu.memory_space<vmem>>) dst(%dma_wait3A_164 : memref<10240x32xf32, #tpu.memory_space<vmem_shared>>)
        tpu.yield
      }) : () -> ()
      %add3A_92 = arith.constant 1 : i32
      %add3A_93 = arith.addi %scan3A_64, %add3A_92 : i32
      %lt3A_94 = arith.constant 20 : i32
      %lt3A_95 = arith.cmpi slt, %add3A_93, %lt3A_94 : i32
      %convert_element_type3A_96 = arith.extui %lt3A_95 : i1 to i32
      %cond3A_97 = arith.constant 0 : i32
      %cond3A_98 = arith.cmpi ne, %convert_element_type3A_96, %cond3A_97 : i32
      scf.if %cond3A_98 {
        %add3A_153 = arith.constant 5 : i32
        %add3A_154 = arith.addi %add3A_84, %add3A_153 : i32
        %dma_start3A_155 = arith.constant 0 : i32
        %dma_start3A_156 = tpu.memref_slice %arg7[%add3A_154, %dma_start3A_155] : memref<100x50xi32, #tpu.memory_space<vmem>> -> memref<1x50xi32, #tpu.memory_space<vmem>>
        %dma_start3A_157 = tpu.memref_squeeze %dma_start3A_156 : memref<1x50xi32, #tpu.memory_space<vmem>> -> memref<50xi32, #tpu.memory_space<vmem>>
        %dma_start3A_158 = arith.constant 0 : i32
        %dma_start3A_159 = arith.constant 0 : i32
        %dma_start3A_160 = tpu.memref_slice %arg2[%dma_start3A_158, %dma_start3A_159] : memref<10000x32xf32, #tpu.memory_space<hbm>> -> memref<10000x32xf32, #tpu.memory_space<hbm>>
        tpu.enqueue_indirect_dma source(%dma_start3A_160 : memref<10000x32xf32, #tpu.memory_space<hbm>>) target(%arg11 : memref<50x32xf32, #tpu.memory_space<vmem>>) offsets(%dma_start3A_157 : memref<50xi32, #tpu.memory_space<vmem>>) semaphore(%arg16 : memref<!tpu.dma_semaphore, #tpu.memory_space<semaphore_mem>>)
      } else {
      }
      %mul3A_99 = arith.constant 5 : i32
      %mul3A_100 = arith.muli %scan3A_64, %mul3A_99 : i32
      %add3A_101 = arith.constant 2 : i32
      %add3A_102 = arith.addi %mul3A_100, %add3A_101 : i32
      %dma_wait3A_103 = arith.constant 0 : i32
      %dma_wait3A_104 = arith.constant 0 : i32
      %dma_wait3A_105 = tpu.memref_slice %arg7[%dma_wait3A_103, %dma_wait3A_104] : memref<100x50xi32, #tpu.memory_space<vmem>> -> memref<1x50xi32, #tpu.memory_space<vmem>>
      %dma_wait3A_106 = tpu.memref_squeeze %dma_wait3A_105 : memref<1x50xi32, #tpu.memory_space<vmem>> -> memref<50xi32, #tpu.memory_space<vmem>>
      %dma_wait3A_107 = arith.constant 0 : i32
      %dma_wait3A_108 = arith.constant 0 : i32
      %dma_wait3A_109 = tpu.memref_slice %arg2[%dma_wait3A_107, %dma_wait3A_108] : memref<10000x32xf32, #tpu.memory_space<hbm>> -> memref<10000x32xf32, #tpu.memory_space<hbm>>
      tpu.wait_indirect_dma semaphore(%arg17 : memref<!tpu.dma_semaphore, #tpu.memory_space<semaphore_mem>>) src(%dma_wait3A_109 : memref<10000x32xf32, #tpu.memory_space<hbm>>) dst(%arg12 : memref<50x32xf32, #tpu.memory_space<vmem>>)
      "tpu.region"() ({
        %run_scoped3A = tpu.sem_alloc : memref<!tpu.dma_semaphore, #tpu.memory_space<semaphore_mem>>
        %dma_start3A_153 = arith.constant 0 : i32
        %dma_start3A_154 = tpu.memref_slice %arg8[%add3A_102, %dma_start3A_153] : memref<100x50xi32, #tpu.memory_space<vmem>> -> memref<1x50xi32, #tpu.memory_space<vmem>>
        %dma_start3A_155 = tpu.memref_squeeze %dma_start3A_154 : memref<1x50xi32, #tpu.memory_space<vmem>> -> memref<50xi32, #tpu.memory_space<vmem>>
        %dma_start3A_156 = arith.constant 0 : i32
        %dma_start3A_157 = arith.constant 0 : i32
        %dma_start3A_158 = tpu.memref_slice %arg9[%dma_start3A_156, %dma_start3A_157] : memref<10240x32xf32, #tpu.memory_space<vmem_shared>> -> memref<10240x32xf32, #tpu.memory_space<vmem_shared>>
        tpu.enqueue_indirect_dma source(%arg12 : memref<50x32xf32, #tpu.memory_space<vmem>>) target(%dma_start3A_158 : memref<10240x32xf32, #tpu.memory_space<vmem_shared>>) offsets(%dma_start3A_155 : memref<50xi32, #tpu.memory_space<vmem>>) semaphore(%run_scoped3A : memref<!tpu.dma_semaphore, #tpu.memory_space<semaphore_mem>>) {add = true}
        %dma_wait3A_159 = arith.constant 0 : i32
        %dma_wait3A_160 = tpu.memref_slice %arg8[%add3A_102, %dma_wait3A_159] : memref<100x50xi32, #tpu.memory_space<vmem>> -> memref<1x50xi32, #tpu.memory_space<vmem>>
        %dma_wait3A_161 = tpu.memref_squeeze %dma_wait3A_160 : memref<1x50xi32, #tpu.memory_space<vmem>> -> memref<50xi32, #tpu.memory_space<vmem>>
        %dma_wait3A_162 = arith.constant 0 : i32
        %dma_wait3A_163 = arith.constant 0 : i32
        %dma_wait3A_164 = tpu.memref_slice %arg9[%dma_wait3A_162, %dma_wait3A_163] : memref<10240x32xf32, #tpu.memory_space<vmem_shared>> -> memref<10240x32xf32, #tpu.memory_space<vmem_shared>>
        tpu.wait_indirect_dma semaphore(%run_scoped3A : memref<!tpu.dma_semaphore, #tpu.memory_space<semaphore_mem>>) src(%arg12 : memref<50x32xf32, #tpu.memory_space<vmem>>) dst(%dma_wait3A_164 : memref<10240x32xf32, #tpu.memory_space<vmem_shared>>)
        tpu.yield
      }) : () -> ()
      %add3A_110 = arith.constant 1 : i32
      %add3A_111 = arith.addi %scan3A_64, %add3A_110 : i32
      %lt3A_112 = arith.constant 20 : i32
      %lt3A_113 = arith.cmpi slt, %add3A_111, %lt3A_112 : i32
      %convert_element_type3A_114 = arith.extui %lt3A_113 : i1 to i32
      %cond3A_115 = arith.constant 0 : i32
      %cond3A_116 = arith.cmpi ne, %convert_element_type3A_114, %cond3A_115 : i32
      scf.if %cond3A_116 {
        %add3A_153 = arith.constant 5 : i32
        %add3A_154 = arith.addi %add3A_102, %add3A_153 : i32
        %dma_start3A_155 = arith.constant 0 : i32
        %dma_start3A_156 = tpu.memref_slice %arg7[%add3A_154, %dma_start3A_155] : memref<100x50xi32, #tpu.memory_space<vmem>> -> memref<1x50xi32, #tpu.memory_space<vmem>>
        %dma_start3A_157 = tpu.memref_squeeze %dma_start3A_156 : memref<1x50xi32, #tpu.memory_space<vmem>> -> memref<50xi32, #tpu.memory_space<vmem>>
        %dma_start3A_158 = arith.constant 0 : i32
        %dma_start3A_159 = arith.constant 0 : i32
        %dma_start3A_160 = tpu.memref_slice %arg2[%dma_start3A_158, %dma_start3A_159] : memref<10000x32xf32, #tpu.memory_space<hbm>> -> memref<10000x32xf32, #tpu.memory_space<hbm>>
        tpu.enqueue_indirect_dma source(%dma_start3A_160 : memref<10000x32xf32, #tpu.memory_space<hbm>>) target(%arg12 : memref<50x32xf32, #tpu.memory_space<vmem>>) offsets(%dma_start3A_157 : memref<50xi32, #tpu.memory_space<vmem>>) semaphore(%arg17 : memref<!tpu.dma_semaphore, #tpu.memory_space<semaphore_mem>>)
      } else {
      }
      %mul3A_117 = arith.constant 5 : i32
      %mul3A_118 = arith.muli %scan3A_64, %mul3A_117 : i32
      %add3A_119 = arith.constant 3 : i32
      %add3A_120 = arith.addi %mul3A_118, %add3A_119 : i32
      %dma_wait3A_121 = arith.constant 0 : i32
      %dma_wait3A_122 = arith.constant 0 : i32
      %dma_wait3A_123 = tpu.memref_slice %arg7[%dma_wait3A_121, %dma_wait3A_122] : memref<100x50xi32, #tpu.memory_space<vmem>> -> memref<1x50xi32, #tpu.memory_space<vmem>>
      %dma_wait3A_124 = tpu.memref_squeeze %dma_wait3A_123 : memref<1x50xi32, #tpu.memory_space<vmem>> -> memref<50xi32, #tpu.memory_space<vmem>>
      %dma_wait3A_125 = arith.constant 0 : i32
      %dma_wait3A_126 = arith.constant 0 : i32
      %dma_wait3A_127 = tpu.memref_slice %arg2[%dma_wait3A_125, %dma_wait3A_126] : memref<10000x32xf32, #tpu.memory_space<hbm>> -> memref<10000x32xf32, #tpu.memory_space<hbm>>
      tpu.wait_indirect_dma semaphore(%arg18 : memref<!tpu.dma_semaphore, #tpu.memory_space<semaphore_mem>>) src(%dma_wait3A_127 : memref<10000x32xf32, #tpu.memory_space<hbm>>) dst(%arg13 : memref<50x32xf32, #tpu.memory_space<vmem>>)
      "tpu.region"() ({
        %run_scoped3A = tpu.sem_alloc : memref<!tpu.dma_semaphore, #tpu.memory_space<semaphore_mem>>
        %dma_start3A_153 = arith.constant 0 : i32
        %dma_start3A_154 = tpu.memref_slice %arg8[%add3A_120, %dma_start3A_153] : memref<100x50xi32, #tpu.memory_space<vmem>> -> memref<1x50xi32, #tpu.memory_space<vmem>>
        %dma_start3A_155 = tpu.memref_squeeze %dma_start3A_154 : memref<1x50xi32, #tpu.memory_space<vmem>> -> memref<50xi32, #tpu.memory_space<vmem>>
        %dma_start3A_156 = arith.constant 0 : i32
        %dma_start3A_157 = arith.constant 0 : i32
        %dma_start3A_158 = tpu.memref_slice %arg9[%dma_start3A_156, %dma_start3A_157] : memref<10240x32xf32, #tpu.memory_space<vmem_shared>> -> memref<10240x32xf32, #tpu.memory_space<vmem_shared>>
        tpu.enqueue_indirect_dma source(%arg13 : memref<50x32xf32, #tpu.memory_space<vmem>>) target(%dma_start3A_158 : memref<10240x32xf32, #tpu.memory_space<vmem_shared>>) offsets(%dma_start3A_155 : memref<50xi32, #tpu.memory_space<vmem>>) semaphore(%run_scoped3A : memref<!tpu.dma_semaphore, #tpu.memory_space<semaphore_mem>>) {add = true}
        %dma_wait3A_159 = arith.constant 0 : i32
        %dma_wait3A_160 = tpu.memref_slice %arg8[%add3A_120, %dma_wait3A_159] : memref<100x50xi32, #tpu.memory_space<vmem>> -> memref<1x50xi32, #tpu.memory_space<vmem>>
        %dma_wait3A_161 = tpu.memref_squeeze %dma_wait3A_160 : memref<1x50xi32, #tpu.memory_space<vmem>> -> memref<50xi32, #tpu.memory_space<vmem>>
        %dma_wait3A_162 = arith.constant 0 : i32
        %dma_wait3A_163 = arith.constant 0 : i32
        %dma_wait3A_164 = tpu.memref_slice %arg9[%dma_wait3A_162, %dma_wait3A_163] : memref<10240x32xf32, #tpu.memory_space<vmem_shared>> -> memref<10240x32xf32, #tpu.memory_space<vmem_shared>>
        tpu.wait_indirect_dma semaphore(%run_scoped3A : memref<!tpu.dma_semaphore, #tpu.memory_space<semaphore_mem>>) src(%arg13 : memref<50x32xf32, #tpu.memory_space<vmem>>) dst(%dma_wait3A_164 : memref<10240x32xf32, #tpu.memory_space<vmem_shared>>)
        tpu.yield
      }) : () -> ()
      %add3A_128 = arith.constant 1 : i32
      %add3A_129 = arith.addi %scan3A_64, %add3A_128 : i32
      %lt3A_130 = arith.constant 20 : i32
      %lt3A_131 = arith.cmpi slt, %add3A_129, %lt3A_130 : i32
      %convert_element_type3A_132 = arith.extui %lt3A_131 : i1 to i32
      %cond3A_133 = arith.constant 0 : i32
      %cond3A_134 = arith.cmpi ne, %convert_element_type3A_132, %cond3A_133 : i32
      scf.if %cond3A_134 {
        %add3A_153 = arith.constant 5 : i32
        %add3A_154 = arith.addi %add3A_120, %add3A_153 : i32
        %dma_start3A_155 = arith.constant 0 : i32
        %dma_start3A_156 = tpu.memref_slice %arg7[%add3A_154, %dma_start3A_155] : memref<100x50xi32, #tpu.memory_space<vmem>> -> memref<1x50xi32, #tpu.memory_space<vmem>>
        %dma_start3A_157 = tpu.memref_squeeze %dma_start3A_156 : memref<1x50xi32, #tpu.memory_space<vmem>> -> memref<50xi32, #tpu.memory_space<vmem>>
        %dma_start3A_158 = arith.constant 0 : i32
        %dma_start3A_159 = arith.constant 0 : i32
        %dma_start3A_160 = tpu.memref_slice %arg2[%dma_start3A_158, %dma_start3A_159] : memref<10000x32xf32, #tpu.memory_space<hbm>> -> memref<10000x32xf32, #tpu.memory_space<hbm>>
        tpu.enqueue_indirect_dma source(%dma_start3A_160 : memref<10000x32xf32, #tpu.memory_space<hbm>>) target(%arg13 : memref<50x32xf32, #tpu.memory_space<vmem>>) offsets(%dma_start3A_157 : memref<50xi32, #tpu.memory_space<vmem>>) semaphore(%arg18 : memref<!tpu.dma_semaphore, #tpu.memory_space<semaphore_mem>>)
      } else {
      }
      %mul3A_135 = arith.constant 5 : i32
      %mul3A_136 = arith.muli %scan3A_64, %mul3A_135 : i32
      %add3A_137 = arith.constant 4 : i32
      %add3A_138 = arith.addi %mul3A_136, %add3A_137 : i32
      %dma_wait3A_139 = arith.constant 0 : i32
      %dma_wait3A_140 = arith.constant 0 : i32
      %dma_wait3A_141 = tpu.memref_slice %arg7[%dma_wait3A_139, %dma_wait3A_140] : memref<100x50xi32, #tpu.memory_space<vmem>> -> memref<1x50xi32, #tpu.memory_space<vmem>>
      %dma_wait3A_142 = tpu.memref_squeeze %dma_wait3A_141 : memref<1x50xi32, #tpu.memory_space<vmem>> -> memref<50xi32, #tpu.memory_space<vmem>>
      %dma_wait3A_143 = arith.constant 0 : i32
      %dma_wait3A_144 = arith.constant 0 : i32
      %dma_wait3A_145 = tpu.memref_slice %arg2[%dma_wait3A_143, %dma_wait3A_144] : memref<10000x32xf32, #tpu.memory_space<hbm>> -> memref<10000x32xf32, #tpu.memory_space<hbm>>
      tpu.wait_indirect_dma semaphore(%arg19 : memref<!tpu.dma_semaphore, #tpu.memory_space<semaphore_mem>>) src(%dma_wait3A_145 : memref<10000x32xf32, #tpu.memory_space<hbm>>) dst(%arg14 : memref<50x32xf32, #tpu.memory_space<vmem>>)
      "tpu.region"() ({
        %run_scoped3A = tpu.sem_alloc : memref<!tpu.dma_semaphore, #tpu.memory_space<semaphore_mem>>
        %dma_start3A_153 = arith.constant 0 : i32
        %dma_start3A_154 = tpu.memref_slice %arg8[%add3A_138, %dma_start3A_153] : memref<100x50xi32, #tpu.memory_space<vmem>> -> memref<1x50xi32, #tpu.memory_space<vmem>>
        %dma_start3A_155 = tpu.memref_squeeze %dma_start3A_154 : memref<1x50xi32, #tpu.memory_space<vmem>> -> memref<50xi32, #tpu.memory_space<vmem>>
        %dma_start3A_156 = arith.constant 0 : i32
        %dma_start3A_157 = arith.constant 0 : i32
        %dma_start3A_158 = tpu.memref_slice %arg9[%dma_start3A_156, %dma_start3A_157] : memref<10240x32xf32, #tpu.memory_space<vmem_shared>> -> memref<10240x32xf32, #tpu.memory_space<vmem_shared>>
        tpu.enqueue_indirect_dma source(%arg14 : memref<50x32xf32, #tpu.memory_space<vmem>>) target(%dma_start3A_158 : memref<10240x32xf32, #tpu.memory_space<vmem_shared>>) offsets(%dma_start3A_155 : memref<50xi32, #tpu.memory_space<vmem>>) semaphore(%run_scoped3A : memref<!tpu.dma_semaphore, #tpu.memory_space<semaphore_mem>>) {add = true}
        %dma_wait3A_159 = arith.constant 0 : i32
        %dma_wait3A_160 = tpu.memref_slice %arg8[%add3A_138, %dma_wait3A_159] : memref<100x50xi32, #tpu.memory_space<vmem>> -> memref<1x50xi32, #tpu.memory_space<vmem>>
        %dma_wait3A_161 = tpu.memref_squeeze %dma_wait3A_160 : memref<1x50xi32, #tpu.memory_space<vmem>> -> memref<50xi32, #tpu.memory_space<vmem>>
        %dma_wait3A_162 = arith.constant 0 : i32
        %dma_wait3A_163 = arith.constant 0 : i32
        %dma_wait3A_164 = tpu.memref_slice %arg9[%dma_wait3A_162, %dma_wait3A_163] : memref<10240x32xf32, #tpu.memory_space<vmem_shared>> -> memref<10240x32xf32, #tpu.memory_space<vmem_shared>>
        tpu.wait_indirect_dma semaphore(%run_scoped3A : memref<!tpu.dma_semaphore, #tpu.memory_space<semaphore_mem>>) src(%arg14 : memref<50x32xf32, #tpu.memory_space<vmem>>) dst(%dma_wait3A_164 : memref<10240x32xf32, #tpu.memory_space<vmem_shared>>)
        tpu.yield
      }) : () -> ()
      %add3A_146 = arith.constant 1 : i32
      %add3A_147 = arith.addi %scan3A_64, %add3A_146 : i32
      %lt3A_148 = arith.constant 20 : i32
      %lt3A_149 = arith.cmpi slt, %add3A_147, %lt3A_148 : i32
      %convert_element_type3A_150 = arith.extui %lt3A_149 : i1 to i32
      %cond3A_151 = arith.constant 0 : i32
      %cond3A_152 = arith.cmpi ne, %convert_element_type3A_150, %cond3A_151 : i32
      scf.if %cond3A_152 {
        %add3A_153 = arith.constant 5 : i32
        %add3A_154 = arith.addi %add3A_138, %add3A_153 : i32
        %dma_start3A_155 = arith.constant 0 : i32
        %dma_start3A_156 = tpu.memref_slice %arg7[%add3A_154, %dma_start3A_155] : memref<100x50xi32, #tpu.memory_space<vmem>> -> memref<1x50xi32, #tpu.memory_space<vmem>>
        %dma_start3A_157 = tpu.memref_squeeze %dma_start3A_156 : memref<1x50xi32, #tpu.memory_space<vmem>> -> memref<50xi32, #tpu.memory_space<vmem>>
        %dma_start3A_158 = arith.constant 0 : i32
        %dma_start3A_159 = arith.constant 0 : i32
        %dma_start3A_160 = tpu.memref_slice %arg2[%dma_start3A_158, %dma_start3A_159] : memref<10000x32xf32, #tpu.memory_space<hbm>> -> memref<10000x32xf32, #tpu.memory_space<hbm>>
        tpu.enqueue_indirect_dma source(%dma_start3A_160 : memref<10000x32xf32, #tpu.memory_space<hbm>>) target(%arg14 : memref<50x32xf32, #tpu.memory_space<vmem>>) offsets(%dma_start3A_157 : memref<50xi32, #tpu.memory_space<vmem>>) semaphore(%arg19 : memref<!tpu.dma_semaphore, #tpu.memory_space<semaphore_mem>>)
      } else {
      }
    }
    %scan3A_58 = arith.constant 20 : i32
    %barrier3A_59 = arith.constant 0 : index
    tpu.barrier barrier_id(%barrier3A_59)
    %mul3A_60 = arith.constant 640 : i32
    %mul3A_61 = arith.muli %arg1, %mul3A_60 : i32
    %mul3A_62 = arith.constant 640 : i32
    %mul3A_63 = arith.muli %arg1, %mul3A_62 : i32
    "tpu.region"() ({
      %run_scoped3A = tpu.sem_alloc : memref<!tpu.dma_semaphore, #tpu.memory_space<semaphore_mem>>
      %dma_start3A_64 = arith.constant 0 : i32
      %dma_start3A_65 = tpu.memref_slice %arg6[%arg0, %mul3A_63, %dma_start3A_64] : memref<2x10240x32xf32, #tpu.memory_space<hbm>> -> memref<1x640x32xf32, #tpu.memory_space<hbm>>
      %dma_start3A_66 = tpu.memref_squeeze %dma_start3A_65 : memref<1x640x32xf32, #tpu.memory_space<hbm>> -> memref<640x32xf32, #tpu.memory_space<hbm>>
      %dma_start3A_67 = arith.constant 0 : i32
      %dma_start3A_68 = tpu.memref_slice %arg9[%mul3A_61, %dma_start3A_67] : memref<10240x32xf32, #tpu.memory_space<vmem_shared>> -> memref<640x32xf32, #tpu.memory_space<vmem_shared>>
      tpu.enqueue_dma source(%dma_start3A_68 : memref<640x32xf32, #tpu.memory_space<vmem_shared>>) target(%dma_start3A_66 : memref<640x32xf32, #tpu.memory_space<hbm>>) target_semaphore(%run_scoped3A : memref<!tpu.dma_semaphore, #tpu.memory_space<semaphore_mem>>)
      %dma_wait3A = arith.constant 0 : i32
      %dma_wait3A_69 = tpu.memref_slice %arg6[%arg0, %mul3A_63, %dma_wait3A] : memref<2x10240x32xf32, #tpu.memory_space<hbm>> -> memref<1x640x32xf32, #tpu.memory_space<hbm>>
      %dma_wait3A_70 = tpu.memref_squeeze %dma_wait3A_69 : memref<1x640x32xf32, #tpu.memory_space<hbm>> -> memref<640x32xf32, #tpu.memory_space<hbm>>
      %dma_wait3A_71 = arith.constant 0 : i32
      %dma_wait3A_72 = tpu.memref_slice %arg9[%mul3A_61, %dma_wait3A_71] : memref<10240x32xf32, #tpu.memory_space<vmem_shared>> -> memref<640x32xf32, #tpu.memory_space<vmem_shared>>
      tpu.wait_dma2 semaphore(%run_scoped3A : memref<!tpu.dma_semaphore, #tpu.memory_space<semaphore_mem>>) src(%dma_wait3A_72 : memref<640x32xf32, #tpu.memory_space<vmem_shared>>) dst(%dma_wait3A_70 : memref<640x32xf32, #tpu.memory_space<hbm>>)
      tpu.yield
    }) : () -> ()
    return
  }
}

#map = affine_map<(d0, d1) -> (0, 0)>
#map1 = affine_map<(d0, d1) -> (0, 0, 0, 0)>
#map2 = affine_map<(d0, d1) -> (0, 0, 0)>
module attributes {stable_mosaic.version = 14 : i64} {
  func.func @body(%arg0: i32, %arg1: i32, %arg2: memref<10000x128xf32, #tpu.memory_space<hbm>>, %arg3: memref<2x16x100x50xi32, #tpu.memory_space<hbm>>, %arg4: memref<2x16x100x50xi32, #tpu.memory_space<hbm>>, %arg5: memref<10240x128xf32, #tpu.memory_space<hbm>>, %arg6: memref<2x10240x128xf32, #tpu.memory_space<hbm>>, %arg7: memref<100x50xi32, #tpu.memory_space<vmem>>, %arg8: memref<100x50xi32, #tpu.memory_space<vmem>>, %arg9: memref<10240x128xf32, #tpu.memory_space<vmem_shared>>, %arg10: memref<50x128xf32, #tpu.memory_space<vmem>>, %arg11: memref<50x128xf32, #tpu.memory_space<vmem>>, %arg12: memref<50x128xf32, #tpu.memory_space<vmem>>, %arg13: memref<50x128xf32, #tpu.memory_space<vmem>>, %arg14: memref<50x128xf32, #tpu.memory_space<vmem>>, %arg15: memref<!tpu.dma_semaphore, #tpu.memory_space<semaphore_mem>>, %arg16: memref<!tpu.dma_semaphore, #tpu.memory_space<semaphore_mem>>, %arg17: memref<!tpu.dma_semaphore, #tpu.memory_space<semaphore_mem>>, %arg18: memref<!tpu.dma_semaphore, #tpu.memory_space<semaphore_mem>>, %arg19: memref<!tpu.dma_semaphore, #tpu.memory_space<semaphore_mem>>) attributes {dimension_semantics = [#tpu.dimension_semantics<core_parallel>, #tpu.dimension_semantics<subcore_parallel>], iteration_bounds = array<i64: 2, 16>, scalar_prefetch = 0 : i64, scratch_operands = 13 : i64, tpu.core_type = #tpu.core_type<sc_vector_subcore>, window_params = [{transform_indices = #map}, {transform_indices = #map1}, {transform_indices = #map1}, {transform_indices = #map}, {transform_indices = #map2}]} {
    "tpu.region"() ({
      %run_scoped3A = tpu.sem_alloc : memref<!tpu.dma_semaphore, #tpu.memory_space<semaphore_mem>>
      %dma_start3A_64 = arith.constant 0 : i32
      %dma_start3A_65 = arith.constant 0 : i32
      %dma_start3A_66 = tpu.memref_slice %arg3[%arg0, %arg1, %dma_start3A_64, %dma_start3A_65] : memref<2x16x100x50xi32, #tpu.memory_space<hbm>> -> memref<1x1x100x50xi32, #tpu.memory_space<hbm>>
      %dma_start3A_67 = tpu.memref_squeeze %dma_start3A_66 : memref<1x1x100x50xi32, #tpu.memory_space<hbm>> -> memref<100x50xi32, #tpu.memory_space<hbm>>
      %dma_start3A_68 = arith.constant 0 : i32
      %dma_start3A_69 = arith.constant 0 : i32
      %dma_start3A_70 = tpu.memref_slice %arg3[%arg0, %arg1, %dma_start3A_68, %dma_start3A_69] : memref<2x16x100x50xi32, #tpu.memory_space<hbm>> -> memref<1x1x100x50xi32, #tpu.memory_space<hbm>>
      %dma_start3A_71 = tpu.memref_squeeze %dma_start3A_70 : memref<1x1x100x50xi32, #tpu.memory_space<hbm>> -> memref<100x50xi32, #tpu.memory_space<hbm>>
      tpu.enqueue_dma source(%dma_start3A_71 : memref<100x50xi32, #tpu.memory_space<hbm>>) target(%arg7 : memref<100x50xi32, #tpu.memory_space<vmem>>) target_semaphore(%run_scoped3A : memref<!tpu.dma_semaphore, #tpu.memory_space<semaphore_mem>>)
      %dma_wait3A = arith.constant 0 : i32
      %dma_wait3A_72 = arith.constant 0 : i32
      %dma_wait3A_73 = tpu.memref_slice %arg3[%arg0, %arg1, %dma_wait3A, %dma_wait3A_72] : memref<2x16x100x50xi32, #tpu.memory_space<hbm>> -> memref<1x1x100x50xi32, #tpu.memory_space<hbm>>
      %dma_wait3A_74 = tpu.memref_squeeze %dma_wait3A_73 : memref<1x1x100x50xi32, #tpu.memory_space<hbm>> -> memref<100x50xi32, #tpu.memory_space<hbm>>
      %dma_wait3A_75 = arith.constant 0 : i32
      %dma_wait3A_76 = arith.constant 0 : i32
      %dma_wait3A_77 = tpu.memref_slice %arg3[%arg0, %arg1, %dma_wait3A_75, %dma_wait3A_76] : memref<2x16x100x50xi32, #tpu.memory_space<hbm>> -> memref<1x1x100x50xi32, #tpu.memory_space<hbm>>
      %dma_wait3A_78 = tpu.memref_squeeze %dma_wait3A_77 : memref<1x1x100x50xi32, #tpu.memory_space<hbm>> -> memref<100x50xi32, #tpu.memory_space<hbm>>
      tpu.wait_dma2 semaphore(%run_scoped3A : memref<!tpu.dma_semaphore, #tpu.memory_space<semaphore_mem>>) src(%dma_wait3A_78 : memref<100x50xi32, #tpu.memory_space<hbm>>) dst(%arg7 : memref<100x50xi32, #tpu.memory_space<vmem>>)
      tpu.yield
    }) : () -> ()
    "tpu.region"() ({
      %run_scoped3A = tpu.sem_alloc : memref<!tpu.dma_semaphore, #tpu.memory_space<semaphore_mem>>
      %dma_start3A_64 = arith.constant 0 : i32
      %dma_start3A_65 = arith.constant 0 : i32
      %dma_start3A_66 = tpu.memref_slice %arg4[%arg0, %arg1, %dma_start3A_64, %dma_start3A_65] : memref<2x16x100x50xi32, #tpu.memory_space<hbm>> -> memref<1x1x100x50xi32, #tpu.memory_space<hbm>>
      %dma_start3A_67 = tpu.memref_squeeze %dma_start3A_66 : memref<1x1x100x50xi32, #tpu.memory_space<hbm>> -> memref<100x50xi32, #tpu.memory_space<hbm>>
      %dma_start3A_68 = arith.constant 0 : i32
      %dma_start3A_69 = arith.constant 0 : i32
      %dma_start3A_70 = tpu.memref_slice %arg4[%arg0, %arg1, %dma_start3A_68, %dma_start3A_69] : memref<2x16x100x50xi32, #tpu.memory_space<hbm>> -> memref<1x1x100x50xi32, #tpu.memory_space<hbm>>
      %dma_start3A_71 = tpu.memref_squeeze %dma_start3A_70 : memref<1x1x100x50xi32, #tpu.memory_space<hbm>> -> memref<100x50xi32, #tpu.memory_space<hbm>>
      tpu.enqueue_dma source(%dma_start3A_71 : memref<100x50xi32, #tpu.memory_space<hbm>>) target(%arg8 : memref<100x50xi32, #tpu.memory_space<vmem>>) target_semaphore(%run_scoped3A : memref<!tpu.dma_semaphore, #tpu.memory_space<semaphore_mem>>)
      %dma_wait3A = arith.constant 0 : i32
      %dma_wait3A_72 = arith.constant 0 : i32
      %dma_wait3A_73 = tpu.memref_slice %arg4[%arg0, %arg1, %dma_wait3A, %dma_wait3A_72] : memref<2x16x100x50xi32, #tpu.memory_space<hbm>> -> memref<1x1x100x50xi32, #tpu.memory_space<hbm>>
      %dma_wait3A_74 = tpu.memref_squeeze %dma_wait3A_73 : memref<1x1x100x50xi32, #tpu.memory_space<hbm>> -> memref<100x50xi32, #tpu.memory_space<hbm>>
      %dma_wait3A_75 = arith.constant 0 : i32
      %dma_wait3A_76 = arith.constant 0 : i32
      %dma_wait3A_77 = tpu.memref_slice %arg4[%arg0, %arg1, %dma_wait3A_75, %dma_wait3A_76] : memref<2x16x100x50xi32, #tpu.memory_space<hbm>> -> memref<1x1x100x50xi32, #tpu.memory_space<hbm>>
      %dma_wait3A_78 = tpu.memref_squeeze %dma_wait3A_77 : memref<1x1x100x50xi32, #tpu.memory_space<hbm>> -> memref<100x50xi32, #tpu.memory_space<hbm>>
      tpu.wait_dma2 semaphore(%run_scoped3A : memref<!tpu.dma_semaphore, #tpu.memory_space<semaphore_mem>>) src(%dma_wait3A_78 : memref<100x50xi32, #tpu.memory_space<hbm>>) dst(%arg8 : memref<100x50xi32, #tpu.memory_space<vmem>>)
      tpu.yield
    }) : () -> ()
    %dma_start3A = arith.constant 0 : i32
    %dma_start3A_0 = arith.constant 0 : i32
    %dma_start3A_1 = tpu.memref_slice %arg7[%dma_start3A, %dma_start3A_0] : memref<100x50xi32, #tpu.memory_space<vmem>> -> memref<1x50xi32, #tpu.memory_space<vmem>>
    %dma_start3A_2 = tpu.memref_squeeze %dma_start3A_1 : memref<1x50xi32, #tpu.memory_space<vmem>> -> memref<50xi32, #tpu.memory_space<vmem>>
    %dma_start3A_3 = arith.constant 0 : i32
    %dma_start3A_4 = arith.constant 0 : i32
    %dma_start3A_5 = tpu.memref_slice %arg2[%dma_start3A_3, %dma_start3A_4] : memref<10000x128xf32, #tpu.memory_space<hbm>> -> memref<10000x128xf32, #tpu.memory_space<hbm>>
    tpu.enqueue_indirect_dma source(%dma_start3A_5 : memref<10000x128xf32, #tpu.memory_space<hbm>>) target(%arg10 : memref<50x128xf32, #tpu.memory_space<vmem>>) offsets(%dma_start3A_2 : memref<50xi32, #tpu.memory_space<vmem>>) semaphore(%arg15 : memref<!tpu.dma_semaphore, #tpu.memory_space<semaphore_mem>>)
    %dma_start3A_6 = arith.constant 1 : i32
    %dma_start3A_7 = arith.constant 0 : i32
    %dma_start3A_8 = tpu.memref_slice %arg7[%dma_start3A_6, %dma_start3A_7] : memref<100x50xi32, #tpu.memory_space<vmem>> -> memref<1x50xi32, #tpu.memory_space<vmem>>
    %dma_start3A_9 = tpu.memref_squeeze %dma_start3A_8 : memref<1x50xi32, #tpu.memory_space<vmem>> -> memref<50xi32, #tpu.memory_space<vmem>>
    %dma_start3A_10 = arith.constant 0 : i32
    %dma_start3A_11 = arith.constant 0 : i32
    %dma_start3A_12 = tpu.memref_slice %arg2[%dma_start3A_10, %dma_start3A_11] : memref<10000x128xf32, #tpu.memory_space<hbm>> -> memref<10000x128xf32, #tpu.memory_space<hbm>>
    tpu.enqueue_indirect_dma source(%dma_start3A_12 : memref<10000x128xf32, #tpu.memory_space<hbm>>) target(%arg11 : memref<50x128xf32, #tpu.memory_space<vmem>>) offsets(%dma_start3A_9 : memref<50xi32, #tpu.memory_space<vmem>>) semaphore(%arg16 : memref<!tpu.dma_semaphore, #tpu.memory_space<semaphore_mem>>)
    %dma_start3A_13 = arith.constant 2 : i32
    %dma_start3A_14 = arith.constant 0 : i32
    %dma_start3A_15 = tpu.memref_slice %arg7[%dma_start3A_13, %dma_start3A_14] : memref<100x50xi32, #tpu.memory_space<vmem>> -> memref<1x50xi32, #tpu.memory_space<vmem>>
    %dma_start3A_16 = tpu.memref_squeeze %dma_start3A_15 : memref<1x50xi32, #tpu.memory_space<vmem>> -> memref<50xi32, #tpu.memory_space<vmem>>
    %dma_start3A_17 = arith.constant 0 : i32
    %dma_start3A_18 = arith.constant 0 : i32
    %dma_start3A_19 = tpu.memref_slice %arg2[%dma_start3A_17, %dma_start3A_18] : memref<10000x128xf32, #tpu.memory_space<hbm>> -> memref<10000x128xf32, #tpu.memory_space<hbm>>
    tpu.enqueue_indirect_dma source(%dma_start3A_19 : memref<10000x128xf32, #tpu.memory_space<hbm>>) target(%arg12 : memref<50x128xf32, #tpu.memory_space<vmem>>) offsets(%dma_start3A_16 : memref<50xi32, #tpu.memory_space<vmem>>) semaphore(%arg17 : memref<!tpu.dma_semaphore, #tpu.memory_space<semaphore_mem>>)
    %dma_start3A_20 = arith.constant 3 : i32
    %dma_start3A_21 = arith.constant 0 : i32
    %dma_start3A_22 = tpu.memref_slice %arg7[%dma_start3A_20, %dma_start3A_21] : memref<100x50xi32, #tpu.memory_space<vmem>> -> memref<1x50xi32, #tpu.memory_space<vmem>>
    %dma_start3A_23 = tpu.memref_squeeze %dma_start3A_22 : memref<1x50xi32, #tpu.memory_space<vmem>> -> memref<50xi32, #tpu.memory_space<vmem>>
    %dma_start3A_24 = arith.constant 0 : i32
    %dma_start3A_25 = arith.constant 0 : i32
    %dma_start3A_26 = tpu.memref_slice %arg2[%dma_start3A_24, %dma_start3A_25] : memref<10000x128xf32, #tpu.memory_space<hbm>> -> memref<10000x128xf32, #tpu.memory_space<hbm>>
    tpu.enqueue_indirect_dma source(%dma_start3A_26 : memref<10000x128xf32, #tpu.memory_space<hbm>>) target(%arg13 : memref<50x128xf32, #tpu.memory_space<vmem>>) offsets(%dma_start3A_23 : memref<50xi32, #tpu.memory_space<vmem>>) semaphore(%arg18 : memref<!tpu.dma_semaphore, #tpu.memory_space<semaphore_mem>>)
    %dma_start3A_27 = arith.constant 4 : i32
    %dma_start3A_28 = arith.constant 0 : i32
    %dma_start3A_29 = tpu.memref_slice %arg7[%dma_start3A_27, %dma_start3A_28] : memref<100x50xi32, #tpu.memory_space<vmem>> -> memref<1x50xi32, #tpu.memory_space<vmem>>
    %dma_start3A_30 = tpu.memref_squeeze %dma_start3A_29 : memref<1x50xi32, #tpu.memory_space<vmem>> -> memref<50xi32, #tpu.memory_space<vmem>>
    %dma_start3A_31 = arith.constant 0 : i32
    %dma_start3A_32 = arith.constant 0 : i32
    %dma_start3A_33 = tpu.memref_slice %arg2[%dma_start3A_31, %dma_start3A_32] : memref<10000x128xf32, #tpu.memory_space<hbm>> -> memref<10000x128xf32, #tpu.memory_space<hbm>>
    tpu.enqueue_indirect_dma source(%dma_start3A_33 : memref<10000x128xf32, #tpu.memory_space<hbm>>) target(%arg14 : memref<50x128xf32, #tpu.memory_space<vmem>>) offsets(%dma_start3A_30 : memref<50xi32, #tpu.memory_space<vmem>>) semaphore(%arg19 : memref<!tpu.dma_semaphore, #tpu.memory_space<semaphore_mem>>)
    %eq3A = arith.constant 0 : i32
    %eq3A_34 = arith.cmpi eq, %arg0, %eq3A : i32
    %lt3A = arith.constant 8 : i32
    %lt3A_35 = arith.cmpi slt, %arg1, %lt3A : i32
    %and3A = arith.andi %eq3A_34, %lt3A_35 : i1
    %eq3A_36 = arith.constant 1 : i32
    %eq3A_37 = arith.cmpi eq, %arg0, %eq3A_36 : i32
    %ge3A = arith.constant 8 : i32
    %ge3A_38 = arith.cmpi sge, %arg1, %ge3A : i32
    %and3A_39 = arith.andi %eq3A_37, %ge3A_38 : i1
    %or3A = arith.ori %and3A, %and3A_39 : i1
    %mul3A = arith.constant 640 : i32
    %mul3A_40 = arith.muli %arg1, %mul3A : i32
    %ne3A = arith.constant 15 : i32
    %ne3A_41 = arith.cmpi ne, %arg1, %ne3A : i32
    %and3A_42 = arith.andi %or3A, %ne3A_41 : i1
    %convert_element_type3A = arith.extui %and3A_42 : i1 to i32
    %cond3A = arith.constant 0 : i32
    %cond3A_43 = arith.cmpi ne, %convert_element_type3A, %cond3A : i32
    scf.if %cond3A_43 {
      "tpu.region"() ({
        %run_scoped3A = tpu.sem_alloc : memref<!tpu.dma_semaphore, #tpu.memory_space<semaphore_mem>>
        %dma_start3A_64 = arith.constant 0 : i32
        %dma_start3A_65 = tpu.memref_slice %arg9[%mul3A_40, %dma_start3A_64] : memref<10240x128xf32, #tpu.memory_space<vmem_shared>> -> memref<640x128xf32, #tpu.memory_space<vmem_shared>>
        %dma_start3A_66 = arith.constant 0 : i32
        %dma_start3A_67 = tpu.memref_slice %arg2[%mul3A_40, %dma_start3A_66] : memref<10000x128xf32, #tpu.memory_space<hbm>> -> memref<640x128xf32, #tpu.memory_space<hbm>>
        tpu.enqueue_dma source(%dma_start3A_67 : memref<640x128xf32, #tpu.memory_space<hbm>>) target(%dma_start3A_65 : memref<640x128xf32, #tpu.memory_space<vmem_shared>>) target_semaphore(%run_scoped3A : memref<!tpu.dma_semaphore, #tpu.memory_space<semaphore_mem>>)
        %dma_wait3A = arith.constant 0 : i32
        %dma_wait3A_68 = tpu.memref_slice %arg9[%mul3A_40, %dma_wait3A] : memref<10240x128xf32, #tpu.memory_space<vmem_shared>> -> memref<640x128xf32, #tpu.memory_space<vmem_shared>>
        %dma_wait3A_69 = arith.constant 0 : i32
        %dma_wait3A_70 = tpu.memref_slice %arg2[%mul3A_40, %dma_wait3A_69] : memref<10000x128xf32, #tpu.memory_space<hbm>> -> memref<640x128xf32, #tpu.memory_space<hbm>>
        tpu.wait_dma2 semaphore(%run_scoped3A : memref<!tpu.dma_semaphore, #tpu.memory_space<semaphore_mem>>) src(%dma_wait3A_70 : memref<640x128xf32, #tpu.memory_space<hbm>>) dst(%dma_wait3A_68 : memref<640x128xf32, #tpu.memory_space<vmem_shared>>)
        tpu.yield
      }) : () -> ()
    } else {
    }
    %eq3A_44 = arith.constant 15 : i32
    %eq3A_45 = arith.cmpi eq, %arg1, %eq3A_44 : i32
    %and3A_46 = arith.andi %or3A, %eq3A_45 : i1
    %convert_element_type3A_47 = arith.extui %and3A_46 : i1 to i32
    %cond3A_48 = arith.constant 0 : i32
    %cond3A_49 = arith.cmpi ne, %convert_element_type3A_47, %cond3A_48 : i32
    scf.if %cond3A_49 {
      "tpu.region"() ({
        %run_scoped3A = tpu.sem_alloc : memref<!tpu.dma_semaphore, #tpu.memory_space<semaphore_mem>>
        %dma_start3A_64 = arith.constant 0 : i32
        %dma_start3A_65 = tpu.memref_slice %arg9[%mul3A_40, %dma_start3A_64] : memref<10240x128xf32, #tpu.memory_space<vmem_shared>> -> memref<400x128xf32, #tpu.memory_space<vmem_shared>>
        %dma_start3A_66 = arith.constant 0 : i32
        %dma_start3A_67 = tpu.memref_slice %arg2[%mul3A_40, %dma_start3A_66] : memref<10000x128xf32, #tpu.memory_space<hbm>> -> memref<400x128xf32, #tpu.memory_space<hbm>>
        tpu.enqueue_dma source(%dma_start3A_67 : memref<400x128xf32, #tpu.memory_space<hbm>>) target(%dma_start3A_65 : memref<400x128xf32, #tpu.memory_space<vmem_shared>>) target_semaphore(%run_scoped3A : memref<!tpu.dma_semaphore, #tpu.memory_space<semaphore_mem>>)
        %dma_wait3A = arith.constant 0 : i32
        %dma_wait3A_68 = tpu.memref_slice %arg9[%mul3A_40, %dma_wait3A] : memref<10240x128xf32, #tpu.memory_space<vmem_shared>> -> memref<400x128xf32, #tpu.memory_space<vmem_shared>>
        %dma_wait3A_69 = arith.constant 0 : i32
        %dma_wait3A_70 = tpu.memref_slice %arg2[%mul3A_40, %dma_wait3A_69] : memref<10000x128xf32, #tpu.memory_space<hbm>> -> memref<400x128xf32, #tpu.memory_space<hbm>>
        tpu.wait_dma2 semaphore(%run_scoped3A : memref<!tpu.dma_semaphore, #tpu.memory_space<semaphore_mem>>) src(%dma_wait3A_70 : memref<400x128xf32, #tpu.memory_space<hbm>>) dst(%dma_wait3A_68 : memref<400x128xf32, #tpu.memory_space<vmem_shared>>)
        tpu.yield
      }) : () -> ()
      "tpu.region"() ({
        %run_scoped3A = tpu.sem_alloc : memref<!tpu.dma_semaphore, #tpu.memory_space<semaphore_mem>>
        %dma_start3A_64 = arith.constant 10000 : i32
        %dma_start3A_65 = arith.constant 0 : i32
        %dma_start3A_66 = tpu.memref_slice %arg9[%dma_start3A_64, %dma_start3A_65] : memref<10240x128xf32, #tpu.memory_space<vmem_shared>> -> memref<240x128xf32, #tpu.memory_space<vmem_shared>>
        %dma_start3A_67 = arith.constant 10000 : i32
        %dma_start3A_68 = arith.constant 0 : i32
        %dma_start3A_69 = tpu.memref_slice %arg5[%dma_start3A_67, %dma_start3A_68] : memref<10240x128xf32, #tpu.memory_space<hbm>> -> memref<240x128xf32, #tpu.memory_space<hbm>>
        tpu.enqueue_dma source(%dma_start3A_69 : memref<240x128xf32, #tpu.memory_space<hbm>>) target(%dma_start3A_66 : memref<240x128xf32, #tpu.memory_space<vmem_shared>>) target_semaphore(%run_scoped3A : memref<!tpu.dma_semaphore, #tpu.memory_space<semaphore_mem>>)
        %dma_wait3A = arith.constant 10000 : i32
        %dma_wait3A_70 = arith.constant 0 : i32
        %dma_wait3A_71 = tpu.memref_slice %arg9[%dma_wait3A, %dma_wait3A_70] : memref<10240x128xf32, #tpu.memory_space<vmem_shared>> -> memref<240x128xf32, #tpu.memory_space<vmem_shared>>
        %dma_wait3A_72 = arith.constant 10000 : i32
        %dma_wait3A_73 = arith.constant 0 : i32
        %dma_wait3A_74 = tpu.memref_slice %arg5[%dma_wait3A_72, %dma_wait3A_73] : memref<10240x128xf32, #tpu.memory_space<hbm>> -> memref<240x128xf32, #tpu.memory_space<hbm>>
        tpu.wait_dma2 semaphore(%run_scoped3A : memref<!tpu.dma_semaphore, #tpu.memory_space<semaphore_mem>>) src(%dma_wait3A_74 : memref<240x128xf32, #tpu.memory_space<hbm>>) dst(%dma_wait3A_71 : memref<240x128xf32, #tpu.memory_space<vmem_shared>>)
        tpu.yield
      }) : () -> ()
    } else {
    }
    %not3A = arith.constant true
    %not3A_50 = arith.xori %or3A, %not3A : i1
    %convert_element_type3A_51 = arith.extui %not3A_50 : i1 to i32
    %cond3A_52 = arith.constant 0 : i32
    %cond3A_53 = arith.cmpi ne, %convert_element_type3A_51, %cond3A_52 : i32
    scf.if %cond3A_53 {
      "tpu.region"() ({
        %run_scoped3A = tpu.sem_alloc : memref<!tpu.dma_semaphore, #tpu.memory_space<semaphore_mem>>
        %dma_start3A_64 = arith.constant 0 : i32
        %dma_start3A_65 = tpu.memref_slice %arg9[%mul3A_40, %dma_start3A_64] : memref<10240x128xf32, #tpu.memory_space<vmem_shared>> -> memref<640x128xf32, #tpu.memory_space<vmem_shared>>
        %dma_start3A_66 = arith.constant 0 : i32
        %dma_start3A_67 = tpu.memref_slice %arg5[%mul3A_40, %dma_start3A_66] : memref<10240x128xf32, #tpu.memory_space<hbm>> -> memref<640x128xf32, #tpu.memory_space<hbm>>
        tpu.enqueue_dma source(%dma_start3A_67 : memref<640x128xf32, #tpu.memory_space<hbm>>) target(%dma_start3A_65 : memref<640x128xf32, #tpu.memory_space<vmem_shared>>) target_semaphore(%run_scoped3A : memref<!tpu.dma_semaphore, #tpu.memory_space<semaphore_mem>>)
        %dma_wait3A = arith.constant 0 : i32
        %dma_wait3A_68 = tpu.memref_slice %arg9[%mul3A_40, %dma_wait3A] : memref<10240x128xf32, #tpu.memory_space<vmem_shared>> -> memref<640x128xf32, #tpu.memory_space<vmem_shared>>
        %dma_wait3A_69 = arith.constant 0 : i32
        %dma_wait3A_70 = tpu.memref_slice %arg5[%mul3A_40, %dma_wait3A_69] : memref<10240x128xf32, #tpu.memory_space<hbm>> -> memref<640x128xf32, #tpu.memory_space<hbm>>
        tpu.wait_dma2 semaphore(%run_scoped3A : memref<!tpu.dma_semaphore, #tpu.memory_space<semaphore_mem>>) src(%dma_wait3A_70 : memref<640x128xf32, #tpu.memory_space<hbm>>) dst(%dma_wait3A_68 : memref<640x128xf32, #tpu.memory_space<vmem_shared>>)
        tpu.yield
      }) : () -> ()
    } else {
    }
    %barrier3A = arith.constant 0 : index
    tpu.barrier barrier_id(%barrier3A)
    %scan3A = arith.constant 0 : i32
    %scan3A_54 = arith.constant 0 : i32
    %scan3A_55 = arith.constant 20 : i32
    %scan3A_56 = arith.addi %scan3A_54, %scan3A_55 : i32
    %scan3A_57 = arith.constant 1 : i32
    scf.for %scan3A_64 = %scan3A_54 to %scan3A_56 step %scan3A_57  : i32 {
      %mul3A_65 = arith.constant 5 : i32
      %mul3A_66 = arith.muli %scan3A_64, %mul3A_65 : i32
      %add3A = arith.constant 0 : i32
      %add3A_67 = arith.addi %mul3A_66, %add3A : i32
      %dma_wait3A = arith.constant 0 : i32
      %dma_wait3A_68 = arith.constant 0 : i32
      %dma_wait3A_69 = tpu.memref_slice %arg7[%dma_wait3A, %dma_wait3A_68] : memref<100x50xi32, #tpu.memory_space<vmem>> -> memref<1x50xi32, #tpu.memory_space<vmem>>
      %dma_wait3A_70 = tpu.memref_squeeze %dma_wait3A_69 : memref<1x50xi32, #tpu.memory_space<vmem>> -> memref<50xi32, #tpu.memory_space<vmem>>
      %dma_wait3A_71 = arith.constant 0 : i32
      %dma_wait3A_72 = arith.constant 0 : i32
      %dma_wait3A_73 = tpu.memref_slice %arg2[%dma_wait3A_71, %dma_wait3A_72] : memref<10000x128xf32, #tpu.memory_space<hbm>> -> memref<10000x128xf32, #tpu.memory_space<hbm>>
      tpu.wait_indirect_dma semaphore(%arg15 : memref<!tpu.dma_semaphore, #tpu.memory_space<semaphore_mem>>) src(%dma_wait3A_73 : memref<10000x128xf32, #tpu.memory_space<hbm>>) dst(%arg10 : memref<50x128xf32, #tpu.memory_space<vmem>>)
      "tpu.region"() ({
        %run_scoped3A = tpu.sem_alloc : memref<!tpu.dma_semaphore, #tpu.memory_space<semaphore_mem>>
        %dma_start3A_153 = arith.constant 0 : i32
        %dma_start3A_154 = tpu.memref_slice %arg8[%add3A_67, %dma_start3A_153] : memref<100x50xi32, #tpu.memory_space<vmem>> -> memref<1x50xi32, #tpu.memory_space<vmem>>
        %dma_start3A_155 = tpu.memref_squeeze %dma_start3A_154 : memref<1x50xi32, #tpu.memory_space<vmem>> -> memref<50xi32, #tpu.memory_space<vmem>>
        %dma_start3A_156 = arith.constant 0 : i32
        %dma_start3A_157 = arith.constant 0 : i32
        %dma_start3A_158 = tpu.memref_slice %arg9[%dma_start3A_156, %dma_start3A_157] : memref<10240x128xf32, #tpu.memory_space<vmem_shared>> -> memref<10240x128xf32, #tpu.memory_space<vmem_shared>>
        tpu.enqueue_indirect_dma source(%arg10 : memref<50x128xf32, #tpu.memory_space<vmem>>) target(%dma_start3A_158 : memref<10240x128xf32, #tpu.memory_space<vmem_shared>>) offsets(%dma_start3A_155 : memref<50xi32, #tpu.memory_space<vmem>>) semaphore(%run_scoped3A : memref<!tpu.dma_semaphore, #tpu.memory_space<semaphore_mem>>) {add = true}
        %dma_wait3A_159 = arith.constant 0 : i32
        %dma_wait3A_160 = tpu.memref_slice %arg8[%add3A_67, %dma_wait3A_159] : memref<100x50xi32, #tpu.memory_space<vmem>> -> memref<1x50xi32, #tpu.memory_space<vmem>>
        %dma_wait3A_161 = tpu.memref_squeeze %dma_wait3A_160 : memref<1x50xi32, #tpu.memory_space<vmem>> -> memref<50xi32, #tpu.memory_space<vmem>>
        %dma_wait3A_162 = arith.constant 0 : i32
        %dma_wait3A_163 = arith.constant 0 : i32
        %dma_wait3A_164 = tpu.memref_slice %arg9[%dma_wait3A_162, %dma_wait3A_163] : memref<10240x128xf32, #tpu.memory_space<vmem_shared>> -> memref<10240x128xf32, #tpu.memory_space<vmem_shared>>
        tpu.wait_indirect_dma semaphore(%run_scoped3A : memref<!tpu.dma_semaphore, #tpu.memory_space<semaphore_mem>>) src(%arg10 : memref<50x128xf32, #tpu.memory_space<vmem>>) dst(%dma_wait3A_164 : memref<10240x128xf32, #tpu.memory_space<vmem_shared>>)
        tpu.yield
      }) : () -> ()
      %add3A_74 = arith.constant 1 : i32
      %add3A_75 = arith.addi %scan3A_64, %add3A_74 : i32
      %lt3A_76 = arith.constant 20 : i32
      %lt3A_77 = arith.cmpi slt, %add3A_75, %lt3A_76 : i32
      %convert_element_type3A_78 = arith.extui %lt3A_77 : i1 to i32
      %cond3A_79 = arith.constant 0 : i32
      %cond3A_80 = arith.cmpi ne, %convert_element_type3A_78, %cond3A_79 : i32
      scf.if %cond3A_80 {
        %add3A_153 = arith.constant 5 : i32
        %add3A_154 = arith.addi %add3A_67, %add3A_153 : i32
        %dma_start3A_155 = arith.constant 0 : i32
        %dma_start3A_156 = tpu.memref_slice %arg7[%add3A_154, %dma_start3A_155] : memref<100x50xi32, #tpu.memory_space<vmem>> -> memref<1x50xi32, #tpu.memory_space<vmem>>
        %dma_start3A_157 = tpu.memref_squeeze %dma_start3A_156 : memref<1x50xi32, #tpu.memory_space<vmem>> -> memref<50xi32, #tpu.memory_space<vmem>>
        %dma_start3A_158 = arith.constant 0 : i32
        %dma_start3A_159 = arith.constant 0 : i32
        %dma_start3A_160 = tpu.memref_slice %arg2[%dma_start3A_158, %dma_start3A_159] : memref<10000x128xf32, #tpu.memory_space<hbm>> -> memref<10000x128xf32, #tpu.memory_space<hbm>>
        tpu.enqueue_indirect_dma source(%dma_start3A_160 : memref<10000x128xf32, #tpu.memory_space<hbm>>) target(%arg10 : memref<50x128xf32, #tpu.memory_space<vmem>>) offsets(%dma_start3A_157 : memref<50xi32, #tpu.memory_space<vmem>>) semaphore(%arg15 : memref<!tpu.dma_semaphore, #tpu.memory_space<semaphore_mem>>)
      } else {
      }
      %mul3A_81 = arith.constant 5 : i32
      %mul3A_82 = arith.muli %scan3A_64, %mul3A_81 : i32
      %add3A_83 = arith.constant 1 : i32
      %add3A_84 = arith.addi %mul3A_82, %add3A_83 : i32
      %dma_wait3A_85 = arith.constant 0 : i32
      %dma_wait3A_86 = arith.constant 0 : i32
      %dma_wait3A_87 = tpu.memref_slice %arg7[%dma_wait3A_85, %dma_wait3A_86] : memref<100x50xi32, #tpu.memory_space<vmem>> -> memref<1x50xi32, #tpu.memory_space<vmem>>
      %dma_wait3A_88 = tpu.memref_squeeze %dma_wait3A_87 : memref<1x50xi32, #tpu.memory_space<vmem>> -> memref<50xi32, #tpu.memory_space<vmem>>
      %dma_wait3A_89 = arith.constant 0 : i32
      %dma_wait3A_90 = arith.constant 0 : i32
      %dma_wait3A_91 = tpu.memref_slice %arg2[%dma_wait3A_89, %dma_wait3A_90] : memref<10000x128xf32, #tpu.memory_space<hbm>> -> memref<10000x128xf32, #tpu.memory_space<hbm>>
      tpu.wait_indirect_dma semaphore(%arg16 : memref<!tpu.dma_semaphore, #tpu.memory_space<semaphore_mem>>) src(%dma_wait3A_91 : memref<10000x128xf32, #tpu.memory_space<hbm>>) dst(%arg11 : memref<50x128xf32, #tpu.memory_space<vmem>>)
      "tpu.region"() ({
        %run_scoped3A = tpu.sem_alloc : memref<!tpu.dma_semaphore, #tpu.memory_space<semaphore_mem>>
        %dma_start3A_153 = arith.constant 0 : i32
        %dma_start3A_154 = tpu.memref_slice %arg8[%add3A_84, %dma_start3A_153] : memref<100x50xi32, #tpu.memory_space<vmem>> -> memref<1x50xi32, #tpu.memory_space<vmem>>
        %dma_start3A_155 = tpu.memref_squeeze %dma_start3A_154 : memref<1x50xi32, #tpu.memory_space<vmem>> -> memref<50xi32, #tpu.memory_space<vmem>>
        %dma_start3A_156 = arith.constant 0 : i32
        %dma_start3A_157 = arith.constant 0 : i32
        %dma_start3A_158 = tpu.memref_slice %arg9[%dma_start3A_156, %dma_start3A_157] : memref<10240x128xf32, #tpu.memory_space<vmem_shared>> -> memref<10240x128xf32, #tpu.memory_space<vmem_shared>>
        tpu.enqueue_indirect_dma source(%arg11 : memref<50x128xf32, #tpu.memory_space<vmem>>) target(%dma_start3A_158 : memref<10240x128xf32, #tpu.memory_space<vmem_shared>>) offsets(%dma_start3A_155 : memref<50xi32, #tpu.memory_space<vmem>>) semaphore(%run_scoped3A : memref<!tpu.dma_semaphore, #tpu.memory_space<semaphore_mem>>) {add = true}
        %dma_wait3A_159 = arith.constant 0 : i32
        %dma_wait3A_160 = tpu.memref_slice %arg8[%add3A_84, %dma_wait3A_159] : memref<100x50xi32, #tpu.memory_space<vmem>> -> memref<1x50xi32, #tpu.memory_space<vmem>>
        %dma_wait3A_161 = tpu.memref_squeeze %dma_wait3A_160 : memref<1x50xi32, #tpu.memory_space<vmem>> -> memref<50xi32, #tpu.memory_space<vmem>>
        %dma_wait3A_162 = arith.constant 0 : i32
        %dma_wait3A_163 = arith.constant 0 : i32
        %dma_wait3A_164 = tpu.memref_slice %arg9[%dma_wait3A_162, %dma_wait3A_163] : memref<10240x128xf32, #tpu.memory_space<vmem_shared>> -> memref<10240x128xf32, #tpu.memory_space<vmem_shared>>
        tpu.wait_indirect_dma semaphore(%run_scoped3A : memref<!tpu.dma_semaphore, #tpu.memory_space<semaphore_mem>>) src(%arg11 : memref<50x128xf32, #tpu.memory_space<vmem>>) dst(%dma_wait3A_164 : memref<10240x128xf32, #tpu.memory_space<vmem_shared>>)
        tpu.yield
      }) : () -> ()
      %add3A_92 = arith.constant 1 : i32
      %add3A_93 = arith.addi %scan3A_64, %add3A_92 : i32
      %lt3A_94 = arith.constant 20 : i32
      %lt3A_95 = arith.cmpi slt, %add3A_93, %lt3A_94 : i32
      %convert_element_type3A_96 = arith.extui %lt3A_95 : i1 to i32
      %cond3A_97 = arith.constant 0 : i32
      %cond3A_98 = arith.cmpi ne, %convert_element_type3A_96, %cond3A_97 : i32
      scf.if %cond3A_98 {
        %add3A_153 = arith.constant 5 : i32
        %add3A_154 = arith.addi %add3A_84, %add3A_153 : i32
        %dma_start3A_155 = arith.constant 0 : i32
        %dma_start3A_156 = tpu.memref_slice %arg7[%add3A_154, %dma_start3A_155] : memref<100x50xi32, #tpu.memory_space<vmem>> -> memref<1x50xi32, #tpu.memory_space<vmem>>
        %dma_start3A_157 = tpu.memref_squeeze %dma_start3A_156 : memref<1x50xi32, #tpu.memory_space<vmem>> -> memref<50xi32, #tpu.memory_space<vmem>>
        %dma_start3A_158 = arith.constant 0 : i32
        %dma_start3A_159 = arith.constant 0 : i32
        %dma_start3A_160 = tpu.memref_slice %arg2[%dma_start3A_158, %dma_start3A_159] : memref<10000x128xf32, #tpu.memory_space<hbm>> -> memref<10000x128xf32, #tpu.memory_space<hbm>>
        tpu.enqueue_indirect_dma source(%dma_start3A_160 : memref<10000x128xf32, #tpu.memory_space<hbm>>) target(%arg11 : memref<50x128xf32, #tpu.memory_space<vmem>>) offsets(%dma_start3A_157 : memref<50xi32, #tpu.memory_space<vmem>>) semaphore(%arg16 : memref<!tpu.dma_semaphore, #tpu.memory_space<semaphore_mem>>)
      } else {
      }
      %mul3A_99 = arith.constant 5 : i32
      %mul3A_100 = arith.muli %scan3A_64, %mul3A_99 : i32
      %add3A_101 = arith.constant 2 : i32
      %add3A_102 = arith.addi %mul3A_100, %add3A_101 : i32
      %dma_wait3A_103 = arith.constant 0 : i32
      %dma_wait3A_104 = arith.constant 0 : i32
      %dma_wait3A_105 = tpu.memref_slice %arg7[%dma_wait3A_103, %dma_wait3A_104] : memref<100x50xi32, #tpu.memory_space<vmem>> -> memref<1x50xi32, #tpu.memory_space<vmem>>
      %dma_wait3A_106 = tpu.memref_squeeze %dma_wait3A_105 : memref<1x50xi32, #tpu.memory_space<vmem>> -> memref<50xi32, #tpu.memory_space<vmem>>
      %dma_wait3A_107 = arith.constant 0 : i32
      %dma_wait3A_108 = arith.constant 0 : i32
      %dma_wait3A_109 = tpu.memref_slice %arg2[%dma_wait3A_107, %dma_wait3A_108] : memref<10000x128xf32, #tpu.memory_space<hbm>> -> memref<10000x128xf32, #tpu.memory_space<hbm>>
      tpu.wait_indirect_dma semaphore(%arg17 : memref<!tpu.dma_semaphore, #tpu.memory_space<semaphore_mem>>) src(%dma_wait3A_109 : memref<10000x128xf32, #tpu.memory_space<hbm>>) dst(%arg12 : memref<50x128xf32, #tpu.memory_space<vmem>>)
      "tpu.region"() ({
        %run_scoped3A = tpu.sem_alloc : memref<!tpu.dma_semaphore, #tpu.memory_space<semaphore_mem>>
        %dma_start3A_153 = arith.constant 0 : i32
        %dma_start3A_154 = tpu.memref_slice %arg8[%add3A_102, %dma_start3A_153] : memref<100x50xi32, #tpu.memory_space<vmem>> -> memref<1x50xi32, #tpu.memory_space<vmem>>
        %dma_start3A_155 = tpu.memref_squeeze %dma_start3A_154 : memref<1x50xi32, #tpu.memory_space<vmem>> -> memref<50xi32, #tpu.memory_space<vmem>>
        %dma_start3A_156 = arith.constant 0 : i32
        %dma_start3A_157 = arith.constant 0 : i32
        %dma_start3A_158 = tpu.memref_slice %arg9[%dma_start3A_156, %dma_start3A_157] : memref<10240x128xf32, #tpu.memory_space<vmem_shared>> -> memref<10240x128xf32, #tpu.memory_space<vmem_shared>>
        tpu.enqueue_indirect_dma source(%arg12 : memref<50x128xf32, #tpu.memory_space<vmem>>) target(%dma_start3A_158 : memref<10240x128xf32, #tpu.memory_space<vmem_shared>>) offsets(%dma_start3A_155 : memref<50xi32, #tpu.memory_space<vmem>>) semaphore(%run_scoped3A : memref<!tpu.dma_semaphore, #tpu.memory_space<semaphore_mem>>) {add = true}
        %dma_wait3A_159 = arith.constant 0 : i32
        %dma_wait3A_160 = tpu.memref_slice %arg8[%add3A_102, %dma_wait3A_159] : memref<100x50xi32, #tpu.memory_space<vmem>> -> memref<1x50xi32, #tpu.memory_space<vmem>>
        %dma_wait3A_161 = tpu.memref_squeeze %dma_wait3A_160 : memref<1x50xi32, #tpu.memory_space<vmem>> -> memref<50xi32, #tpu.memory_space<vmem>>
        %dma_wait3A_162 = arith.constant 0 : i32
        %dma_wait3A_163 = arith.constant 0 : i32
        %dma_wait3A_164 = tpu.memref_slice %arg9[%dma_wait3A_162, %dma_wait3A_163] : memref<10240x128xf32, #tpu.memory_space<vmem_shared>> -> memref<10240x128xf32, #tpu.memory_space<vmem_shared>>
        tpu.wait_indirect_dma semaphore(%run_scoped3A : memref<!tpu.dma_semaphore, #tpu.memory_space<semaphore_mem>>) src(%arg12 : memref<50x128xf32, #tpu.memory_space<vmem>>) dst(%dma_wait3A_164 : memref<10240x128xf32, #tpu.memory_space<vmem_shared>>)
        tpu.yield
      }) : () -> ()
      %add3A_110 = arith.constant 1 : i32
      %add3A_111 = arith.addi %scan3A_64, %add3A_110 : i32
      %lt3A_112 = arith.constant 20 : i32
      %lt3A_113 = arith.cmpi slt, %add3A_111, %lt3A_112 : i32
      %convert_element_type3A_114 = arith.extui %lt3A_113 : i1 to i32
      %cond3A_115 = arith.constant 0 : i32
      %cond3A_116 = arith.cmpi ne, %convert_element_type3A_114, %cond3A_115 : i32
      scf.if %cond3A_116 {
        %add3A_153 = arith.constant 5 : i32
        %add3A_154 = arith.addi %add3A_102, %add3A_153 : i32
        %dma_start3A_155 = arith.constant 0 : i32
        %dma_start3A_156 = tpu.memref_slice %arg7[%add3A_154, %dma_start3A_155] : memref<100x50xi32, #tpu.memory_space<vmem>> -> memref<1x50xi32, #tpu.memory_space<vmem>>
        %dma_start3A_157 = tpu.memref_squeeze %dma_start3A_156 : memref<1x50xi32, #tpu.memory_space<vmem>> -> memref<50xi32, #tpu.memory_space<vmem>>
        %dma_start3A_158 = arith.constant 0 : i32
        %dma_start3A_159 = arith.constant 0 : i32
        %dma_start3A_160 = tpu.memref_slice %arg2[%dma_start3A_158, %dma_start3A_159] : memref<10000x128xf32, #tpu.memory_space<hbm>> -> memref<10000x128xf32, #tpu.memory_space<hbm>>
        tpu.enqueue_indirect_dma source(%dma_start3A_160 : memref<10000x128xf32, #tpu.memory_space<hbm>>) target(%arg12 : memref<50x128xf32, #tpu.memory_space<vmem>>) offsets(%dma_start3A_157 : memref<50xi32, #tpu.memory_space<vmem>>) semaphore(%arg17 : memref<!tpu.dma_semaphore, #tpu.memory_space<semaphore_mem>>)
      } else {
      }
      %mul3A_117 = arith.constant 5 : i32
      %mul3A_118 = arith.muli %scan3A_64, %mul3A_117 : i32
      %add3A_119 = arith.constant 3 : i32
      %add3A_120 = arith.addi %mul3A_118, %add3A_119 : i32
      %dma_wait3A_121 = arith.constant 0 : i32
      %dma_wait3A_122 = arith.constant 0 : i32
      %dma_wait3A_123 = tpu.memref_slice %arg7[%dma_wait3A_121, %dma_wait3A_122] : memref<100x50xi32, #tpu.memory_space<vmem>> -> memref<1x50xi32, #tpu.memory_space<vmem>>
      %dma_wait3A_124 = tpu.memref_squeeze %dma_wait3A_123 : memref<1x50xi32, #tpu.memory_space<vmem>> -> memref<50xi32, #tpu.memory_space<vmem>>
      %dma_wait3A_125 = arith.constant 0 : i32
      %dma_wait3A_126 = arith.constant 0 : i32
      %dma_wait3A_127 = tpu.memref_slice %arg2[%dma_wait3A_125, %dma_wait3A_126] : memref<10000x128xf32, #tpu.memory_space<hbm>> -> memref<10000x128xf32, #tpu.memory_space<hbm>>
      tpu.wait_indirect_dma semaphore(%arg18 : memref<!tpu.dma_semaphore, #tpu.memory_space<semaphore_mem>>) src(%dma_wait3A_127 : memref<10000x128xf32, #tpu.memory_space<hbm>>) dst(%arg13 : memref<50x128xf32, #tpu.memory_space<vmem>>)
      "tpu.region"() ({
        %run_scoped3A = tpu.sem_alloc : memref<!tpu.dma_semaphore, #tpu.memory_space<semaphore_mem>>
        %dma_start3A_153 = arith.constant 0 : i32
        %dma_start3A_154 = tpu.memref_slice %arg8[%add3A_120, %dma_start3A_153] : memref<100x50xi32, #tpu.memory_space<vmem>> -> memref<1x50xi32, #tpu.memory_space<vmem>>
        %dma_start3A_155 = tpu.memref_squeeze %dma_start3A_154 : memref<1x50xi32, #tpu.memory_space<vmem>> -> memref<50xi32, #tpu.memory_space<vmem>>
        %dma_start3A_156 = arith.constant 0 : i32
        %dma_start3A_157 = arith.constant 0 : i32
        %dma_start3A_158 = tpu.memref_slice %arg9[%dma_start3A_156, %dma_start3A_157] : memref<10240x128xf32, #tpu.memory_space<vmem_shared>> -> memref<10240x128xf32, #tpu.memory_space<vmem_shared>>
        tpu.enqueue_indirect_dma source(%arg13 : memref<50x128xf32, #tpu.memory_space<vmem>>) target(%dma_start3A_158 : memref<10240x128xf32, #tpu.memory_space<vmem_shared>>) offsets(%dma_start3A_155 : memref<50xi32, #tpu.memory_space<vmem>>) semaphore(%run_scoped3A : memref<!tpu.dma_semaphore, #tpu.memory_space<semaphore_mem>>) {add = true}
        %dma_wait3A_159 = arith.constant 0 : i32
        %dma_wait3A_160 = tpu.memref_slice %arg8[%add3A_120, %dma_wait3A_159] : memref<100x50xi32, #tpu.memory_space<vmem>> -> memref<1x50xi32, #tpu.memory_space<vmem>>
        %dma_wait3A_161 = tpu.memref_squeeze %dma_wait3A_160 : memref<1x50xi32, #tpu.memory_space<vmem>> -> memref<50xi32, #tpu.memory_space<vmem>>
        %dma_wait3A_162 = arith.constant 0 : i32
        %dma_wait3A_163 = arith.constant 0 : i32
        %dma_wait3A_164 = tpu.memref_slice %arg9[%dma_wait3A_162, %dma_wait3A_163] : memref<10240x128xf32, #tpu.memory_space<vmem_shared>> -> memref<10240x128xf32, #tpu.memory_space<vmem_shared>>
        tpu.wait_indirect_dma semaphore(%run_scoped3A : memref<!tpu.dma_semaphore, #tpu.memory_space<semaphore_mem>>) src(%arg13 : memref<50x128xf32, #tpu.memory_space<vmem>>) dst(%dma_wait3A_164 : memref<10240x128xf32, #tpu.memory_space<vmem_shared>>)
        tpu.yield
      }) : () -> ()
      %add3A_128 = arith.constant 1 : i32
      %add3A_129 = arith.addi %scan3A_64, %add3A_128 : i32
      %lt3A_130 = arith.constant 20 : i32
      %lt3A_131 = arith.cmpi slt, %add3A_129, %lt3A_130 : i32
      %convert_element_type3A_132 = arith.extui %lt3A_131 : i1 to i32
      %cond3A_133 = arith.constant 0 : i32
      %cond3A_134 = arith.cmpi ne, %convert_element_type3A_132, %cond3A_133 : i32
      scf.if %cond3A_134 {
        %add3A_153 = arith.constant 5 : i32
        %add3A_154 = arith.addi %add3A_120, %add3A_153 : i32
        %dma_start3A_155 = arith.constant 0 : i32
        %dma_start3A_156 = tpu.memref_slice %arg7[%add3A_154, %dma_start3A_155] : memref<100x50xi32, #tpu.memory_space<vmem>> -> memref<1x50xi32, #tpu.memory_space<vmem>>
        %dma_start3A_157 = tpu.memref_squeeze %dma_start3A_156 : memref<1x50xi32, #tpu.memory_space<vmem>> -> memref<50xi32, #tpu.memory_space<vmem>>
        %dma_start3A_158 = arith.constant 0 : i32
        %dma_start3A_159 = arith.constant 0 : i32
        %dma_start3A_160 = tpu.memref_slice %arg2[%dma_start3A_158, %dma_start3A_159] : memref<10000x128xf32, #tpu.memory_space<hbm>> -> memref<10000x128xf32, #tpu.memory_space<hbm>>
        tpu.enqueue_indirect_dma source(%dma_start3A_160 : memref<10000x128xf32, #tpu.memory_space<hbm>>) target(%arg13 : memref<50x128xf32, #tpu.memory_space<vmem>>) offsets(%dma_start3A_157 : memref<50xi32, #tpu.memory_space<vmem>>) semaphore(%arg18 : memref<!tpu.dma_semaphore, #tpu.memory_space<semaphore_mem>>)
      } else {
      }
      %mul3A_135 = arith.constant 5 : i32
      %mul3A_136 = arith.muli %scan3A_64, %mul3A_135 : i32
      %add3A_137 = arith.constant 4 : i32
      %add3A_138 = arith.addi %mul3A_136, %add3A_137 : i32
      %dma_wait3A_139 = arith.constant 0 : i32
      %dma_wait3A_140 = arith.constant 0 : i32
      %dma_wait3A_141 = tpu.memref_slice %arg7[%dma_wait3A_139, %dma_wait3A_140] : memref<100x50xi32, #tpu.memory_space<vmem>> -> memref<1x50xi32, #tpu.memory_space<vmem>>
      %dma_wait3A_142 = tpu.memref_squeeze %dma_wait3A_141 : memref<1x50xi32, #tpu.memory_space<vmem>> -> memref<50xi32, #tpu.memory_space<vmem>>
      %dma_wait3A_143 = arith.constant 0 : i32
      %dma_wait3A_144 = arith.constant 0 : i32
      %dma_wait3A_145 = tpu.memref_slice %arg2[%dma_wait3A_143, %dma_wait3A_144] : memref<10000x128xf32, #tpu.memory_space<hbm>> -> memref<10000x128xf32, #tpu.memory_space<hbm>>
      tpu.wait_indirect_dma semaphore(%arg19 : memref<!tpu.dma_semaphore, #tpu.memory_space<semaphore_mem>>) src(%dma_wait3A_145 : memref<10000x128xf32, #tpu.memory_space<hbm>>) dst(%arg14 : memref<50x128xf32, #tpu.memory_space<vmem>>)
      "tpu.region"() ({
        %run_scoped3A = tpu.sem_alloc : memref<!tpu.dma_semaphore, #tpu.memory_space<semaphore_mem>>
        %dma_start3A_153 = arith.constant 0 : i32
        %dma_start3A_154 = tpu.memref_slice %arg8[%add3A_138, %dma_start3A_153] : memref<100x50xi32, #tpu.memory_space<vmem>> -> memref<1x50xi32, #tpu.memory_space<vmem>>
        %dma_start3A_155 = tpu.memref_squeeze %dma_start3A_154 : memref<1x50xi32, #tpu.memory_space<vmem>> -> memref<50xi32, #tpu.memory_space<vmem>>
        %dma_start3A_156 = arith.constant 0 : i32
        %dma_start3A_157 = arith.constant 0 : i32
        %dma_start3A_158 = tpu.memref_slice %arg9[%dma_start3A_156, %dma_start3A_157] : memref<10240x128xf32, #tpu.memory_space<vmem_shared>> -> memref<10240x128xf32, #tpu.memory_space<vmem_shared>>
        tpu.enqueue_indirect_dma source(%arg14 : memref<50x128xf32, #tpu.memory_space<vmem>>) target(%dma_start3A_158 : memref<10240x128xf32, #tpu.memory_space<vmem_shared>>) offsets(%dma_start3A_155 : memref<50xi32, #tpu.memory_space<vmem>>) semaphore(%run_scoped3A : memref<!tpu.dma_semaphore, #tpu.memory_space<semaphore_mem>>) {add = true}
        %dma_wait3A_159 = arith.constant 0 : i32
        %dma_wait3A_160 = tpu.memref_slice %arg8[%add3A_138, %dma_wait3A_159] : memref<100x50xi32, #tpu.memory_space<vmem>> -> memref<1x50xi32, #tpu.memory_space<vmem>>
        %dma_wait3A_161 = tpu.memref_squeeze %dma_wait3A_160 : memref<1x50xi32, #tpu.memory_space<vmem>> -> memref<50xi32, #tpu.memory_space<vmem>>
        %dma_wait3A_162 = arith.constant 0 : i32
        %dma_wait3A_163 = arith.constant 0 : i32
        %dma_wait3A_164 = tpu.memref_slice %arg9[%dma_wait3A_162, %dma_wait3A_163] : memref<10240x128xf32, #tpu.memory_space<vmem_shared>> -> memref<10240x128xf32, #tpu.memory_space<vmem_shared>>
        tpu.wait_indirect_dma semaphore(%run_scoped3A : memref<!tpu.dma_semaphore, #tpu.memory_space<semaphore_mem>>) src(%arg14 : memref<50x128xf32, #tpu.memory_space<vmem>>) dst(%dma_wait3A_164 : memref<10240x128xf32, #tpu.memory_space<vmem_shared>>)
        tpu.yield
      }) : () -> ()
      %add3A_146 = arith.constant 1 : i32
      %add3A_147 = arith.addi %scan3A_64, %add3A_146 : i32
      %lt3A_148 = arith.constant 20 : i32
      %lt3A_149 = arith.cmpi slt, %add3A_147, %lt3A_148 : i32
      %convert_element_type3A_150 = arith.extui %lt3A_149 : i1 to i32
      %cond3A_151 = arith.constant 0 : i32
      %cond3A_152 = arith.cmpi ne, %convert_element_type3A_150, %cond3A_151 : i32
      scf.if %cond3A_152 {
        %add3A_153 = arith.constant 5 : i32
        %add3A_154 = arith.addi %add3A_138, %add3A_153 : i32
        %dma_start3A_155 = arith.constant 0 : i32
        %dma_start3A_156 = tpu.memref_slice %arg7[%add3A_154, %dma_start3A_155] : memref<100x50xi32, #tpu.memory_space<vmem>> -> memref<1x50xi32, #tpu.memory_space<vmem>>
        %dma_start3A_157 = tpu.memref_squeeze %dma_start3A_156 : memref<1x50xi32, #tpu.memory_space<vmem>> -> memref<50xi32, #tpu.memory_space<vmem>>
        %dma_start3A_158 = arith.constant 0 : i32
        %dma_start3A_159 = arith.constant 0 : i32
        %dma_start3A_160 = tpu.memref_slice %arg2[%dma_start3A_158, %dma_start3A_159] : memref<10000x128xf32, #tpu.memory_space<hbm>> -> memref<10000x128xf32, #tpu.memory_space<hbm>>
        tpu.enqueue_indirect_dma source(%dma_start3A_160 : memref<10000x128xf32, #tpu.memory_space<hbm>>) target(%arg14 : memref<50x128xf32, #tpu.memory_space<vmem>>) offsets(%dma_start3A_157 : memref<50xi32, #tpu.memory_space<vmem>>) semaphore(%arg19 : memref<!tpu.dma_semaphore, #tpu.memory_space<semaphore_mem>>)
      } else {
      }
    }
    %scan3A_58 = arith.constant 20 : i32
    %barrier3A_59 = arith.constant 0 : index
    tpu.barrier barrier_id(%barrier3A_59)
    %mul3A_60 = arith.constant 640 : i32
    %mul3A_61 = arith.muli %arg1, %mul3A_60 : i32
    %mul3A_62 = arith.constant 640 : i32
    %mul3A_63 = arith.muli %arg1, %mul3A_62 : i32
    "tpu.region"() ({
      %run_scoped3A = tpu.sem_alloc : memref<!tpu.dma_semaphore, #tpu.memory_space<semaphore_mem>>
      %dma_start3A_64 = arith.constant 0 : i32
      %dma_start3A_65 = tpu.memref_slice %arg6[%arg0, %mul3A_63, %dma_start3A_64] : memref<2x10240x128xf32, #tpu.memory_space<hbm>> -> memref<1x640x128xf32, #tpu.memory_space<hbm>>
      %dma_start3A_66 = tpu.memref_squeeze %dma_start3A_65 : memref<1x640x128xf32, #tpu.memory_space<hbm>> -> memref<640x128xf32, #tpu.memory_space<hbm>>
      %dma_start3A_67 = arith.constant 0 : i32
      %dma_start3A_68 = tpu.memref_slice %arg9[%mul3A_61, %dma_start3A_67] : memref<10240x128xf32, #tpu.memory_space<vmem_shared>> -> memref<640x128xf32, #tpu.memory_space<vmem_shared>>
      tpu.enqueue_dma source(%dma_start3A_68 : memref<640x128xf32, #tpu.memory_space<vmem_shared>>) target(%dma_start3A_66 : memref<640x128xf32, #tpu.memory_space<hbm>>) target_semaphore(%run_scoped3A : memref<!tpu.dma_semaphore, #tpu.memory_space<semaphore_mem>>)
      %dma_wait3A = arith.constant 0 : i32
      %dma_wait3A_69 = tpu.memref_slice %arg6[%arg0, %mul3A_63, %dma_wait3A] : memref<2x10240x128xf32, #tpu.memory_space<hbm>> -> memref<1x640x128xf32, #tpu.memory_space<hbm>>
      %dma_wait3A_70 = tpu.memref_squeeze %dma_wait3A_69 : memref<1x640x128xf32, #tpu.memory_space<hbm>> -> memref<640x128xf32, #tpu.memory_space<hbm>>
      %dma_wait3A_71 = arith.constant 0 : i32
      %dma_wait3A_72 = tpu.memref_slice %arg9[%mul3A_61, %dma_wait3A_71] : memref<10240x128xf32, #tpu.memory_space<vmem_shared>> -> memref<640x128xf32, #tpu.memory_space<vmem_shared>>
      tpu.wait_dma2 semaphore(%run_scoped3A : memref<!tpu.dma_semaphore, #tpu.memory_space<semaphore_mem>>) src(%dma_wait3A_72 : memref<640x128xf32, #tpu.memory_space<vmem_shared>>) dst(%dma_wait3A_70 : memref<640x128xf32, #tpu.memory_space<hbm>>)
      tpu.yield
    }) : () -> ()
    return
  }
}

#map = affine_map<(d0, d1) -> (0, 0, 0)>
#map1 = affine_map<(d0, d1) -> (0, 0)>
module attributes {stable_mosaic.version = 14 : i64} {
  func.func @_deg_body(%arg0: i32, %arg1: i32, %arg2: memref<2x16x5000xi32, #tpu.memory_space<hbm>>, %arg3: memref<2x10240xf32, #tpu.memory_space<hbm>>, %arg4: memref<5008xi32, #tpu.memory_space<vmem>>, %arg5: memref<10240xf32, #tpu.memory_space<vmem>>, %arg6: memref<640xf32, #tpu.memory_space<vmem>>, %arg7: memref<640xf32, #tpu.memory_space<vmem>>, %arg8: memref<16x10240xf32, #tpu.memory_space<vmem_shared>>) attributes {dimension_semantics = [#tpu.dimension_semantics<core_parallel>, #tpu.dimension_semantics<subcore_parallel>], iteration_bounds = array<i64: 2, 16>, scalar_prefetch = 0 : i64, scratch_operands = 5 : i64, tpu.core_type = #tpu.core_type<sc_vector_subcore>, window_params = [{transform_indices = #map}, {transform_indices = #map1}]} {
    %broadcast_in_dim3A = arith.constant 0.000000e+00 : f32
    %broadcast_in_dim3A_0 = vector.broadcast %broadcast_in_dim3A : f32 to vector<16xf32>
    %broadcast_in_dim3A_1 = arith.constant 10239 : i32
    %broadcast_in_dim3A_2 = vector.broadcast %broadcast_in_dim3A_1 : i32 to vector<16xi32>
    %swap3A = arith.constant 4992 : index
    %swap3A_3 = tpu.vector_load %arg4[%swap3A] {strides = array<i32>} : memref<5008xi32, #tpu.memory_space<vmem>>, vector<16xi32>,
    tpu.vector_store %arg4[%swap3A], %broadcast_in_dim3A_2 {strides = array<i32>} : memref<5008xi32, #tpu.memory_space<vmem>>, vector<16xi32>,
    "tpu.region"() ({
      %run_scoped3A_155 = tpu.sem_alloc : memref<!tpu.dma_semaphore, #tpu.memory_space<semaphore_mem>>
      %dma_start3A = arith.constant 0 : i32
      %dma_start3A_156 = tpu.memref_slice %arg4[%dma_start3A] : memref<5008xi32, #tpu.memory_space<vmem>> -> memref<5000xi32, #tpu.memory_space<vmem>>
      %dma_start3A_157 = arith.constant 0 : i32
      %dma_start3A_158 = tpu.memref_slice %arg2[%arg0, %arg1, %dma_start3A_157] : memref<2x16x5000xi32, #tpu.memory_space<hbm>> -> memref<1x1x5000xi32, #tpu.memory_space<hbm>>
      %dma_start3A_159 = tpu.memref_squeeze %dma_start3A_158 : memref<1x1x5000xi32, #tpu.memory_space<hbm>> -> memref<5000xi32, #tpu.memory_space<hbm>>
      %dma_start3A_160 = arith.constant 0 : i32
      %dma_start3A_161 = tpu.memref_slice %arg4[%dma_start3A_160] : memref<5008xi32, #tpu.memory_space<vmem>> -> memref<5000xi32, #tpu.memory_space<vmem>>
      %dma_start3A_162 = arith.constant 0 : i32
      %dma_start3A_163 = tpu.memref_slice %arg2[%arg0, %arg1, %dma_start3A_162] : memref<2x16x5000xi32, #tpu.memory_space<hbm>> -> memref<1x1x5000xi32, #tpu.memory_space<hbm>>
      %dma_start3A_164 = tpu.memref_squeeze %dma_start3A_163 : memref<1x1x5000xi32, #tpu.memory_space<hbm>> -> memref<5000xi32, #tpu.memory_space<hbm>>
      tpu.enqueue_dma source(%dma_start3A_164 : memref<5000xi32, #tpu.memory_space<hbm>>) target(%dma_start3A_161 : memref<5000xi32, #tpu.memory_space<vmem>>) target_semaphore(%run_scoped3A_155 : memref<!tpu.dma_semaphore, #tpu.memory_space<semaphore_mem>>)
      %dma_wait3A = arith.constant 0 : i32
      %dma_wait3A_165 = tpu.memref_slice %arg4[%dma_wait3A] : memref<5008xi32, #tpu.memory_space<vmem>> -> memref<5000xi32, #tpu.memory_space<vmem>>
      %dma_wait3A_166 = arith.constant 0 : i32
      %dma_wait3A_167 = tpu.memref_slice %arg2[%arg0, %arg1, %dma_wait3A_166] : memref<2x16x5000xi32, #tpu.memory_space<hbm>> -> memref<1x1x5000xi32, #tpu.memory_space<hbm>>
      %dma_wait3A_168 = tpu.memref_squeeze %dma_wait3A_167 : memref<1x1x5000xi32, #tpu.memory_space<hbm>> -> memref<5000xi32, #tpu.memory_space<hbm>>
      %dma_wait3A_169 = arith.constant 0 : i32
      %dma_wait3A_170 = tpu.memref_slice %arg4[%dma_wait3A_169] : memref<5008xi32, #tpu.memory_space<vmem>> -> memref<5000xi32, #tpu.memory_space<vmem>>
      %dma_wait3A_171 = arith.constant 0 : i32
      %dma_wait3A_172 = tpu.memref_slice %arg2[%arg0, %arg1, %dma_wait3A_171] : memref<2x16x5000xi32, #tpu.memory_space<hbm>> -> memref<1x1x5000xi32, #tpu.memory_space<hbm>>
      %dma_wait3A_173 = tpu.memref_squeeze %dma_wait3A_172 : memref<1x1x5000xi32, #tpu.memory_space<hbm>> -> memref<5000xi32, #tpu.memory_space<hbm>>
      tpu.wait_dma2 semaphore(%run_scoped3A_155 : memref<!tpu.dma_semaphore, #tpu.memory_space<semaphore_mem>>) src(%dma_wait3A_173 : memref<5000xi32, #tpu.memory_space<hbm>>) dst(%dma_wait3A_170 : memref<5000xi32, #tpu.memory_space<vmem>>)
      tpu.yield
    }) : () -> ()
    %scan3A = arith.constant 0 : i32
    %scan3A_4 = arith.constant 0 : i32
    %scan3A_5 = arith.constant 640 : i32
    %scan3A_6 = arith.addi %scan3A_4, %scan3A_5 : i32
    %scan3A_7 = arith.constant 1 : i32
    scf.for %scan3A_155 = %scan3A_4 to %scan3A_6 step %scan3A_7  : i32 {
      %mul3A_156 = arith.constant 16 : i32
      %mul3A_157 = arith.muli %scan3A_155, %mul3A_156 : i32
      %swap3A_158 = arith.index_cast %mul3A_157 : i32 to index
      %swap3A_159 = tpu.vector_load %arg5[%swap3A_158] {strides = array<i32>} : memref<10240xf32, #tpu.memory_space<vmem>>, vector<16xf32>,
      tpu.vector_store %arg5[%swap3A_158], %broadcast_in_dim3A_0 {strides = array<i32>} : memref<10240xf32, #tpu.memory_space<vmem>>, vector<16xf32>,
    }
    %scan3A_8 = arith.constant 640 : i32
    %broadcast_in_dim3A_9 = arith.constant 1.000000e+00 : f32
    %broadcast_in_dim3A_10 = vector.broadcast %broadcast_in_dim3A_9 : f32 to vector<16xf32>
    %scan3A_11 = arith.constant 0 : i32
    %scan3A_12 = arith.constant 0 : i32
    %scan3A_13 = arith.constant 313 : i32
    %scan3A_14 = arith.addi %scan3A_12, %scan3A_13 : i32
    %scan3A_15 = arith.constant 1 : i32
    scf.for %scan3A_155 = %scan3A_12 to %scan3A_14 step %scan3A_15  : i32 {
      %mul3A_156 = arith.constant 16 : i32
      %mul3A_157 = arith.muli %scan3A_155, %mul3A_156 : i32
      %get3A = arith.index_cast %mul3A_157 : i32 to index
      %get3A_158 = tpu.vector_load %arg4[%get3A] {strides = array<i32>} : memref<5008xi32, #tpu.memory_space<vmem>>, vector<16xi32>,
      tpu.vector_store_idx %arg5[%get3A_158], %broadcast_in_dim3A_10 {add = true} : memref<10240xf32, #tpu.memory_space<vmem>>[vector<16xi32>], vector<16xf32>,
    }
    %scan3A_16 = arith.constant 313 : i32
    "tpu.region"() ({
      %run_scoped3A_155 = tpu.sem_alloc : memref<!tpu.dma_semaphore, #tpu.memory_space<semaphore_mem>>
      %dma_start3A = arith.constant 0 : i32
      %dma_start3A_156 = tpu.memref_slice %arg8[%arg1, %dma_start3A] : memref<16x10240xf32, #tpu.memory_space<vmem_shared>> -> memref<1x10240xf32, #tpu.memory_space<vmem_shared>>
      %dma_start3A_157 = tpu.memref_squeeze %dma_start3A_156 : memref<1x10240xf32, #tpu.memory_space<vmem_shared>> -> memref<10240xf32, #tpu.memory_space<vmem_shared>>
      %dma_start3A_158 = arith.constant 0 : i32
      %dma_start3A_159 = tpu.memref_slice %arg8[%arg1, %dma_start3A_158] : memref<16x10240xf32, #tpu.memory_space<vmem_shared>> -> memref<1x10240xf32, #tpu.memory_space<vmem_shared>>
      %dma_start3A_160 = tpu.memref_squeeze %dma_start3A_159 : memref<1x10240xf32, #tpu.memory_space<vmem_shared>> -> memref<10240xf32, #tpu.memory_space<vmem_shared>>
      tpu.enqueue_dma source(%arg5 : memref<10240xf32, #tpu.memory_space<vmem>>) target(%dma_start3A_160 : memref<10240xf32, #tpu.memory_space<vmem_shared>>) target_semaphore(%run_scoped3A_155 : memref<!tpu.dma_semaphore, #tpu.memory_space<semaphore_mem>>)
      %dma_wait3A = arith.constant 0 : i32
      %dma_wait3A_161 = tpu.memref_slice %arg8[%arg1, %dma_wait3A] : memref<16x10240xf32, #tpu.memory_space<vmem_shared>> -> memref<1x10240xf32, #tpu.memory_space<vmem_shared>>
      %dma_wait3A_162 = tpu.memref_squeeze %dma_wait3A_161 : memref<1x10240xf32, #tpu.memory_space<vmem_shared>> -> memref<10240xf32, #tpu.memory_space<vmem_shared>>
      %dma_wait3A_163 = arith.constant 0 : i32
      %dma_wait3A_164 = tpu.memref_slice %arg8[%arg1, %dma_wait3A_163] : memref<16x10240xf32, #tpu.memory_space<vmem_shared>> -> memref<1x10240xf32, #tpu.memory_space<vmem_shared>>
      %dma_wait3A_165 = tpu.memref_squeeze %dma_wait3A_164 : memref<1x10240xf32, #tpu.memory_space<vmem_shared>> -> memref<10240xf32, #tpu.memory_space<vmem_shared>>
      tpu.wait_dma2 semaphore(%run_scoped3A_155 : memref<!tpu.dma_semaphore, #tpu.memory_space<semaphore_mem>>) src(%arg5 : memref<10240xf32, #tpu.memory_space<vmem>>) dst(%dma_wait3A_165 : memref<10240xf32, #tpu.memory_space<vmem_shared>>)
      tpu.yield
    }) : () -> ()
    %barrier3A = arith.constant 0 : index
    tpu.barrier barrier_id(%barrier3A)
    %mul3A = arith.constant 640 : i32
    %mul3A_17 = arith.muli %arg1, %mul3A : i32
    %run_scoped3A = arith.constant 0 : i32
    "tpu.region"() ({
      %run_scoped3A_155 = tpu.sem_alloc : memref<!tpu.dma_semaphore, #tpu.memory_space<semaphore_mem>>
      %dma_start3A = tpu.memref_slice %arg8[%run_scoped3A, %mul3A_17] : memref<16x10240xf32, #tpu.memory_space<vmem_shared>> -> memref<1x640xf32, #tpu.memory_space<vmem_shared>>
      %dma_start3A_156 = tpu.memref_squeeze %dma_start3A : memref<1x640xf32, #tpu.memory_space<vmem_shared>> -> memref<640xf32, #tpu.memory_space<vmem_shared>>
      %dma_start3A_157 = tpu.memref_slice %arg8[%run_scoped3A, %mul3A_17] : memref<16x10240xf32, #tpu.memory_space<vmem_shared>> -> memref<1x640xf32, #tpu.memory_space<vmem_shared>>
      %dma_start3A_158 = tpu.memref_squeeze %dma_start3A_157 : memref<1x640xf32, #tpu.memory_space<vmem_shared>> -> memref<640xf32, #tpu.memory_space<vmem_shared>>
      tpu.enqueue_dma source(%dma_start3A_158 : memref<640xf32, #tpu.memory_space<vmem_shared>>) target(%arg7 : memref<640xf32, #tpu.memory_space<vmem>>) target_semaphore(%run_scoped3A_155 : memref<!tpu.dma_semaphore, #tpu.memory_space<semaphore_mem>>)
      %dma_wait3A = tpu.memref_slice %arg8[%run_scoped3A, %mul3A_17] : memref<16x10240xf32, #tpu.memory_space<vmem_shared>> -> memref<1x640xf32, #tpu.memory_space<vmem_shared>>
      %dma_wait3A_159 = tpu.memref_squeeze %dma_wait3A : memref<1x640xf32, #tpu.memory_space<vmem_shared>> -> memref<640xf32, #tpu.memory_space<vmem_shared>>
      %dma_wait3A_160 = tpu.memref_slice %arg8[%run_scoped3A, %mul3A_17] : memref<16x10240xf32, #tpu.memory_space<vmem_shared>> -> memref<1x640xf32, #tpu.memory_space<vmem_shared>>
      %dma_wait3A_161 = tpu.memref_squeeze %dma_wait3A_160 : memref<1x640xf32, #tpu.memory_space<vmem_shared>> -> memref<640xf32, #tpu.memory_space<vmem_shared>>
      tpu.wait_dma2 semaphore(%run_scoped3A_155 : memref<!tpu.dma_semaphore, #tpu.memory_space<semaphore_mem>>) src(%dma_wait3A_161 : memref<640xf32, #tpu.memory_space<vmem_shared>>) dst(%arg7 : memref<640xf32, #tpu.memory_space<vmem>>)
      tpu.yield
    }) : () -> ()
    %mul3A_18 = arith.constant 640 : i32
    %mul3A_19 = arith.muli %arg1, %mul3A_18 : i32
    %run_scoped3A_20 = arith.constant 1 : i32
    "tpu.region"() ({
      %run_scoped3A_155 = tpu.sem_alloc : memref<!tpu.dma_semaphore, #tpu.memory_space<semaphore_mem>>
      %dma_start3A = tpu.memref_slice %arg8[%run_scoped3A_20, %mul3A_19] : memref<16x10240xf32, #tpu.memory_space<vmem_shared>> -> memref<1x640xf32, #tpu.memory_space<vmem_shared>>
      %dma_start3A_156 = tpu.memref_squeeze %dma_start3A : memref<1x640xf32, #tpu.memory_space<vmem_shared>> -> memref<640xf32, #tpu.memory_space<vmem_shared>>
      %dma_start3A_157 = tpu.memref_slice %arg8[%run_scoped3A_20, %mul3A_19] : memref<16x10240xf32, #tpu.memory_space<vmem_shared>> -> memref<1x640xf32, #tpu.memory_space<vmem_shared>>
      %dma_start3A_158 = tpu.memref_squeeze %dma_start3A_157 : memref<1x640xf32, #tpu.memory_space<vmem_shared>> -> memref<640xf32, #tpu.memory_space<vmem_shared>>
      tpu.enqueue_dma source(%dma_start3A_158 : memref<640xf32, #tpu.memory_space<vmem_shared>>) target(%arg6 : memref<640xf32, #tpu.memory_space<vmem>>) target_semaphore(%run_scoped3A_155 : memref<!tpu.dma_semaphore, #tpu.memory_space<semaphore_mem>>)
      %dma_wait3A = tpu.memref_slice %arg8[%run_scoped3A_20, %mul3A_19] : memref<16x10240xf32, #tpu.memory_space<vmem_shared>> -> memref<1x640xf32, #tpu.memory_space<vmem_shared>>
      %dma_wait3A_159 = tpu.memref_squeeze %dma_wait3A : memref<1x640xf32, #tpu.memory_space<vmem_shared>> -> memref<640xf32, #tpu.memory_space<vmem_shared>>
      %dma_wait3A_160 = tpu.memref_slice %arg8[%run_scoped3A_20, %mul3A_19] : memref<16x10240xf32, #tpu.memory_space<vmem_shared>> -> memref<1x640xf32, #tpu.memory_space<vmem_shared>>
      %dma_wait3A_161 = tpu.memref_squeeze %dma_wait3A_160 : memref<1x640xf32, #tpu.memory_space<vmem_shared>> -> memref<640xf32, #tpu.memory_space<vmem_shared>>
      tpu.wait_dma2 semaphore(%run_scoped3A_155 : memref<!tpu.dma_semaphore, #tpu.memory_space<semaphore_mem>>) src(%dma_wait3A_161 : memref<640xf32, #tpu.memory_space<vmem_shared>>) dst(%arg6 : memref<640xf32, #tpu.memory_space<vmem>>)
      tpu.yield
    }) : () -> ()
    %scan3A_21 = arith.constant 0 : i32
    %scan3A_22 = arith.constant 0 : i32
    %scan3A_23 = arith.constant 40 : i32
    %scan3A_24 = arith.addi %scan3A_22, %scan3A_23 : i32
    %scan3A_25 = arith.constant 1 : i32
    scf.for %scan3A_155 = %scan3A_22 to %scan3A_24 step %scan3A_25  : i32 {
      %mul3A_156 = arith.constant 16 : i32
      %mul3A_157 = arith.muli %scan3A_155, %mul3A_156 : i32
      %get3A = arith.index_cast %mul3A_157 : i32 to index
      %get3A_158 = tpu.vector_load %arg7[%get3A] {strides = array<i32>} : memref<640xf32, #tpu.memory_space<vmem>>, vector<16xf32>,
      %mul3A_159 = arith.constant 16 : i32
      %mul3A_160 = arith.muli %scan3A_155, %mul3A_159 : i32
      %get3A_161 = arith.index_cast %mul3A_160 : i32 to index
      %get3A_162 = tpu.vector_load %arg6[%get3A_161] {strides = array<i32>} : memref<640xf32, #tpu.memory_space<vmem>>, vector<16xf32>,
      %add3A = arith.addf %get3A_158, %get3A_162 : vector<16xf32>
      %mul3A_163 = arith.constant 16 : i32
      %mul3A_164 = arith.muli %scan3A_155, %mul3A_163 : i32
      %swap3A_165 = arith.index_cast %mul3A_164 : i32 to index
      %swap3A_166 = tpu.vector_load %arg7[%swap3A_165] {strides = array<i32>} : memref<640xf32, #tpu.memory_space<vmem>>, vector<16xf32>,
      tpu.vector_store %arg7[%swap3A_165], %add3A {strides = array<i32>} : memref<640xf32, #tpu.memory_space<vmem>>, vector<16xf32>,
    }
    %scan3A_26 = arith.constant 40 : i32
    %mul3A_27 = arith.constant 640 : i32
    %mul3A_28 = arith.muli %arg1, %mul3A_27 : i32
    %run_scoped3A_29 = arith.constant 2 : i32
    "tpu.region"() ({
      %run_scoped3A_155 = tpu.sem_alloc : memref<!tpu.dma_semaphore, #tpu.memory_space<semaphore_mem>>
      %dma_start3A = tpu.memref_slice %arg8[%run_scoped3A_29, %mul3A_28] : memref<16x10240xf32, #tpu.memory_space<vmem_shared>> -> memref<1x640xf32, #tpu.memory_space<vmem_shared>>
      %dma_start3A_156 = tpu.memref_squeeze %dma_start3A : memref<1x640xf32, #tpu.memory_space<vmem_shared>> -> memref<640xf32, #tpu.memory_space<vmem_shared>>
      %dma_start3A_157 = tpu.memref_slice %arg8[%run_scoped3A_29, %mul3A_28] : memref<16x10240xf32, #tpu.memory_space<vmem_shared>> -> memref<1x640xf32, #tpu.memory_space<vmem_shared>>
      %dma_start3A_158 = tpu.memref_squeeze %dma_start3A_157 : memref<1x640xf32, #tpu.memory_space<vmem_shared>> -> memref<640xf32, #tpu.memory_space<vmem_shared>>
      tpu.enqueue_dma source(%dma_start3A_158 : memref<640xf32, #tpu.memory_space<vmem_shared>>) target(%arg6 : memref<640xf32, #tpu.memory_space<vmem>>) target_semaphore(%run_scoped3A_155 : memref<!tpu.dma_semaphore, #tpu.memory_space<semaphore_mem>>)
      %dma_wait3A = tpu.memref_slice %arg8[%run_scoped3A_29, %mul3A_28] : memref<16x10240xf32, #tpu.memory_space<vmem_shared>> -> memref<1x640xf32, #tpu.memory_space<vmem_shared>>
      %dma_wait3A_159 = tpu.memref_squeeze %dma_wait3A : memref<1x640xf32, #tpu.memory_space<vmem_shared>> -> memref<640xf32, #tpu.memory_space<vmem_shared>>
      %dma_wait3A_160 = tpu.memref_slice %arg8[%run_scoped3A_29, %mul3A_28] : memref<16x10240xf32, #tpu.memory_space<vmem_shared>> -> memref<1x640xf32, #tpu.memory_space<vmem_shared>>
      %dma_wait3A_161 = tpu.memref_squeeze %dma_wait3A_160 : memref<1x640xf32, #tpu.memory_space<vmem_shared>> -> memref<640xf32, #tpu.memory_space<vmem_shared>>
      tpu.wait_dma2 semaphore(%run_scoped3A_155 : memref<!tpu.dma_semaphore, #tpu.memory_space<semaphore_mem>>) src(%dma_wait3A_161 : memref<640xf32, #tpu.memory_space<vmem_shared>>) dst(%arg6 : memref<640xf32, #tpu.memory_space<vmem>>)
      tpu.yield
    }) : () -> ()
    %scan3A_30 = arith.constant 0 : i32
    %scan3A_31 = arith.constant 0 : i32
    %scan3A_32 = arith.constant 40 : i32
    %scan3A_33 = arith.addi %scan3A_31, %scan3A_32 : i32
    %scan3A_34 = arith.constant 1 : i32
    scf.for %scan3A_155 = %scan3A_31 to %scan3A_33 step %scan3A_34  : i32 {
      %mul3A_156 = arith.constant 16 : i32
      %mul3A_157 = arith.muli %scan3A_155, %mul3A_156 : i32
      %get3A = arith.index_cast %mul3A_157 : i32 to index
      %get3A_158 = tpu.vector_load %arg7[%get3A] {strides = array<i32>} : memref<640xf32, #tpu.memory_space<vmem>>, vector<16xf32>,
      %mul3A_159 = arith.constant 16 : i32
      %mul3A_160 = arith.muli %scan3A_155, %mul3A_159 : i32
      %get3A_161 = arith.index_cast %mul3A_160 : i32 to index
      %get3A_162 = tpu.vector_load %arg6[%get3A_161] {strides = array<i32>} : memref<640xf32, #tpu.memory_space<vmem>>, vector<16xf32>,
      %add3A = arith.addf %get3A_158, %get3A_162 : vector<16xf32>
      %mul3A_163 = arith.constant 16 : i32
      %mul3A_164 = arith.muli %scan3A_155, %mul3A_163 : i32
      %swap3A_165 = arith.index_cast %mul3A_164 : i32 to index
      %swap3A_166 = tpu.vector_load %arg7[%swap3A_165] {strides = array<i32>} : memref<640xf32, #tpu.memory_space<vmem>>, vector<16xf32>,
      tpu.vector_store %arg7[%swap3A_165], %add3A {strides = array<i32>} : memref<640xf32, #tpu.memory_space<vmem>>, vector<16xf32>,
    }
    %scan3A_35 = arith.constant 40 : i32
    %mul3A_36 = arith.constant 640 : i32
    %mul3A_37 = arith.muli %arg1, %mul3A_36 : i32
    %run_scoped3A_38 = arith.constant 3 : i32
    "tpu.region"() ({
      %run_scoped3A_155 = tpu.sem_alloc : memref<!tpu.dma_semaphore, #tpu.memory_space<semaphore_mem>>
      %dma_start3A = tpu.memref_slice %arg8[%run_scoped3A_38, %mul3A_37] : memref<16x10240xf32, #tpu.memory_space<vmem_shared>> -> memref<1x640xf32, #tpu.memory_space<vmem_shared>>
      %dma_start3A_156 = tpu.memref_squeeze %dma_start3A : memref<1x640xf32, #tpu.memory_space<vmem_shared>> -> memref<640xf32, #tpu.memory_space<vmem_shared>>
      %dma_start3A_157 = tpu.memref_slice %arg8[%run_scoped3A_38, %mul3A_37] : memref<16x10240xf32, #tpu.memory_space<vmem_shared>> -> memref<1x640xf32, #tpu.memory_space<vmem_shared>>
      %dma_start3A_158 = tpu.memref_squeeze %dma_start3A_157 : memref<1x640xf32, #tpu.memory_space<vmem_shared>> -> memref<640xf32, #tpu.memory_space<vmem_shared>>
      tpu.enqueue_dma source(%dma_start3A_158 : memref<640xf32, #tpu.memory_space<vmem_shared>>) target(%arg6 : memref<640xf32, #tpu.memory_space<vmem>>) target_semaphore(%run_scoped3A_155 : memref<!tpu.dma_semaphore, #tpu.memory_space<semaphore_mem>>)
      %dma_wait3A = tpu.memref_slice %arg8[%run_scoped3A_38, %mul3A_37] : memref<16x10240xf32, #tpu.memory_space<vmem_shared>> -> memref<1x640xf32, #tpu.memory_space<vmem_shared>>
      %dma_wait3A_159 = tpu.memref_squeeze %dma_wait3A : memref<1x640xf32, #tpu.memory_space<vmem_shared>> -> memref<640xf32, #tpu.memory_space<vmem_shared>>
      %dma_wait3A_160 = tpu.memref_slice %arg8[%run_scoped3A_38, %mul3A_37] : memref<16x10240xf32, #tpu.memory_space<vmem_shared>> -> memref<1x640xf32, #tpu.memory_space<vmem_shared>>
      %dma_wait3A_161 = tpu.memref_squeeze %dma_wait3A_160 : memref<1x640xf32, #tpu.memory_space<vmem_shared>> -> memref<640xf32, #tpu.memory_space<vmem_shared>>
      tpu.wait_dma2 semaphore(%run_scoped3A_155 : memref<!tpu.dma_semaphore, #tpu.memory_space<semaphore_mem>>) src(%dma_wait3A_161 : memref<640xf32, #tpu.memory_space<vmem_shared>>) dst(%arg6 : memref<640xf32, #tpu.memory_space<vmem>>)
      tpu.yield
    }) : () -> ()
    %scan3A_39 = arith.constant 0 : i32
    %scan3A_40 = arith.constant 0 : i32
    %scan3A_41 = arith.constant 40 : i32
    %scan3A_42 = arith.addi %scan3A_40, %scan3A_41 : i32
    %scan3A_43 = arith.constant 1 : i32
    scf.for %scan3A_155 = %scan3A_40 to %scan3A_42 step %scan3A_43  : i32 {
      %mul3A_156 = arith.constant 16 : i32
      %mul3A_157 = arith.muli %scan3A_155, %mul3A_156 : i32
      %get3A = arith.index_cast %mul3A_157 : i32 to index
      %get3A_158 = tpu.vector_load %arg7[%get3A] {strides = array<i32>} : memref<640xf32, #tpu.memory_space<vmem>>, vector<16xf32>,
      %mul3A_159 = arith.constant 16 : i32
      %mul3A_160 = arith.muli %scan3A_155, %mul3A_159 : i32
      %get3A_161 = arith.index_cast %mul3A_160 : i32 to index
      %get3A_162 = tpu.vector_load %arg6[%get3A_161] {strides = array<i32>} : memref<640xf32, #tpu.memory_space<vmem>>, vector<16xf32>,
      %add3A = arith.addf %get3A_158, %get3A_162 : vector<16xf32>
      %mul3A_163 = arith.constant 16 : i32
      %mul3A_164 = arith.muli %scan3A_155, %mul3A_163 : i32
      %swap3A_165 = arith.index_cast %mul3A_164 : i32 to index
      %swap3A_166 = tpu.vector_load %arg7[%swap3A_165] {strides = array<i32>} : memref<640xf32, #tpu.memory_space<vmem>>, vector<16xf32>,
      tpu.vector_store %arg7[%swap3A_165], %add3A {strides = array<i32>} : memref<640xf32, #tpu.memory_space<vmem>>, vector<16xf32>,
    }
    %scan3A_44 = arith.constant 40 : i32
    %mul3A_45 = arith.constant 640 : i32
    %mul3A_46 = arith.muli %arg1, %mul3A_45 : i32
    %run_scoped3A_47 = arith.constant 4 : i32
    "tpu.region"() ({
      %run_scoped3A_155 = tpu.sem_alloc : memref<!tpu.dma_semaphore, #tpu.memory_space<semaphore_mem>>
      %dma_start3A = tpu.memref_slice %arg8[%run_scoped3A_47, %mul3A_46] : memref<16x10240xf32, #tpu.memory_space<vmem_shared>> -> memref<1x640xf32, #tpu.memory_space<vmem_shared>>
      %dma_start3A_156 = tpu.memref_squeeze %dma_start3A : memref<1x640xf32, #tpu.memory_space<vmem_shared>> -> memref<640xf32, #tpu.memory_space<vmem_shared>>
      %dma_start3A_157 = tpu.memref_slice %arg8[%run_scoped3A_47, %mul3A_46] : memref<16x10240xf32, #tpu.memory_space<vmem_shared>> -> memref<1x640xf32, #tpu.memory_space<vmem_shared>>
      %dma_start3A_158 = tpu.memref_squeeze %dma_start3A_157 : memref<1x640xf32, #tpu.memory_space<vmem_shared>> -> memref<640xf32, #tpu.memory_space<vmem_shared>>
      tpu.enqueue_dma source(%dma_start3A_158 : memref<640xf32, #tpu.memory_space<vmem_shared>>) target(%arg6 : memref<640xf32, #tpu.memory_space<vmem>>) target_semaphore(%run_scoped3A_155 : memref<!tpu.dma_semaphore, #tpu.memory_space<semaphore_mem>>)
      %dma_wait3A = tpu.memref_slice %arg8[%run_scoped3A_47, %mul3A_46] : memref<16x10240xf32, #tpu.memory_space<vmem_shared>> -> memref<1x640xf32, #tpu.memory_space<vmem_shared>>
      %dma_wait3A_159 = tpu.memref_squeeze %dma_wait3A : memref<1x640xf32, #tpu.memory_space<vmem_shared>> -> memref<640xf32, #tpu.memory_space<vmem_shared>>
      %dma_wait3A_160 = tpu.memref_slice %arg8[%run_scoped3A_47, %mul3A_46] : memref<16x10240xf32, #tpu.memory_space<vmem_shared>> -> memref<1x640xf32, #tpu.memory_space<vmem_shared>>
      %dma_wait3A_161 = tpu.memref_squeeze %dma_wait3A_160 : memref<1x640xf32, #tpu.memory_space<vmem_shared>> -> memref<640xf32, #tpu.memory_space<vmem_shared>>
      tpu.wait_dma2 semaphore(%run_scoped3A_155 : memref<!tpu.dma_semaphore, #tpu.memory_space<semaphore_mem>>) src(%dma_wait3A_161 : memref<640xf32, #tpu.memory_space<vmem_shared>>) dst(%arg6 : memref<640xf32, #tpu.memory_space<vmem>>)
      tpu.yield
    }) : () -> ()
    %scan3A_48 = arith.constant 0 : i32
    %scan3A_49 = arith.constant 0 : i32
    %scan3A_50 = arith.constant 40 : i32
    %scan3A_51 = arith.addi %scan3A_49, %scan3A_50 : i32
    %scan3A_52 = arith.constant 1 : i32
    scf.for %scan3A_155 = %scan3A_49 to %scan3A_51 step %scan3A_52  : i32 {
      %mul3A_156 = arith.constant 16 : i32
      %mul3A_157 = arith.muli %scan3A_155, %mul3A_156 : i32
      %get3A = arith.index_cast %mul3A_157 : i32 to index
      %get3A_158 = tpu.vector_load %arg7[%get3A] {strides = array<i32>} : memref<640xf32, #tpu.memory_space<vmem>>, vector<16xf32>,
      %mul3A_159 = arith.constant 16 : i32
      %mul3A_160 = arith.muli %scan3A_155, %mul3A_159 : i32
      %get3A_161 = arith.index_cast %mul3A_160 : i32 to index
      %get3A_162 = tpu.vector_load %arg6[%get3A_161] {strides = array<i32>} : memref<640xf32, #tpu.memory_space<vmem>>, vector<16xf32>,
      %add3A = arith.addf %get3A_158, %get3A_162 : vector<16xf32>
      %mul3A_163 = arith.constant 16 : i32
      %mul3A_164 = arith.muli %scan3A_155, %mul3A_163 : i32
      %swap3A_165 = arith.index_cast %mul3A_164 : i32 to index
      %swap3A_166 = tpu.vector_load %arg7[%swap3A_165] {strides = array<i32>} : memref<640xf32, #tpu.memory_space<vmem>>, vector<16xf32>,
      tpu.vector_store %arg7[%swap3A_165], %add3A {strides = array<i32>} : memref<640xf32, #tpu.memory_space<vmem>>, vector<16xf32>,
    }
    %scan3A_53 = arith.constant 40 : i32
    %mul3A_54 = arith.constant 640 : i32
    %mul3A_55 = arith.muli %arg1, %mul3A_54 : i32
    %run_scoped3A_56 = arith.constant 5 : i32
    "tpu.region"() ({
      %run_scoped3A_155 = tpu.sem_alloc : memref<!tpu.dma_semaphore, #tpu.memory_space<semaphore_mem>>
      %dma_start3A = tpu.memref_slice %arg8[%run_scoped3A_56, %mul3A_55] : memref<16x10240xf32, #tpu.memory_space<vmem_shared>> -> memref<1x640xf32, #tpu.memory_space<vmem_shared>>
      %dma_start3A_156 = tpu.memref_squeeze %dma_start3A : memref<1x640xf32, #tpu.memory_space<vmem_shared>> -> memref<640xf32, #tpu.memory_space<vmem_shared>>
      %dma_start3A_157 = tpu.memref_slice %arg8[%run_scoped3A_56, %mul3A_55] : memref<16x10240xf32, #tpu.memory_space<vmem_shared>> -> memref<1x640xf32, #tpu.memory_space<vmem_shared>>
      %dma_start3A_158 = tpu.memref_squeeze %dma_start3A_157 : memref<1x640xf32, #tpu.memory_space<vmem_shared>> -> memref<640xf32, #tpu.memory_space<vmem_shared>>
      tpu.enqueue_dma source(%dma_start3A_158 : memref<640xf32, #tpu.memory_space<vmem_shared>>) target(%arg6 : memref<640xf32, #tpu.memory_space<vmem>>) target_semaphore(%run_scoped3A_155 : memref<!tpu.dma_semaphore, #tpu.memory_space<semaphore_mem>>)
      %dma_wait3A = tpu.memref_slice %arg8[%run_scoped3A_56, %mul3A_55] : memref<16x10240xf32, #tpu.memory_space<vmem_shared>> -> memref<1x640xf32, #tpu.memory_space<vmem_shared>>
      %dma_wait3A_159 = tpu.memref_squeeze %dma_wait3A : memref<1x640xf32, #tpu.memory_space<vmem_shared>> -> memref<640xf32, #tpu.memory_space<vmem_shared>>
      %dma_wait3A_160 = tpu.memref_slice %arg8[%run_scoped3A_56, %mul3A_55] : memref<16x10240xf32, #tpu.memory_space<vmem_shared>> -> memref<1x640xf32, #tpu.memory_space<vmem_shared>>
      %dma_wait3A_161 = tpu.memref_squeeze %dma_wait3A_160 : memref<1x640xf32, #tpu.memory_space<vmem_shared>> -> memref<640xf32, #tpu.memory_space<vmem_shared>>
      tpu.wait_dma2 semaphore(%run_scoped3A_155 : memref<!tpu.dma_semaphore, #tpu.memory_space<semaphore_mem>>) src(%dma_wait3A_161 : memref<640xf32, #tpu.memory_space<vmem_shared>>) dst(%arg6 : memref<640xf32, #tpu.memory_space<vmem>>)
      tpu.yield
    }) : () -> ()
    %scan3A_57 = arith.constant 0 : i32
    %scan3A_58 = arith.constant 0 : i32
    %scan3A_59 = arith.constant 40 : i32
    %scan3A_60 = arith.addi %scan3A_58, %scan3A_59 : i32
    %scan3A_61 = arith.constant 1 : i32
    scf.for %scan3A_155 = %scan3A_58 to %scan3A_60 step %scan3A_61  : i32 {
      %mul3A_156 = arith.constant 16 : i32
      %mul3A_157 = arith.muli %scan3A_155, %mul3A_156 : i32
      %get3A = arith.index_cast %mul3A_157 : i32 to index
      %get3A_158 = tpu.vector_load %arg7[%get3A] {strides = array<i32>} : memref<640xf32, #tpu.memory_space<vmem>>, vector<16xf32>,
      %mul3A_159 = arith.constant 16 : i32
      %mul3A_160 = arith.muli %scan3A_155, %mul3A_159 : i32
      %get3A_161 = arith.index_cast %mul3A_160 : i32 to index
      %get3A_162 = tpu.vector_load %arg6[%get3A_161] {strides = array<i32>} : memref<640xf32, #tpu.memory_space<vmem>>, vector<16xf32>,
      %add3A = arith.addf %get3A_158, %get3A_162 : vector<16xf32>
      %mul3A_163 = arith.constant 16 : i32
      %mul3A_164 = arith.muli %scan3A_155, %mul3A_163 : i32
      %swap3A_165 = arith.index_cast %mul3A_164 : i32 to index
      %swap3A_166 = tpu.vector_load %arg7[%swap3A_165] {strides = array<i32>} : memref<640xf32, #tpu.memory_space<vmem>>, vector<16xf32>,
      tpu.vector_store %arg7[%swap3A_165], %add3A {strides = array<i32>} : memref<640xf32, #tpu.memory_space<vmem>>, vector<16xf32>,
    }
    %scan3A_62 = arith.constant 40 : i32
    %mul3A_63 = arith.constant 640 : i32
    %mul3A_64 = arith.muli %arg1, %mul3A_63 : i32
    %run_scoped3A_65 = arith.constant 6 : i32
    "tpu.region"() ({
      %run_scoped3A_155 = tpu.sem_alloc : memref<!tpu.dma_semaphore, #tpu.memory_space<semaphore_mem>>
      %dma_start3A = tpu.memref_slice %arg8[%run_scoped3A_65, %mul3A_64] : memref<16x10240xf32, #tpu.memory_space<vmem_shared>> -> memref<1x640xf32, #tpu.memory_space<vmem_shared>>
      %dma_start3A_156 = tpu.memref_squeeze %dma_start3A : memref<1x640xf32, #tpu.memory_space<vmem_shared>> -> memref<640xf32, #tpu.memory_space<vmem_shared>>
      %dma_start3A_157 = tpu.memref_slice %arg8[%run_scoped3A_65, %mul3A_64] : memref<16x10240xf32, #tpu.memory_space<vmem_shared>> -> memref<1x640xf32, #tpu.memory_space<vmem_shared>>
      %dma_start3A_158 = tpu.memref_squeeze %dma_start3A_157 : memref<1x640xf32, #tpu.memory_space<vmem_shared>> -> memref<640xf32, #tpu.memory_space<vmem_shared>>
      tpu.enqueue_dma source(%dma_start3A_158 : memref<640xf32, #tpu.memory_space<vmem_shared>>) target(%arg6 : memref<640xf32, #tpu.memory_space<vmem>>) target_semaphore(%run_scoped3A_155 : memref<!tpu.dma_semaphore, #tpu.memory_space<semaphore_mem>>)
      %dma_wait3A = tpu.memref_slice %arg8[%run_scoped3A_65, %mul3A_64] : memref<16x10240xf32, #tpu.memory_space<vmem_shared>> -> memref<1x640xf32, #tpu.memory_space<vmem_shared>>
      %dma_wait3A_159 = tpu.memref_squeeze %dma_wait3A : memref<1x640xf32, #tpu.memory_space<vmem_shared>> -> memref<640xf32, #tpu.memory_space<vmem_shared>>
      %dma_wait3A_160 = tpu.memref_slice %arg8[%run_scoped3A_65, %mul3A_64] : memref<16x10240xf32, #tpu.memory_space<vmem_shared>> -> memref<1x640xf32, #tpu.memory_space<vmem_shared>>
      %dma_wait3A_161 = tpu.memref_squeeze %dma_wait3A_160 : memref<1x640xf32, #tpu.memory_space<vmem_shared>> -> memref<640xf32, #tpu.memory_space<vmem_shared>>
      tpu.wait_dma2 semaphore(%run_scoped3A_155 : memref<!tpu.dma_semaphore, #tpu.memory_space<semaphore_mem>>) src(%dma_wait3A_161 : memref<640xf32, #tpu.memory_space<vmem_shared>>) dst(%arg6 : memref<640xf32, #tpu.memory_space<vmem>>)
      tpu.yield
    }) : () -> ()
    %scan3A_66 = arith.constant 0 : i32
    %scan3A_67 = arith.constant 0 : i32
    %scan3A_68 = arith.constant 40 : i32
    %scan3A_69 = arith.addi %scan3A_67, %scan3A_68 : i32
    %scan3A_70 = arith.constant 1 : i32
    scf.for %scan3A_155 = %scan3A_67 to %scan3A_69 step %scan3A_70  : i32 {
      %mul3A_156 = arith.constant 16 : i32
      %mul3A_157 = arith.muli %scan3A_155, %mul3A_156 : i32
      %get3A = arith.index_cast %mul3A_157 : i32 to index
      %get3A_158 = tpu.vector_load %arg7[%get3A] {strides = array<i32>} : memref<640xf32, #tpu.memory_space<vmem>>, vector<16xf32>,
      %mul3A_159 = arith.constant 16 : i32
      %mul3A_160 = arith.muli %scan3A_155, %mul3A_159 : i32
      %get3A_161 = arith.index_cast %mul3A_160 : i32 to index
      %get3A_162 = tpu.vector_load %arg6[%get3A_161] {strides = array<i32>} : memref<640xf32, #tpu.memory_space<vmem>>, vector<16xf32>,
      %add3A = arith.addf %get3A_158, %get3A_162 : vector<16xf32>
      %mul3A_163 = arith.constant 16 : i32
      %mul3A_164 = arith.muli %scan3A_155, %mul3A_163 : i32
      %swap3A_165 = arith.index_cast %mul3A_164 : i32 to index
      %swap3A_166 = tpu.vector_load %arg7[%swap3A_165] {strides = array<i32>} : memref<640xf32, #tpu.memory_space<vmem>>, vector<16xf32>,
      tpu.vector_store %arg7[%swap3A_165], %add3A {strides = array<i32>} : memref<640xf32, #tpu.memory_space<vmem>>, vector<16xf32>,
    }
    %scan3A_71 = arith.constant 40 : i32
    %mul3A_72 = arith.constant 640 : i32
    %mul3A_73 = arith.muli %arg1, %mul3A_72 : i32
    %run_scoped3A_74 = arith.constant 7 : i32
    "tpu.region"() ({
      %run_scoped3A_155 = tpu.sem_alloc : memref<!tpu.dma_semaphore, #tpu.memory_space<semaphore_mem>>
      %dma_start3A = tpu.memref_slice %arg8[%run_scoped3A_74, %mul3A_73] : memref<16x10240xf32, #tpu.memory_space<vmem_shared>> -> memref<1x640xf32, #tpu.memory_space<vmem_shared>>
      %dma_start3A_156 = tpu.memref_squeeze %dma_start3A : memref<1x640xf32, #tpu.memory_space<vmem_shared>> -> memref<640xf32, #tpu.memory_space<vmem_shared>>
      %dma_start3A_157 = tpu.memref_slice %arg8[%run_scoped3A_74, %mul3A_73] : memref<16x10240xf32, #tpu.memory_space<vmem_shared>> -> memref<1x640xf32, #tpu.memory_space<vmem_shared>>
      %dma_start3A_158 = tpu.memref_squeeze %dma_start3A_157 : memref<1x640xf32, #tpu.memory_space<vmem_shared>> -> memref<640xf32, #tpu.memory_space<vmem_shared>>
      tpu.enqueue_dma source(%dma_start3A_158 : memref<640xf32, #tpu.memory_space<vmem_shared>>) target(%arg6 : memref<640xf32, #tpu.memory_space<vmem>>) target_semaphore(%run_scoped3A_155 : memref<!tpu.dma_semaphore, #tpu.memory_space<semaphore_mem>>)
      %dma_wait3A = tpu.memref_slice %arg8[%run_scoped3A_74, %mul3A_73] : memref<16x10240xf32, #tpu.memory_space<vmem_shared>> -> memref<1x640xf32, #tpu.memory_space<vmem_shared>>
      %dma_wait3A_159 = tpu.memref_squeeze %dma_wait3A : memref<1x640xf32, #tpu.memory_space<vmem_shared>> -> memref<640xf32, #tpu.memory_space<vmem_shared>>
      %dma_wait3A_160 = tpu.memref_slice %arg8[%run_scoped3A_74, %mul3A_73] : memref<16x10240xf32, #tpu.memory_space<vmem_shared>> -> memref<1x640xf32, #tpu.memory_space<vmem_shared>>
      %dma_wait3A_161 = tpu.memref_squeeze %dma_wait3A_160 : memref<1x640xf32, #tpu.memory_space<vmem_shared>> -> memref<640xf32, #tpu.memory_space<vmem_shared>>
      tpu.wait_dma2 semaphore(%run_scoped3A_155 : memref<!tpu.dma_semaphore, #tpu.memory_space<semaphore_mem>>) src(%dma_wait3A_161 : memref<640xf32, #tpu.memory_space<vmem_shared>>) dst(%arg6 : memref<640xf32, #tpu.memory_space<vmem>>)
      tpu.yield
    }) : () -> ()
    %scan3A_75 = arith.constant 0 : i32
    %scan3A_76 = arith.constant 0 : i32
    %scan3A_77 = arith.constant 40 : i32
    %scan3A_78 = arith.addi %scan3A_76, %scan3A_77 : i32
    %scan3A_79 = arith.constant 1 : i32
    scf.for %scan3A_155 = %scan3A_76 to %scan3A_78 step %scan3A_79  : i32 {
      %mul3A_156 = arith.constant 16 : i32
      %mul3A_157 = arith.muli %scan3A_155, %mul3A_156 : i32
      %get3A = arith.index_cast %mul3A_157 : i32 to index
      %get3A_158 = tpu.vector_load %arg7[%get3A] {strides = array<i32>} : memref<640xf32, #tpu.memory_space<vmem>>, vector<16xf32>,
      %mul3A_159 = arith.constant 16 : i32
      %mul3A_160 = arith.muli %scan3A_155, %mul3A_159 : i32
      %get3A_161 = arith.index_cast %mul3A_160 : i32 to index
      %get3A_162 = tpu.vector_load %arg6[%get3A_161] {strides = array<i32>} : memref<640xf32, #tpu.memory_space<vmem>>, vector<16xf32>,
      %add3A = arith.addf %get3A_158, %get3A_162 : vector<16xf32>
      %mul3A_163 = arith.constant 16 : i32
      %mul3A_164 = arith.muli %scan3A_155, %mul3A_163 : i32
      %swap3A_165 = arith.index_cast %mul3A_164 : i32 to index
      %swap3A_166 = tpu.vector_load %arg7[%swap3A_165] {strides = array<i32>} : memref<640xf32, #tpu.memory_space<vmem>>, vector<16xf32>,
      tpu.vector_store %arg7[%swap3A_165], %add3A {strides = array<i32>} : memref<640xf32, #tpu.memory_space<vmem>>, vector<16xf32>,
    }
    %scan3A_80 = arith.constant 40 : i32
    %mul3A_81 = arith.constant 640 : i32
    %mul3A_82 = arith.muli %arg1, %mul3A_81 : i32
    %run_scoped3A_83 = arith.constant 8 : i32
    "tpu.region"() ({
      %run_scoped3A_155 = tpu.sem_alloc : memref<!tpu.dma_semaphore, #tpu.memory_space<semaphore_mem>>
      %dma_start3A = tpu.memref_slice %arg8[%run_scoped3A_83, %mul3A_82] : memref<16x10240xf32, #tpu.memory_space<vmem_shared>> -> memref<1x640xf32, #tpu.memory_space<vmem_shared>>
      %dma_start3A_156 = tpu.memref_squeeze %dma_start3A : memref<1x640xf32, #tpu.memory_space<vmem_shared>> -> memref<640xf32, #tpu.memory_space<vmem_shared>>
      %dma_start3A_157 = tpu.memref_slice %arg8[%run_scoped3A_83, %mul3A_82] : memref<16x10240xf32, #tpu.memory_space<vmem_shared>> -> memref<1x640xf32, #tpu.memory_space<vmem_shared>>
      %dma_start3A_158 = tpu.memref_squeeze %dma_start3A_157 : memref<1x640xf32, #tpu.memory_space<vmem_shared>> -> memref<640xf32, #tpu.memory_space<vmem_shared>>
      tpu.enqueue_dma source(%dma_start3A_158 : memref<640xf32, #tpu.memory_space<vmem_shared>>) target(%arg6 : memref<640xf32, #tpu.memory_space<vmem>>) target_semaphore(%run_scoped3A_155 : memref<!tpu.dma_semaphore, #tpu.memory_space<semaphore_mem>>)
      %dma_wait3A = tpu.memref_slice %arg8[%run_scoped3A_83, %mul3A_82] : memref<16x10240xf32, #tpu.memory_space<vmem_shared>> -> memref<1x640xf32, #tpu.memory_space<vmem_shared>>
      %dma_wait3A_159 = tpu.memref_squeeze %dma_wait3A : memref<1x640xf32, #tpu.memory_space<vmem_shared>> -> memref<640xf32, #tpu.memory_space<vmem_shared>>
      %dma_wait3A_160 = tpu.memref_slice %arg8[%run_scoped3A_83, %mul3A_82] : memref<16x10240xf32, #tpu.memory_space<vmem_shared>> -> memref<1x640xf32, #tpu.memory_space<vmem_shared>>
      %dma_wait3A_161 = tpu.memref_squeeze %dma_wait3A_160 : memref<1x640xf32, #tpu.memory_space<vmem_shared>> -> memref<640xf32, #tpu.memory_space<vmem_shared>>
      tpu.wait_dma2 semaphore(%run_scoped3A_155 : memref<!tpu.dma_semaphore, #tpu.memory_space<semaphore_mem>>) src(%dma_wait3A_161 : memref<640xf32, #tpu.memory_space<vmem_shared>>) dst(%arg6 : memref<640xf32, #tpu.memory_space<vmem>>)
      tpu.yield
    }) : () -> ()
    %scan3A_84 = arith.constant 0 : i32
    %scan3A_85 = arith.constant 0 : i32
    %scan3A_86 = arith.constant 40 : i32
    %scan3A_87 = arith.addi %scan3A_85, %scan3A_86 : i32
    %scan3A_88 = arith.constant 1 : i32
    scf.for %scan3A_155 = %scan3A_85 to %scan3A_87 step %scan3A_88  : i32 {
      %mul3A_156 = arith.constant 16 : i32
      %mul3A_157 = arith.muli %scan3A_155, %mul3A_156 : i32
      %get3A = arith.index_cast %mul3A_157 : i32 to index
      %get3A_158 = tpu.vector_load %arg7[%get3A] {strides = array<i32>} : memref<640xf32, #tpu.memory_space<vmem>>, vector<16xf32>,
      %mul3A_159 = arith.constant 16 : i32
      %mul3A_160 = arith.muli %scan3A_155, %mul3A_159 : i32
      %get3A_161 = arith.index_cast %mul3A_160 : i32 to index
      %get3A_162 = tpu.vector_load %arg6[%get3A_161] {strides = array<i32>} : memref<640xf32, #tpu.memory_space<vmem>>, vector<16xf32>,
      %add3A = arith.addf %get3A_158, %get3A_162 : vector<16xf32>
      %mul3A_163 = arith.constant 16 : i32
      %mul3A_164 = arith.muli %scan3A_155, %mul3A_163 : i32
      %swap3A_165 = arith.index_cast %mul3A_164 : i32 to index
      %swap3A_166 = tpu.vector_load %arg7[%swap3A_165] {strides = array<i32>} : memref<640xf32, #tpu.memory_space<vmem>>, vector<16xf32>,
      tpu.vector_store %arg7[%swap3A_165], %add3A {strides = array<i32>} : memref<640xf32, #tpu.memory_space<vmem>>, vector<16xf32>,
    }
    %scan3A_89 = arith.constant 40 : i32
    %mul3A_90 = arith.constant 640 : i32
    %mul3A_91 = arith.muli %arg1, %mul3A_90 : i32
    %run_scoped3A_92 = arith.constant 9 : i32
    "tpu.region"() ({
      %run_scoped3A_155 = tpu.sem_alloc : memref<!tpu.dma_semaphore, #tpu.memory_space<semaphore_mem>>
      %dma_start3A = tpu.memref_slice %arg8[%run_scoped3A_92, %mul3A_91] : memref<16x10240xf32, #tpu.memory_space<vmem_shared>> -> memref<1x640xf32, #tpu.memory_space<vmem_shared>>
      %dma_start3A_156 = tpu.memref_squeeze %dma_start3A : memref<1x640xf32, #tpu.memory_space<vmem_shared>> -> memref<640xf32, #tpu.memory_space<vmem_shared>>
      %dma_start3A_157 = tpu.memref_slice %arg8[%run_scoped3A_92, %mul3A_91] : memref<16x10240xf32, #tpu.memory_space<vmem_shared>> -> memref<1x640xf32, #tpu.memory_space<vmem_shared>>
      %dma_start3A_158 = tpu.memref_squeeze %dma_start3A_157 : memref<1x640xf32, #tpu.memory_space<vmem_shared>> -> memref<640xf32, #tpu.memory_space<vmem_shared>>
      tpu.enqueue_dma source(%dma_start3A_158 : memref<640xf32, #tpu.memory_space<vmem_shared>>) target(%arg6 : memref<640xf32, #tpu.memory_space<vmem>>) target_semaphore(%run_scoped3A_155 : memref<!tpu.dma_semaphore, #tpu.memory_space<semaphore_mem>>)
      %dma_wait3A = tpu.memref_slice %arg8[%run_scoped3A_92, %mul3A_91] : memref<16x10240xf32, #tpu.memory_space<vmem_shared>> -> memref<1x640xf32, #tpu.memory_space<vmem_shared>>
      %dma_wait3A_159 = tpu.memref_squeeze %dma_wait3A : memref<1x640xf32, #tpu.memory_space<vmem_shared>> -> memref<640xf32, #tpu.memory_space<vmem_shared>>
      %dma_wait3A_160 = tpu.memref_slice %arg8[%run_scoped3A_92, %mul3A_91] : memref<16x10240xf32, #tpu.memory_space<vmem_shared>> -> memref<1x640xf32, #tpu.memory_space<vmem_shared>>
      %dma_wait3A_161 = tpu.memref_squeeze %dma_wait3A_160 : memref<1x640xf32, #tpu.memory_space<vmem_shared>> -> memref<640xf32, #tpu.memory_space<vmem_shared>>
      tpu.wait_dma2 semaphore(%run_scoped3A_155 : memref<!tpu.dma_semaphore, #tpu.memory_space<semaphore_mem>>) src(%dma_wait3A_161 : memref<640xf32, #tpu.memory_space<vmem_shared>>) dst(%arg6 : memref<640xf32, #tpu.memory_space<vmem>>)
      tpu.yield
    }) : () -> ()
    %scan3A_93 = arith.constant 0 : i32
    %scan3A_94 = arith.constant 0 : i32
    %scan3A_95 = arith.constant 40 : i32
    %scan3A_96 = arith.addi %scan3A_94, %scan3A_95 : i32
    %scan3A_97 = arith.constant 1 : i32
    scf.for %scan3A_155 = %scan3A_94 to %scan3A_96 step %scan3A_97  : i32 {
      %mul3A_156 = arith.constant 16 : i32
      %mul3A_157 = arith.muli %scan3A_155, %mul3A_156 : i32
      %get3A = arith.index_cast %mul3A_157 : i32 to index
      %get3A_158 = tpu.vector_load %arg7[%get3A] {strides = array<i32>} : memref<640xf32, #tpu.memory_space<vmem>>, vector<16xf32>,
      %mul3A_159 = arith.constant 16 : i32
      %mul3A_160 = arith.muli %scan3A_155, %mul3A_159 : i32
      %get3A_161 = arith.index_cast %mul3A_160 : i32 to index
      %get3A_162 = tpu.vector_load %arg6[%get3A_161] {strides = array<i32>} : memref<640xf32, #tpu.memory_space<vmem>>, vector<16xf32>,
      %add3A = arith.addf %get3A_158, %get3A_162 : vector<16xf32>
      %mul3A_163 = arith.constant 16 : i32
      %mul3A_164 = arith.muli %scan3A_155, %mul3A_163 : i32
      %swap3A_165 = arith.index_cast %mul3A_164 : i32 to index
      %swap3A_166 = tpu.vector_load %arg7[%swap3A_165] {strides = array<i32>} : memref<640xf32, #tpu.memory_space<vmem>>, vector<16xf32>,
      tpu.vector_store %arg7[%swap3A_165], %add3A {strides = array<i32>} : memref<640xf32, #tpu.memory_space<vmem>>, vector<16xf32>,
    }
    %scan3A_98 = arith.constant 40 : i32
    %mul3A_99 = arith.constant 640 : i32
    %mul3A_100 = arith.muli %arg1, %mul3A_99 : i32
    %run_scoped3A_101 = arith.constant 10 : i32
    "tpu.region"() ({
      %run_scoped3A_155 = tpu.sem_alloc : memref<!tpu.dma_semaphore, #tpu.memory_space<semaphore_mem>>
      %dma_start3A = tpu.memref_slice %arg8[%run_scoped3A_101, %mul3A_100] : memref<16x10240xf32, #tpu.memory_space<vmem_shared>> -> memref<1x640xf32, #tpu.memory_space<vmem_shared>>
      %dma_start3A_156 = tpu.memref_squeeze %dma_start3A : memref<1x640xf32, #tpu.memory_space<vmem_shared>> -> memref<640xf32, #tpu.memory_space<vmem_shared>>
      %dma_start3A_157 = tpu.memref_slice %arg8[%run_scoped3A_101, %mul3A_100] : memref<16x10240xf32, #tpu.memory_space<vmem_shared>> -> memref<1x640xf32, #tpu.memory_space<vmem_shared>>
      %dma_start3A_158 = tpu.memref_squeeze %dma_start3A_157 : memref<1x640xf32, #tpu.memory_space<vmem_shared>> -> memref<640xf32, #tpu.memory_space<vmem_shared>>
      tpu.enqueue_dma source(%dma_start3A_158 : memref<640xf32, #tpu.memory_space<vmem_shared>>) target(%arg6 : memref<640xf32, #tpu.memory_space<vmem>>) target_semaphore(%run_scoped3A_155 : memref<!tpu.dma_semaphore, #tpu.memory_space<semaphore_mem>>)
      %dma_wait3A = tpu.memref_slice %arg8[%run_scoped3A_101, %mul3A_100] : memref<16x10240xf32, #tpu.memory_space<vmem_shared>> -> memref<1x640xf32, #tpu.memory_space<vmem_shared>>
      %dma_wait3A_159 = tpu.memref_squeeze %dma_wait3A : memref<1x640xf32, #tpu.memory_space<vmem_shared>> -> memref<640xf32, #tpu.memory_space<vmem_shared>>
      %dma_wait3A_160 = tpu.memref_slice %arg8[%run_scoped3A_101, %mul3A_100] : memref<16x10240xf32, #tpu.memory_space<vmem_shared>> -> memref<1x640xf32, #tpu.memory_space<vmem_shared>>
      %dma_wait3A_161 = tpu.memref_squeeze %dma_wait3A_160 : memref<1x640xf32, #tpu.memory_space<vmem_shared>> -> memref<640xf32, #tpu.memory_space<vmem_shared>>
      tpu.wait_dma2 semaphore(%run_scoped3A_155 : memref<!tpu.dma_semaphore, #tpu.memory_space<semaphore_mem>>) src(%dma_wait3A_161 : memref<640xf32, #tpu.memory_space<vmem_shared>>) dst(%arg6 : memref<640xf32, #tpu.memory_space<vmem>>)
      tpu.yield
    }) : () -> ()
    %scan3A_102 = arith.constant 0 : i32
    %scan3A_103 = arith.constant 0 : i32
    %scan3A_104 = arith.constant 40 : i32
    %scan3A_105 = arith.addi %scan3A_103, %scan3A_104 : i32
    %scan3A_106 = arith.constant 1 : i32
    scf.for %scan3A_155 = %scan3A_103 to %scan3A_105 step %scan3A_106  : i32 {
      %mul3A_156 = arith.constant 16 : i32
      %mul3A_157 = arith.muli %scan3A_155, %mul3A_156 : i32
      %get3A = arith.index_cast %mul3A_157 : i32 to index
      %get3A_158 = tpu.vector_load %arg7[%get3A] {strides = array<i32>} : memref<640xf32, #tpu.memory_space<vmem>>, vector<16xf32>,
      %mul3A_159 = arith.constant 16 : i32
      %mul3A_160 = arith.muli %scan3A_155, %mul3A_159 : i32
      %get3A_161 = arith.index_cast %mul3A_160 : i32 to index
      %get3A_162 = tpu.vector_load %arg6[%get3A_161] {strides = array<i32>} : memref<640xf32, #tpu.memory_space<vmem>>, vector<16xf32>,
      %add3A = arith.addf %get3A_158, %get3A_162 : vector<16xf32>
      %mul3A_163 = arith.constant 16 : i32
      %mul3A_164 = arith.muli %scan3A_155, %mul3A_163 : i32
      %swap3A_165 = arith.index_cast %mul3A_164 : i32 to index
      %swap3A_166 = tpu.vector_load %arg7[%swap3A_165] {strides = array<i32>} : memref<640xf32, #tpu.memory_space<vmem>>, vector<16xf32>,
      tpu.vector_store %arg7[%swap3A_165], %add3A {strides = array<i32>} : memref<640xf32, #tpu.memory_space<vmem>>, vector<16xf32>,
    }
    %scan3A_107 = arith.constant 40 : i32
    %mul3A_108 = arith.constant 640 : i32
    %mul3A_109 = arith.muli %arg1, %mul3A_108 : i32
    %run_scoped3A_110 = arith.constant 11 : i32
    "tpu.region"() ({
      %run_scoped3A_155 = tpu.sem_alloc : memref<!tpu.dma_semaphore, #tpu.memory_space<semaphore_mem>>
      %dma_start3A = tpu.memref_slice %arg8[%run_scoped3A_110, %mul3A_109] : memref<16x10240xf32, #tpu.memory_space<vmem_shared>> -> memref<1x640xf32, #tpu.memory_space<vmem_shared>>
      %dma_start3A_156 = tpu.memref_squeeze %dma_start3A : memref<1x640xf32, #tpu.memory_space<vmem_shared>> -> memref<640xf32, #tpu.memory_space<vmem_shared>>
      %dma_start3A_157 = tpu.memref_slice %arg8[%run_scoped3A_110, %mul3A_109] : memref<16x10240xf32, #tpu.memory_space<vmem_shared>> -> memref<1x640xf32, #tpu.memory_space<vmem_shared>>
      %dma_start3A_158 = tpu.memref_squeeze %dma_start3A_157 : memref<1x640xf32, #tpu.memory_space<vmem_shared>> -> memref<640xf32, #tpu.memory_space<vmem_shared>>
      tpu.enqueue_dma source(%dma_start3A_158 : memref<640xf32, #tpu.memory_space<vmem_shared>>) target(%arg6 : memref<640xf32, #tpu.memory_space<vmem>>) target_semaphore(%run_scoped3A_155 : memref<!tpu.dma_semaphore, #tpu.memory_space<semaphore_mem>>)
      %dma_wait3A = tpu.memref_slice %arg8[%run_scoped3A_110, %mul3A_109] : memref<16x10240xf32, #tpu.memory_space<vmem_shared>> -> memref<1x640xf32, #tpu.memory_space<vmem_shared>>
      %dma_wait3A_159 = tpu.memref_squeeze %dma_wait3A : memref<1x640xf32, #tpu.memory_space<vmem_shared>> -> memref<640xf32, #tpu.memory_space<vmem_shared>>
      %dma_wait3A_160 = tpu.memref_slice %arg8[%run_scoped3A_110, %mul3A_109] : memref<16x10240xf32, #tpu.memory_space<vmem_shared>> -> memref<1x640xf32, #tpu.memory_space<vmem_shared>>
      %dma_wait3A_161 = tpu.memref_squeeze %dma_wait3A_160 : memref<1x640xf32, #tpu.memory_space<vmem_shared>> -> memref<640xf32, #tpu.memory_space<vmem_shared>>
      tpu.wait_dma2 semaphore(%run_scoped3A_155 : memref<!tpu.dma_semaphore, #tpu.memory_space<semaphore_mem>>) src(%dma_wait3A_161 : memref<640xf32, #tpu.memory_space<vmem_shared>>) dst(%arg6 : memref<640xf32, #tpu.memory_space<vmem>>)
      tpu.yield
    }) : () -> ()
    %scan3A_111 = arith.constant 0 : i32
    %scan3A_112 = arith.constant 0 : i32
    %scan3A_113 = arith.constant 40 : i32
    %scan3A_114 = arith.addi %scan3A_112, %scan3A_113 : i32
    %scan3A_115 = arith.constant 1 : i32
    scf.for %scan3A_155 = %scan3A_112 to %scan3A_114 step %scan3A_115  : i32 {
      %mul3A_156 = arith.constant 16 : i32
      %mul3A_157 = arith.muli %scan3A_155, %mul3A_156 : i32
      %get3A = arith.index_cast %mul3A_157 : i32 to index
      %get3A_158 = tpu.vector_load %arg7[%get3A] {strides = array<i32>} : memref<640xf32, #tpu.memory_space<vmem>>, vector<16xf32>,
      %mul3A_159 = arith.constant 16 : i32
      %mul3A_160 = arith.muli %scan3A_155, %mul3A_159 : i32
      %get3A_161 = arith.index_cast %mul3A_160 : i32 to index
      %get3A_162 = tpu.vector_load %arg6[%get3A_161] {strides = array<i32>} : memref<640xf32, #tpu.memory_space<vmem>>, vector<16xf32>,
      %add3A = arith.addf %get3A_158, %get3A_162 : vector<16xf32>
      %mul3A_163 = arith.constant 16 : i32
      %mul3A_164 = arith.muli %scan3A_155, %mul3A_163 : i32
      %swap3A_165 = arith.index_cast %mul3A_164 : i32 to index
      %swap3A_166 = tpu.vector_load %arg7[%swap3A_165] {strides = array<i32>} : memref<640xf32, #tpu.memory_space<vmem>>, vector<16xf32>,
      tpu.vector_store %arg7[%swap3A_165], %add3A {strides = array<i32>} : memref<640xf32, #tpu.memory_space<vmem>>, vector<16xf32>,
    }
    %scan3A_116 = arith.constant 40 : i32
    %mul3A_117 = arith.constant 640 : i32
    %mul3A_118 = arith.muli %arg1, %mul3A_117 : i32
    %run_scoped3A_119 = arith.constant 12 : i32
    "tpu.region"() ({
      %run_scoped3A_155 = tpu.sem_alloc : memref<!tpu.dma_semaphore, #tpu.memory_space<semaphore_mem>>
      %dma_start3A = tpu.memref_slice %arg8[%run_scoped3A_119, %mul3A_118] : memref<16x10240xf32, #tpu.memory_space<vmem_shared>> -> memref<1x640xf32, #tpu.memory_space<vmem_shared>>
      %dma_start3A_156 = tpu.memref_squeeze %dma_start3A : memref<1x640xf32, #tpu.memory_space<vmem_shared>> -> memref<640xf32, #tpu.memory_space<vmem_shared>>
      %dma_start3A_157 = tpu.memref_slice %arg8[%run_scoped3A_119, %mul3A_118] : memref<16x10240xf32, #tpu.memory_space<vmem_shared>> -> memref<1x640xf32, #tpu.memory_space<vmem_shared>>
      %dma_start3A_158 = tpu.memref_squeeze %dma_start3A_157 : memref<1x640xf32, #tpu.memory_space<vmem_shared>> -> memref<640xf32, #tpu.memory_space<vmem_shared>>
      tpu.enqueue_dma source(%dma_start3A_158 : memref<640xf32, #tpu.memory_space<vmem_shared>>) target(%arg6 : memref<640xf32, #tpu.memory_space<vmem>>) target_semaphore(%run_scoped3A_155 : memref<!tpu.dma_semaphore, #tpu.memory_space<semaphore_mem>>)
      %dma_wait3A = tpu.memref_slice %arg8[%run_scoped3A_119, %mul3A_118] : memref<16x10240xf32, #tpu.memory_space<vmem_shared>> -> memref<1x640xf32, #tpu.memory_space<vmem_shared>>
      %dma_wait3A_159 = tpu.memref_squeeze %dma_wait3A : memref<1x640xf32, #tpu.memory_space<vmem_shared>> -> memref<640xf32, #tpu.memory_space<vmem_shared>>
      %dma_wait3A_160 = tpu.memref_slice %arg8[%run_scoped3A_119, %mul3A_118] : memref<16x10240xf32, #tpu.memory_space<vmem_shared>> -> memref<1x640xf32, #tpu.memory_space<vmem_shared>>
      %dma_wait3A_161 = tpu.memref_squeeze %dma_wait3A_160 : memref<1x640xf32, #tpu.memory_space<vmem_shared>> -> memref<640xf32, #tpu.memory_space<vmem_shared>>
      tpu.wait_dma2 semaphore(%run_scoped3A_155 : memref<!tpu.dma_semaphore, #tpu.memory_space<semaphore_mem>>) src(%dma_wait3A_161 : memref<640xf32, #tpu.memory_space<vmem_shared>>) dst(%arg6 : memref<640xf32, #tpu.memory_space<vmem>>)
      tpu.yield
    }) : () -> ()
    %scan3A_120 = arith.constant 0 : i32
    %scan3A_121 = arith.constant 0 : i32
    %scan3A_122 = arith.constant 40 : i32
    %scan3A_123 = arith.addi %scan3A_121, %scan3A_122 : i32
    %scan3A_124 = arith.constant 1 : i32
    scf.for %scan3A_155 = %scan3A_121 to %scan3A_123 step %scan3A_124  : i32 {
      %mul3A_156 = arith.constant 16 : i32
      %mul3A_157 = arith.muli %scan3A_155, %mul3A_156 : i32
      %get3A = arith.index_cast %mul3A_157 : i32 to index
      %get3A_158 = tpu.vector_load %arg7[%get3A] {strides = array<i32>} : memref<640xf32, #tpu.memory_space<vmem>>, vector<16xf32>,
      %mul3A_159 = arith.constant 16 : i32
      %mul3A_160 = arith.muli %scan3A_155, %mul3A_159 : i32
      %get3A_161 = arith.index_cast %mul3A_160 : i32 to index
      %get3A_162 = tpu.vector_load %arg6[%get3A_161] {strides = array<i32>} : memref<640xf32, #tpu.memory_space<vmem>>, vector<16xf32>,
      %add3A = arith.addf %get3A_158, %get3A_162 : vector<16xf32>
      %mul3A_163 = arith.constant 16 : i32
      %mul3A_164 = arith.muli %scan3A_155, %mul3A_163 : i32
      %swap3A_165 = arith.index_cast %mul3A_164 : i32 to index
      %swap3A_166 = tpu.vector_load %arg7[%swap3A_165] {strides = array<i32>} : memref<640xf32, #tpu.memory_space<vmem>>, vector<16xf32>,
      tpu.vector_store %arg7[%swap3A_165], %add3A {strides = array<i32>} : memref<640xf32, #tpu.memory_space<vmem>>, vector<16xf32>,
    }
    %scan3A_125 = arith.constant 40 : i32
    %mul3A_126 = arith.constant 640 : i32
    %mul3A_127 = arith.muli %arg1, %mul3A_126 : i32
    %run_scoped3A_128 = arith.constant 13 : i32
    "tpu.region"() ({
      %run_scoped3A_155 = tpu.sem_alloc : memref<!tpu.dma_semaphore, #tpu.memory_space<semaphore_mem>>
      %dma_start3A = tpu.memref_slice %arg8[%run_scoped3A_128, %mul3A_127] : memref<16x10240xf32, #tpu.memory_space<vmem_shared>> -> memref<1x640xf32, #tpu.memory_space<vmem_shared>>
      %dma_start3A_156 = tpu.memref_squeeze %dma_start3A : memref<1x640xf32, #tpu.memory_space<vmem_shared>> -> memref<640xf32, #tpu.memory_space<vmem_shared>>
      %dma_start3A_157 = tpu.memref_slice %arg8[%run_scoped3A_128, %mul3A_127] : memref<16x10240xf32, #tpu.memory_space<vmem_shared>> -> memref<1x640xf32, #tpu.memory_space<vmem_shared>>
      %dma_start3A_158 = tpu.memref_squeeze %dma_start3A_157 : memref<1x640xf32, #tpu.memory_space<vmem_shared>> -> memref<640xf32, #tpu.memory_space<vmem_shared>>
      tpu.enqueue_dma source(%dma_start3A_158 : memref<640xf32, #tpu.memory_space<vmem_shared>>) target(%arg6 : memref<640xf32, #tpu.memory_space<vmem>>) target_semaphore(%run_scoped3A_155 : memref<!tpu.dma_semaphore, #tpu.memory_space<semaphore_mem>>)
      %dma_wait3A = tpu.memref_slice %arg8[%run_scoped3A_128, %mul3A_127] : memref<16x10240xf32, #tpu.memory_space<vmem_shared>> -> memref<1x640xf32, #tpu.memory_space<vmem_shared>>
      %dma_wait3A_159 = tpu.memref_squeeze %dma_wait3A : memref<1x640xf32, #tpu.memory_space<vmem_shared>> -> memref<640xf32, #tpu.memory_space<vmem_shared>>
      %dma_wait3A_160 = tpu.memref_slice %arg8[%run_scoped3A_128, %mul3A_127] : memref<16x10240xf32, #tpu.memory_space<vmem_shared>> -> memref<1x640xf32, #tpu.memory_space<vmem_shared>>
      %dma_wait3A_161 = tpu.memref_squeeze %dma_wait3A_160 : memref<1x640xf32, #tpu.memory_space<vmem_shared>> -> memref<640xf32, #tpu.memory_space<vmem_shared>>
      tpu.wait_dma2 semaphore(%run_scoped3A_155 : memref<!tpu.dma_semaphore, #tpu.memory_space<semaphore_mem>>) src(%dma_wait3A_161 : memref<640xf32, #tpu.memory_space<vmem_shared>>) dst(%arg6 : memref<640xf32, #tpu.memory_space<vmem>>)
      tpu.yield
    }) : () -> ()
    %scan3A_129 = arith.constant 0 : i32
    %scan3A_130 = arith.constant 0 : i32
    %scan3A_131 = arith.constant 40 : i32
    %scan3A_132 = arith.addi %scan3A_130, %scan3A_131 : i32
    %scan3A_133 = arith.constant 1 : i32
    scf.for %scan3A_155 = %scan3A_130 to %scan3A_132 step %scan3A_133  : i32 {
      %mul3A_156 = arith.constant 16 : i32
      %mul3A_157 = arith.muli %scan3A_155, %mul3A_156 : i32
      %get3A = arith.index_cast %mul3A_157 : i32 to index
      %get3A_158 = tpu.vector_load %arg7[%get3A] {strides = array<i32>} : memref<640xf32, #tpu.memory_space<vmem>>, vector<16xf32>,
      %mul3A_159 = arith.constant 16 : i32
      %mul3A_160 = arith.muli %scan3A_155, %mul3A_159 : i32
      %get3A_161 = arith.index_cast %mul3A_160 : i32 to index
      %get3A_162 = tpu.vector_load %arg6[%get3A_161] {strides = array<i32>} : memref<640xf32, #tpu.memory_space<vmem>>, vector<16xf32>,
      %add3A = arith.addf %get3A_158, %get3A_162 : vector<16xf32>
      %mul3A_163 = arith.constant 16 : i32
      %mul3A_164 = arith.muli %scan3A_155, %mul3A_163 : i32
      %swap3A_165 = arith.index_cast %mul3A_164 : i32 to index
      %swap3A_166 = tpu.vector_load %arg7[%swap3A_165] {strides = array<i32>} : memref<640xf32, #tpu.memory_space<vmem>>, vector<16xf32>,
      tpu.vector_store %arg7[%swap3A_165], %add3A {strides = array<i32>} : memref<640xf32, #tpu.memory_space<vmem>>, vector<16xf32>,
    }
    %scan3A_134 = arith.constant 40 : i32
    %mul3A_135 = arith.constant 640 : i32
    %mul3A_136 = arith.muli %arg1, %mul3A_135 : i32
    %run_scoped3A_137 = arith.constant 14 : i32
    "tpu.region"() ({
      %run_scoped3A_155 = tpu.sem_alloc : memref<!tpu.dma_semaphore, #tpu.memory_space<semaphore_mem>>
      %dma_start3A = tpu.memref_slice %arg8[%run_scoped3A_137, %mul3A_136] : memref<16x10240xf32, #tpu.memory_space<vmem_shared>> -> memref<1x640xf32, #tpu.memory_space<vmem_shared>>
      %dma_start3A_156 = tpu.memref_squeeze %dma_start3A : memref<1x640xf32, #tpu.memory_space<vmem_shared>> -> memref<640xf32, #tpu.memory_space<vmem_shared>>
      %dma_start3A_157 = tpu.memref_slice %arg8[%run_scoped3A_137, %mul3A_136] : memref<16x10240xf32, #tpu.memory_space<vmem_shared>> -> memref<1x640xf32, #tpu.memory_space<vmem_shared>>
      %dma_start3A_158 = tpu.memref_squeeze %dma_start3A_157 : memref<1x640xf32, #tpu.memory_space<vmem_shared>> -> memref<640xf32, #tpu.memory_space<vmem_shared>>
      tpu.enqueue_dma source(%dma_start3A_158 : memref<640xf32, #tpu.memory_space<vmem_shared>>) target(%arg6 : memref<640xf32, #tpu.memory_space<vmem>>) target_semaphore(%run_scoped3A_155 : memref<!tpu.dma_semaphore, #tpu.memory_space<semaphore_mem>>)
      %dma_wait3A = tpu.memref_slice %arg8[%run_scoped3A_137, %mul3A_136] : memref<16x10240xf32, #tpu.memory_space<vmem_shared>> -> memref<1x640xf32, #tpu.memory_space<vmem_shared>>
      %dma_wait3A_159 = tpu.memref_squeeze %dma_wait3A : memref<1x640xf32, #tpu.memory_space<vmem_shared>> -> memref<640xf32, #tpu.memory_space<vmem_shared>>
      %dma_wait3A_160 = tpu.memref_slice %arg8[%run_scoped3A_137, %mul3A_136] : memref<16x10240xf32, #tpu.memory_space<vmem_shared>> -> memref<1x640xf32, #tpu.memory_space<vmem_shared>>
      %dma_wait3A_161 = tpu.memref_squeeze %dma_wait3A_160 : memref<1x640xf32, #tpu.memory_space<vmem_shared>> -> memref<640xf32, #tpu.memory_space<vmem_shared>>
      tpu.wait_dma2 semaphore(%run_scoped3A_155 : memref<!tpu.dma_semaphore, #tpu.memory_space<semaphore_mem>>) src(%dma_wait3A_161 : memref<640xf32, #tpu.memory_space<vmem_shared>>) dst(%arg6 : memref<640xf32, #tpu.memory_space<vmem>>)
      tpu.yield
    }) : () -> ()
    %scan3A_138 = arith.constant 0 : i32
    %scan3A_139 = arith.constant 0 : i32
    %scan3A_140 = arith.constant 40 : i32
    %scan3A_141 = arith.addi %scan3A_139, %scan3A_140 : i32
    %scan3A_142 = arith.constant 1 : i32
    scf.for %scan3A_155 = %scan3A_139 to %scan3A_141 step %scan3A_142  : i32 {
      %mul3A_156 = arith.constant 16 : i32
      %mul3A_157 = arith.muli %scan3A_155, %mul3A_156 : i32
      %get3A = arith.index_cast %mul3A_157 : i32 to index
      %get3A_158 = tpu.vector_load %arg7[%get3A] {strides = array<i32>} : memref<640xf32, #tpu.memory_space<vmem>>, vector<16xf32>,
      %mul3A_159 = arith.constant 16 : i32
      %mul3A_160 = arith.muli %scan3A_155, %mul3A_159 : i32
      %get3A_161 = arith.index_cast %mul3A_160 : i32 to index
      %get3A_162 = tpu.vector_load %arg6[%get3A_161] {strides = array<i32>} : memref<640xf32, #tpu.memory_space<vmem>>, vector<16xf32>,
      %add3A = arith.addf %get3A_158, %get3A_162 : vector<16xf32>
      %mul3A_163 = arith.constant 16 : i32
      %mul3A_164 = arith.muli %scan3A_155, %mul3A_163 : i32
      %swap3A_165 = arith.index_cast %mul3A_164 : i32 to index
      %swap3A_166 = tpu.vector_load %arg7[%swap3A_165] {strides = array<i32>} : memref<640xf32, #tpu.memory_space<vmem>>, vector<16xf32>,
      tpu.vector_store %arg7[%swap3A_165], %add3A {strides = array<i32>} : memref<640xf32, #tpu.memory_space<vmem>>, vector<16xf32>,
    }
    %scan3A_143 = arith.constant 40 : i32
    %mul3A_144 = arith.constant 640 : i32
    %mul3A_145 = arith.muli %arg1, %mul3A_144 : i32
    %run_scoped3A_146 = arith.constant 15 : i32
    "tpu.region"() ({
      %run_scoped3A_155 = tpu.sem_alloc : memref<!tpu.dma_semaphore, #tpu.memory_space<semaphore_mem>>
      %dma_start3A = tpu.memref_slice %arg8[%run_scoped3A_146, %mul3A_145] : memref<16x10240xf32, #tpu.memory_space<vmem_shared>> -> memref<1x640xf32, #tpu.memory_space<vmem_shared>>
      %dma_start3A_156 = tpu.memref_squeeze %dma_start3A : memref<1x640xf32, #tpu.memory_space<vmem_shared>> -> memref<640xf32, #tpu.memory_space<vmem_shared>>
      %dma_start3A_157 = tpu.memref_slice %arg8[%run_scoped3A_146, %mul3A_145] : memref<16x10240xf32, #tpu.memory_space<vmem_shared>> -> memref<1x640xf32, #tpu.memory_space<vmem_shared>>
      %dma_start3A_158 = tpu.memref_squeeze %dma_start3A_157 : memref<1x640xf32, #tpu.memory_space<vmem_shared>> -> memref<640xf32, #tpu.memory_space<vmem_shared>>
      tpu.enqueue_dma source(%dma_start3A_158 : memref<640xf32, #tpu.memory_space<vmem_shared>>) target(%arg6 : memref<640xf32, #tpu.memory_space<vmem>>) target_semaphore(%run_scoped3A_155 : memref<!tpu.dma_semaphore, #tpu.memory_space<semaphore_mem>>)
      %dma_wait3A = tpu.memref_slice %arg8[%run_scoped3A_146, %mul3A_145] : memref<16x10240xf32, #tpu.memory_space<vmem_shared>> -> memref<1x640xf32, #tpu.memory_space<vmem_shared>>
      %dma_wait3A_159 = tpu.memref_squeeze %dma_wait3A : memref<1x640xf32, #tpu.memory_space<vmem_shared>> -> memref<640xf32, #tpu.memory_space<vmem_shared>>
      %dma_wait3A_160 = tpu.memref_slice %arg8[%run_scoped3A_146, %mul3A_145] : memref<16x10240xf32, #tpu.memory_space<vmem_shared>> -> memref<1x640xf32, #tpu.memory_space<vmem_shared>>
      %dma_wait3A_161 = tpu.memref_squeeze %dma_wait3A_160 : memref<1x640xf32, #tpu.memory_space<vmem_shared>> -> memref<640xf32, #tpu.memory_space<vmem_shared>>
      tpu.wait_dma2 semaphore(%run_scoped3A_155 : memref<!tpu.dma_semaphore, #tpu.memory_space<semaphore_mem>>) src(%dma_wait3A_161 : memref<640xf32, #tpu.memory_space<vmem_shared>>) dst(%arg6 : memref<640xf32, #tpu.memory_space<vmem>>)
      tpu.yield
    }) : () -> ()
    %scan3A_147 = arith.constant 0 : i32
    %scan3A_148 = arith.constant 0 : i32
    %scan3A_149 = arith.constant 40 : i32
    %scan3A_150 = arith.addi %scan3A_148, %scan3A_149 : i32
    %scan3A_151 = arith.constant 1 : i32
    scf.for %scan3A_155 = %scan3A_148 to %scan3A_150 step %scan3A_151  : i32 {
      %mul3A_156 = arith.constant 16 : i32
      %mul3A_157 = arith.muli %scan3A_155, %mul3A_156 : i32
      %get3A = arith.index_cast %mul3A_157 : i32 to index
      %get3A_158 = tpu.vector_load %arg7[%get3A] {strides = array<i32>} : memref<640xf32, #tpu.memory_space<vmem>>, vector<16xf32>,
      %mul3A_159 = arith.constant 16 : i32
      %mul3A_160 = arith.muli %scan3A_155, %mul3A_159 : i32
      %get3A_161 = arith.index_cast %mul3A_160 : i32 to index
      %get3A_162 = tpu.vector_load %arg6[%get3A_161] {strides = array<i32>} : memref<640xf32, #tpu.memory_space<vmem>>, vector<16xf32>,
      %add3A = arith.addf %get3A_158, %get3A_162 : vector<16xf32>
      %mul3A_163 = arith.constant 16 : i32
      %mul3A_164 = arith.muli %scan3A_155, %mul3A_163 : i32
      %swap3A_165 = arith.index_cast %mul3A_164 : i32 to index
      %swap3A_166 = tpu.vector_load %arg7[%swap3A_165] {strides = array<i32>} : memref<640xf32, #tpu.memory_space<vmem>>, vector<16xf32>,
      tpu.vector_store %arg7[%swap3A_165], %add3A {strides = array<i32>} : memref<640xf32, #tpu.memory_space<vmem>>, vector<16xf32>,
    }
    %scan3A_152 = arith.constant 40 : i32
    %mul3A_153 = arith.constant 640 : i32
    %mul3A_154 = arith.muli %arg1, %mul3A_153 : i32
    "tpu.region"() ({
      %run_scoped3A_155 = tpu.sem_alloc : memref<!tpu.dma_semaphore, #tpu.memory_space<semaphore_mem>>
      %dma_start3A = tpu.memref_slice %arg3[%arg0, %mul3A_154] : memref<2x10240xf32, #tpu.memory_space<hbm>> -> memref<1x640xf32, #tpu.memory_space<hbm>>
      %dma_start3A_156 = tpu.memref_squeeze %dma_start3A : memref<1x640xf32, #tpu.memory_space<hbm>> -> memref<640xf32, #tpu.memory_space<hbm>>
      %dma_start3A_157 = tpu.memref_slice %arg3[%arg0, %mul3A_154] : memref<2x10240xf32, #tpu.memory_space<hbm>> -> memref<1x640xf32, #tpu.memory_space<hbm>>
      %dma_start3A_158 = tpu.memref_squeeze %dma_start3A_157 : memref<1x640xf32, #tpu.memory_space<hbm>> -> memref<640xf32, #tpu.memory_space<hbm>>
      tpu.enqueue_dma source(%arg7 : memref<640xf32, #tpu.memory_space<vmem>>) target(%dma_start3A_158 : memref<640xf32, #tpu.memory_space<hbm>>) target_semaphore(%run_scoped3A_155 : memref<!tpu.dma_semaphore, #tpu.memory_space<semaphore_mem>>)
      %dma_wait3A = tpu.memref_slice %arg3[%arg0, %mul3A_154] : memref<2x10240xf32, #tpu.memory_space<hbm>> -> memref<1x640xf32, #tpu.memory_space<hbm>>
      %dma_wait3A_159 = tpu.memref_squeeze %dma_wait3A : memref<1x640xf32, #tpu.memory_space<hbm>> -> memref<640xf32, #tpu.memory_space<hbm>>
      %dma_wait3A_160 = tpu.memref_slice %arg3[%arg0, %mul3A_154] : memref<2x10240xf32, #tpu.memory_space<hbm>> -> memref<1x640xf32, #tpu.memory_space<hbm>>
      %dma_wait3A_161 = tpu.memref_squeeze %dma_wait3A_160 : memref<1x640xf32, #tpu.memory_space<hbm>> -> memref<640xf32, #tpu.memory_space<hbm>>
      tpu.wait_dma2 semaphore(%run_scoped3A_155 : memref<!tpu.dma_semaphore, #tpu.memory_space<semaphore_mem>>) src(%arg7 : memref<640xf32, #tpu.memory_space<vmem>>) dst(%dma_wait3A_161 : memref<640xf32, #tpu.memory_space<hbm>>)
      tpu.yield
    }) : () -> ()
    return
  }
}

module attributes {stable_mosaic.version = 14 : i64} {
  func.func @_a1_body(%arg0: i32, %arg1: memref<4096x256xf32, #tpu.memory_space<vmem>>, %arg2: memref<256x128xf32, #tpu.memory_space<vmem>>, %arg3: memref<2x4096xf32, #tpu.memory_space<vmem>>, %arg4: memref<4096x128xf32, #tpu.memory_space<vmem>>) attributes {dimension_semantics = [#tpu.dimension_semantics<arbitrary>], iteration_bounds = array<i64: 3>, scalar_prefetch = 0 : i64, scratch_operands = 0 : i64, tpu.core_type = #tpu.core_type<tc>, window_params = [{transform_indices = @transform_0, window_bounds = array<i64: 4096, 256>}, {pipeline_mode = #tpu.pipeline_mode<synchronous>, transform_indices = @transform_1, window_bounds = array<i64: 256, 128>}, {transform_indices = @transform_2, window_bounds = array<i64: 2, 4096>}, {transform_indices = @transform_3, window_bounds = array<i64: 4096, 128>}]} {
    %get3A = arith.constant 0 : index
    %get3A_0 = arith.constant 0 : index
    %get3A_1 = vector.load %arg3[%get3A, %get3A_0] : memref<2x4096xf32, #tpu.memory_space<vmem>>, vector<1x4096xf32>
    %get3A_2 = vector.shape_cast %get3A_1 : vector<1x4096xf32> to vector<4096xf32>
    %get3A_3 = arith.constant 1 : index
    %get3A_4 = arith.constant 0 : index
    %get3A_5 = vector.load %arg3[%get3A_3, %get3A_4] : memref<2x4096xf32, #tpu.memory_space<vmem>>, vector<1x4096xf32>
    %get3A_6 = vector.shape_cast %get3A_5 : vector<1x4096xf32> to vector<4096xf32>
    %add3A = arith.addf %get3A_2, %get3A_6 : vector<4096xf32>
    %add3A_7 = arith.constant 1.000000e+00 : f32
    %add3A_8 = vector.broadcast %add3A_7 : f32 to vector<4096xf32>
    %add3A_9 = arith.addf %add3A, %add3A_8 : vector<4096xf32>
    %rsqrt3A = math.rsqrt %add3A_9 : vector<4096xf32>
    %get3A_10 = arith.constant 0 : index
    %get3A_11 = arith.constant 0 : index
    %get3A_12 = vector.load %arg1[%get3A_10, %get3A_11] : memref<4096x256xf32, #tpu.memory_space<vmem>>, vector<4096x256xf32>
    %get3A_13 = arith.constant 0 : index
    %get3A_14 = arith.constant 0 : index
    %get3A_15 = vector.load %arg2[%get3A_13, %get3A_14] : memref<256x128xf32, #tpu.memory_space<vmem>>, vector<256x128xf32>
    %dot_general3A = arith.constant dense<0.000000e+00> : vector<4096x128xf32>
    %dot_general3A_16 = tpu.matmul %get3A_12, %get3A_15, %dot_general3A {dimension_numbers = #tpu.dot_dimension_numbers<[1], [0], [0], [1], [0, 0, 1, 1], [], []>, transpose_lhs_hint = false} : vector<4096x256xf32>, vector<256x128xf32>, vector<4096x128xf32> -> vector<4096x128xf32>
    %broadcast_in_dim3A = vector.shape_cast %rsqrt3A : vector<4096xf32> to vector<4096x1xf32>
    %mul3A = vector.broadcast %broadcast_in_dim3A : vector<4096x1xf32> to vector<4096x128xf32>
    %mul3A_17 = arith.mulf %dot_general3A_16, %mul3A : vector<4096x128xf32>
    %swap3A = arith.constant 0 : index
    %swap3A_18 = arith.constant 0 : index
    %swap3A_19 = vector.load %arg4[%swap3A, %swap3A_18] : memref<4096x128xf32, #tpu.memory_space<vmem>>, vector<4096x128xf32>
    tpu.vector_store %arg4[%swap3A, %swap3A_18], %mul3A_17 {strides = array<i32>} : memref<4096x128xf32, #tpu.memory_space<vmem>>, vector<4096x128xf32>,
    return
  }
  func.func @transform_0(%arg0: i32) -> (i32, i32) {
    %c0_i32 = arith.constant 0 : i32
    %c0_i32_0 = arith.constant 0 : i32
    return %arg0, %c0_i32 : i32, i32
  }
  func.func @transform_1(%arg0: i32) -> (i32, i32) {
    %c0_i32 = arith.constant 0 : i32
    %c0_i32_0 = arith.constant 0 : i32
    %c0_i32_1 = arith.constant 0 : i32
    return %c0_i32, %c0_i32_0 : i32, i32
  }
  func.func @transform_2(%arg0: i32) -> (i32, i32) {
    %c0_i32 = arith.constant 0 : i32
    %c0_i32_0 = arith.constant 0 : i32
    return %c0_i32, %arg0 : i32, i32
  }
  func.func @transform_3(%arg0: i32) -> (i32, i32) {
    %c0_i32 = arith.constant 0 : i32
    %c0_i32_0 = arith.constant 0 : i32
    return %arg0, %c0_i32 : i32, i32
  }
}

module attributes {stable_mosaic.version = 14 : i64} {
  func.func @_ca_body(%arg0: i32, %arg1: memref<2x4096x128xf32, #tpu.memory_space<vmem>>, %arg2: memref<2x4096xf32, #tpu.memory_space<vmem>>, %arg3: memref<1x128xf32, #tpu.memory_space<vmem>>, %arg4: memref<128x32xf32, #tpu.memory_space<vmem>>, %arg5: memref<4096x32xf32, #tpu.memory_space<vmem>>) attributes {dimension_semantics = [#tpu.dimension_semantics<arbitrary>], iteration_bounds = array<i64: 3>, scalar_prefetch = 0 : i64, scratch_operands = 0 : i64, tpu.core_type = #tpu.core_type<tc>, window_params = [{transform_indices = @transform_0, window_bounds = array<i64: 2, 4096, 128>}, {transform_indices = @transform_1, window_bounds = array<i64: 2, 4096>}, {pipeline_mode = #tpu.pipeline_mode<synchronous>, transform_indices = @transform_2, window_bounds = array<i64: 1, 128>}, {pipeline_mode = #tpu.pipeline_mode<synchronous>, transform_indices = @transform_3, window_bounds = array<i64: 128, 32>}, {transform_indices = @transform_4, window_bounds = array<i64: 4096, 32>}]} {
    %get3A = arith.constant 0 : index
    %get3A_0 = arith.constant 0 : index
    %get3A_1 = vector.load %arg2[%get3A, %get3A_0] : memref<2x4096xf32, #tpu.memory_space<vmem>>, vector<1x4096xf32>
    %get3A_2 = vector.shape_cast %get3A_1 : vector<1x4096xf32> to vector<4096xf32>
    %get3A_3 = arith.constant 1 : index
    %get3A_4 = arith.constant 0 : index
    %get3A_5 = vector.load %arg2[%get3A_3, %get3A_4] : memref<2x4096xf32, #tpu.memory_space<vmem>>, vector<1x4096xf32>
    %get3A_6 = vector.shape_cast %get3A_5 : vector<1x4096xf32> to vector<4096xf32>
    %add3A = arith.addf %get3A_2, %get3A_6 : vector<4096xf32>
    %add3A_7 = arith.constant 1.000000e+00 : f32
    %add3A_8 = vector.broadcast %add3A_7 : f32 to vector<4096xf32>
    %add3A_9 = arith.addf %add3A, %add3A_8 : vector<4096xf32>
    %rsqrt3A = math.rsqrt %add3A_9 : vector<4096xf32>
    %broadcast_in_dim3A = vector.shape_cast %rsqrt3A : vector<4096xf32> to vector<4096x1xf32>
    %get3A_10 = arith.constant 0 : index
    %get3A_11 = arith.constant 0 : index
    %get3A_12 = arith.constant 0 : index
    %get3A_13 = vector.load %arg1[%get3A_10, %get3A_11, %get3A_12] : memref<2x4096x128xf32, #tpu.memory_space<vmem>>, vector<1x4096x128xf32>
    %get3A_14 = vector.shape_cast %get3A_13 : vector<1x4096x128xf32> to vector<4096x128xf32>
    %get3A_15 = arith.constant 1 : index
    %get3A_16 = arith.constant 0 : index
    %get3A_17 = arith.constant 0 : index
    %get3A_18 = vector.load %arg1[%get3A_15, %get3A_16, %get3A_17] : memref<2x4096x128xf32, #tpu.memory_space<vmem>>, vector<1x4096x128xf32>
    %get3A_19 = vector.shape_cast %get3A_18 : vector<1x4096x128xf32> to vector<4096x128xf32>
    %add3A_20 = arith.addf %get3A_14, %get3A_19 : vector<4096x128xf32>
    %mul3A = vector.broadcast %broadcast_in_dim3A : vector<4096x1xf32> to vector<4096x128xf32>
    %mul3A_21 = arith.mulf %mul3A, %add3A_20 : vector<4096x128xf32>
    %get3A_22 = arith.constant 0 : index
    %get3A_23 = arith.constant 0 : index
    %get3A_24 = vector.load %arg3[%get3A_22, %get3A_23] : memref<1x128xf32, #tpu.memory_space<vmem>>, vector<1x128xf32>
    %add3A_25 = vector.broadcast %get3A_24 : vector<1x128xf32> to vector<4096x128xf32>
    %add3A_26 = arith.addf %mul3A_21, %add3A_25 : vector<4096x128xf32>
    %max3A = arith.constant 0.000000e+00 : f32
    %max3A_27 = vector.broadcast %max3A : f32 to vector<4096x128xf32>
    %max3A_28 = arith.maximumf %add3A_26, %max3A_27 : vector<4096x128xf32>
    %get3A_29 = arith.constant 0 : index
    %get3A_30 = arith.constant 0 : index
    %get3A_31 = vector.load %arg4[%get3A_29, %get3A_30] : memref<128x32xf32, #tpu.memory_space<vmem>>, vector<128x32xf32>
    %dot_general3A = arith.constant dense<0.000000e+00> : vector<4096x32xf32>
    %dot_general3A_32 = tpu.matmul %max3A_28, %get3A_31, %dot_general3A {dimension_numbers = #tpu.dot_dimension_numbers<[1], [0], [0], [1], [0, 0, 1, 1], [], []>, transpose_lhs_hint = false} : vector<4096x128xf32>, vector<128x32xf32>, vector<4096x32xf32> -> vector<4096x32xf32>
    %mul3A_33 = vector.broadcast %broadcast_in_dim3A : vector<4096x1xf32> to vector<4096x32xf32>
    %mul3A_34 = arith.mulf %dot_general3A_32, %mul3A_33 : vector<4096x32xf32>
    %swap3A = arith.constant 0 : index
    %swap3A_35 = arith.constant 0 : index
    %swap3A_36 = vector.load %arg5[%swap3A, %swap3A_35] : memref<4096x32xf32, #tpu.memory_space<vmem>>, vector<4096x32xf32>
    tpu.vector_store %arg5[%swap3A, %swap3A_35], %mul3A_34 {strides = array<i32>} : memref<4096x32xf32, #tpu.memory_space<vmem>>, vector<4096x32xf32>,
    return
  }
  func.func @transform_0(%arg0: i32) -> (i32, i32, i32) {
    %c0_i32 = arith.constant 0 : i32
    %c0_i32_0 = arith.constant 0 : i32
    %c0_i32_1 = arith.constant 0 : i32
    return %c0_i32, %arg0, %c0_i32_0 : i32, i32, i32
  }
  func.func @transform_1(%arg0: i32) -> (i32, i32) {
    %c0_i32 = arith.constant 0 : i32
    %c0_i32_0 = arith.constant 0 : i32
    return %c0_i32, %arg0 : i32, i32
  }
  func.func @transform_2(%arg0: i32) -> (i32, i32) {
    %c0_i32 = arith.constant 0 : i32
    %c0_i32_0 = arith.constant 0 : i32
    %c0_i32_1 = arith.constant 0 : i32
    return %c0_i32, %c0_i32_0 : i32, i32
  }
  func.func @transform_3(%arg0: i32) -> (i32, i32) {
    %c0_i32 = arith.constant 0 : i32
    %c0_i32_0 = arith.constant 0 : i32
    %c0_i32_1 = arith.constant 0 : i32
    return %c0_i32, %c0_i32_0 : i32, i32
  }
  func.func @transform_4(%arg0: i32) -> (i32, i32) {
    %c0_i32 = arith.constant 0 : i32
    %c0_i32_0 = arith.constant 0 : i32
    return %arg0, %c0_i32 : i32, i32
  }
}

module attributes {stable_mosaic.version = 14 : i64} {
  func.func @_c2_body(%arg0: i32, %arg1: memref<2x4096x32xf32, #tpu.memory_space<vmem>>, %arg2: memref<2x4096xf32, #tpu.memory_space<vmem>>, %arg3: memref<1x32xf32, #tpu.memory_space<vmem>>, %arg4: memref<4096x32xf32, #tpu.memory_space<vmem>>) attributes {dimension_semantics = [#tpu.dimension_semantics<arbitrary>], iteration_bounds = array<i64: 3>, scalar_prefetch = 0 : i64, scratch_operands = 0 : i64, tpu.core_type = #tpu.core_type<tc>, window_params = [{transform_indices = @transform_0, window_bounds = array<i64: 2, 4096, 32>}, {transform_indices = @transform_1, window_bounds = array<i64: 2, 4096>}, {pipeline_mode = #tpu.pipeline_mode<synchronous>, transform_indices = @transform_2, window_bounds = array<i64: 1, 32>}, {transform_indices = @transform_3, window_bounds = array<i64: 4096, 32>}]} {
    %get3A = arith.constant 0 : index
    %get3A_0 = arith.constant 0 : index
    %get3A_1 = vector.load %arg2[%get3A, %get3A_0] : memref<2x4096xf32, #tpu.memory_space<vmem>>, vector<1x4096xf32>
    %get3A_2 = vector.shape_cast %get3A_1 : vector<1x4096xf32> to vector<4096xf32>
    %get3A_3 = arith.constant 1 : index
    %get3A_4 = arith.constant 0 : index
    %get3A_5 = vector.load %arg2[%get3A_3, %get3A_4] : memref<2x4096xf32, #tpu.memory_space<vmem>>, vector<1x4096xf32>
    %get3A_6 = vector.shape_cast %get3A_5 : vector<1x4096xf32> to vector<4096xf32>
    %add3A = arith.addf %get3A_2, %get3A_6 : vector<4096xf32>
    %add3A_7 = arith.constant 1.000000e+00 : f32
    %add3A_8 = vector.broadcast %add3A_7 : f32 to vector<4096xf32>
    %add3A_9 = arith.addf %add3A, %add3A_8 : vector<4096xf32>
    %rsqrt3A = math.rsqrt %add3A_9 : vector<4096xf32>
    %broadcast_in_dim3A = vector.shape_cast %rsqrt3A : vector<4096xf32> to vector<4096x1xf32>
    %get3A_10 = arith.constant 0 : index
    %get3A_11 = arith.constant 0 : index
    %get3A_12 = arith.constant 0 : index
    %get3A_13 = vector.load %arg1[%get3A_10, %get3A_11, %get3A_12] : memref<2x4096x32xf32, #tpu.memory_space<vmem>>, vector<1x4096x32xf32>
    %get3A_14 = vector.shape_cast %get3A_13 : vector<1x4096x32xf32> to vector<4096x32xf32>
    %get3A_15 = arith.constant 1 : index
    %get3A_16 = arith.constant 0 : index
    %get3A_17 = arith.constant 0 : index
    %get3A_18 = vector.load %arg1[%get3A_15, %get3A_16, %get3A_17] : memref<2x4096x32xf32, #tpu.memory_space<vmem>>, vector<1x4096x32xf32>
    %get3A_19 = vector.shape_cast %get3A_18 : vector<1x4096x32xf32> to vector<4096x32xf32>
    %add3A_20 = arith.addf %get3A_14, %get3A_19 : vector<4096x32xf32>
    %mul3A = vector.broadcast %broadcast_in_dim3A : vector<4096x1xf32> to vector<4096x32xf32>
    %mul3A_21 = arith.mulf %mul3A, %add3A_20 : vector<4096x32xf32>
    %get3A_22 = arith.constant 0 : index
    %get3A_23 = arith.constant 0 : index
    %get3A_24 = vector.load %arg3[%get3A_22, %get3A_23] : memref<1x32xf32, #tpu.memory_space<vmem>>, vector<1x32xf32>
    %add3A_25 = vector.broadcast %get3A_24 : vector<1x32xf32> to vector<4096x32xf32>
    %add3A_26 = arith.addf %mul3A_21, %add3A_25 : vector<4096x32xf32>
    %swap3A = arith.constant 0 : index
    %swap3A_27 = arith.constant 0 : index
    %swap3A_28 = vector.load %arg4[%swap3A, %swap3A_27] : memref<4096x32xf32, #tpu.memory_space<vmem>>, vector<4096x32xf32>
    tpu.vector_store %arg4[%swap3A, %swap3A_27], %add3A_26 {strides = array<i32>} : memref<4096x32xf32, #tpu.memory_space<vmem>>, vector<4096x32xf32>,
    return
  }
  func.func @transform_0(%arg0: i32) -> (i32, i32, i32) {
    %c0_i32 = arith.constant 0 : i32
    %c0_i32_0 = arith.constant 0 : i32
    %c0_i32_1 = arith.constant 0 : i32
    return %c0_i32, %arg0, %c0_i32_0 : i32, i32, i32
  }
  func.func @transform_1(%arg0: i32) -> (i32, i32) {
    %c0_i32 = arith.constant 0 : i32
    %c0_i32_0 = arith.constant 0 : i32
    return %c0_i32, %arg0 : i32, i32
  }
  func.func @transform_2(%arg0: i32) -> (i32, i32) {
    %c0_i32 = arith.constant 0 : i32
    %c0_i32_0 = arith.constant 0 : i32
    %c0_i32_1 = arith.constant 0 : i32
    return %c0_i32, %c0_i32_0 : i32, i32
  }
  func.func @transform_3(%arg0: i32) -> (i32, i32) {
    %c0_i32 = arith.constant 0 : i32
    %c0_i32_0 = arith.constant 0 : i32
    return %arg0, %c0_i32 : i32, i32
  }
}

</mosaic_0001>

<sc_bundles>
// kernel: kernel.11.cloned.1.call-start
scs
__scs_entry_jumppad:
0x0: {  	(pc) =	sbr.rel $0x88, $3  }
0x1: {  	(tag) =	ssettag $0x0;
	lr =	simm.s32 $0x1  }
0x2: {  	[smem:$0x3F9B] =	sst lr;
	_ =	strace $0xD0000000  }
0x3: {  	_ = 	snop  }
0x4: {  	_ = 	snop  }
0x5: {  	_ = 	snop  }
0x6: {  	_ = 	snop  }
0x7: {  	_ = 	snop  }
__scs_overlays_trampoline_lowered:
0x8: {  	[smem:$0x3FAA] =	sst s0  }
0x9: {  	[smem:$0x3FAB] =	sst s1  }
0xa: {  	[smem:$0x3FAC] =	sst s2  }
0xb: {  	[smem:$0x3FAD] =	sst s3  }
0xc: {  	[smem:$0x3FAE] =	sst s4  }
0xd: {  	[smem:$0x3FAF] =	sst s5  }
0xe: {  	[smem:$0x3FB0] =	sst s6  }
0xf: {  	[smem:$0x3FB1] =	sst s7  }
0x10: {  	[smem:$0x3FB2] =	sst s8  }
0x11: {  	[smem:$0x3FB3] =	sst s9;
	s0 =	simm.s32 @!p0 $0x0  }
0x12: {  	s1 =	sld [smem:$0x3F99];
	s0 =	simm.s32 @p0 $0x1  }
0x13: {  	[smem:$0x3FB4] =	sst s0;
	s0 =	simm.s32 @!p1 $0x0  }
0x14: {  	s2 =	sld [smem:$0x3F98];
	s0 =	simm.s32 @p1 $0x1  }
0x15: {  	[smem:$0x3FB5] =	sst s0;
	s0 =	simm.s32 @!p2 $0x0  }
0x16: {  	s3 =	sld [smem:$0x3FDB];
	s0 =	simm.s32 @p2 $0x1  }
0x17: {  	s4 =	simm.s32 $0x1BF5;
	[smem:$0x3FB7] =	sst s0  }
0x18: {  	s0 =	sld [smem:$0x3F9A];
	_ =	swait.ge [sflag:s4], $0x0  }
0x19: {  	s7 =	sld [smem:$0x3F9B]  }
0x1a: {  	s8 =	sadd.s32 $0xFFFFE003, lr  }
0x1b: {  	s9 =	sadd.s32 $0xFFFFFEF7, lr;
	s5 =	simm.s32 $0xFFFFFFFF;
	p2 =	slt.u32 s8, $0xFFFFF086  }
0x1c: {  	p1 =	slt.u32 s9, $0xF7A;
	s5 =	simm.s32 @!p2 $0x0  }
0x1d: {  	s5 =	simm.s32 @p1 $0x1;
	p0 =	seq.s32 s7, s2  }
0x1e: {  	s7 =	smul.u32 @!p0 $0xF7A, s2;
	p2 =	seq.s32 @!p0 s5, $0x0  }
0x1f: {  	s9 =	smul.u32 $0xF7A, s1;
	s8 =	simm.s32 @!p0 $0x1BF5;
	p2 =	por !p2, p0  }
0x20: {  	[sflag:s8] =	ssyncset.s32 @!p0 $0xFFFFF086;
	s6 =	sadd.s32 @!p0 s3, s7;
	s7 =	simm.s32 @!p0 $0x108  }
0x21: {  	s3 =	sadd.s32 s3, s9;
	s6 =	sadd.s32 @!p0 $0x88, s6;
	s7 =	simm.s32 @p2 $0x1082  }
0x22: {  	[simem:s7], [sflag:s8] =	dma.local @!p0 [hbm:s6], $0xF7A  }
0x23: {  	s9 =	sor.u32 $0xD0000000, s2;
	s6 =	simm.s32 $0x108;
	_ =	swait.ge @!p0 [sflag:s8], $0x0  }
0x24: {  	s3 =	sadd.s32 $0x88, s3;
	s6 =	simm.s32 @!p1 $0x1082;
	[sflag:s4] =	ssyncset.s32 $0xFFFFF086  }
0x25: {  	[simem:s6], [sflag:s4] =	dma.local [hbm:s3], $0xF7A  }
0x26: {  	[smem:$0x3F9B] =	sst s1;
	(tag) =	ssettag s2;
	_ =	strace s9  }
0x27: {  	s1 =	sld [smem:$0x3FAB]  }
0x28: {  	s2 =	sld [smem:$0x3FAC]  }
0x29: {  	s4 =	sld [smem:$0x3FAE]  }
0x2a: {  	p0 =	seq.s32 s5, $0x0;
	s5 =	sld [smem:$0x3FAF]  }
0x2b: {  	s6 =	sld [smem:$0x3FB0]  }
0x2c: {  	s7 =	sld [smem:$0x3FB1]  }
0x2d: {  	s3 =	simm.s32 $0x108;
	s8 =	sld [smem:$0x3FB2]  }
0x2e: {  	s3 =	simm.s32 @!p0 $0x1082;
	s9 =	sld [smem:$0x3FB3]  }
0x2f: {  	lr =	sadd.s32 s0, s3;
	s0 =	sld [smem:$0x3FAA]  }
0x30: {  	s3 =	sld [smem:$0x3FAD]  }
0x31: {  	[smem:$0x3FB6] =	sst s10  }
0x32: {  	s10 =	sld [smem:$0x3FB4];
	_ =	sdelay $0x3  }
0x33: {  	p0 =	seq.s32 s10, $0x1;
	s10 =	sld [smem:$0x3FB6];
	_ =	sdelay $0x3  }
0x34: {  	[smem:$0x3FB6] =	sst s10  }
0x35: {  	s10 =	sld [smem:$0x3FB5];
	_ =	sdelay $0x3  }
0x36: {  	p1 =	seq.s32 s10, $0x1;
	s10 =	sld [smem:$0x3FB6];
	_ =	sdelay $0x3  }
0x37: {  	[smem:$0x3FB6] =	sst s10  }
0x38: {  	s10 =	sld [smem:$0x3FB7]  }
0x39: {  	_ = 	snop;
	(pc) =	sbr.ind lr, $3  }
0x3a: {  	_ = 	snop  }
0x3b: {  	_ = 	snop  }
0x3c: {  	p2 =	seq.s32 s10, $0x1;
	s10 =	sld [smem:$0x3FB6]  }
0x3d: {  	_ =	shalt  }
0x3e: {  	_ =	shalt  }
0x3f: {  	_ =	shalt  }
0x40: {  	_ =	shalt  }
0x41: {  	_ =	shalt  }
0x42: {  	_ =	shalt  }
0x43: {  	_ =	shalt  }
0x44: {  	_ =	shalt  }
0x45: {  	_ =	shalt  }
0x46: {  	_ =	shalt  }
0x47: {  	_ =	shalt  }
0x48: {  	_ =	shalt  }
0x49: {  	_ =	shalt  }
0x4a: {  	_ =	shalt  }
0x4b: {  	_ =	shalt  }
0x4c: {  	_ =	shalt  }
0x4d: {  	_ =	shalt  }
0x4e: {  	_ =	shalt  }
0x4f: {  	_ =	shalt  }
0x50: {  	_ =	shalt  }
0x51: {  	_ =	shalt  }
0x52: {  	_ =	shalt  }
0x53: {  	_ =	shalt  }
0x54: {  	_ =	shalt  }
0x55: {  	_ =	shalt  }
0x56: {  	_ =	shalt  }
0x57: {  	_ =	shalt  }
0x58: {  	_ =	shalt  }
0x59: {  	_ =	shalt  }
0x5a: {  	_ =	shalt  }
0x5b: {  	_ =	shalt  }
0x5c: {  	_ =	shalt  }
0x5d: {  	_ =	shalt  }
0x5e: {  	_ =	shalt  }
0x5f: {  	_ =	shalt  }
0x60: {  	_ =	shalt  }
0x61: {  	_ =	shalt  }
0x62: {  	_ =	shalt  }
0x63: {  	_ =	shalt  }
0x64: {  	_ =	shalt  }
0x65: {  	_ =	shalt  }
0x66: {  	_ =	shalt  }
0x67: {  	_ =	shalt  }
0x68: {  	_ =	shalt  }
0x69: {  	_ =	shalt  }
0x6a: {  	_ =	shalt  }
0x6b: {  	_ =	shalt  }
0x6c: {  	_ =	shalt  }
0x6d: {  	_ =	shalt  }
0x6e: {  	_ =	shalt  }
0x6f: {  	_ =	shalt  }
0x70: {  	_ =	shalt  }
0x71: {  	_ =	shalt  }
0x72: {  	_ =	shalt  }
0x73: {  	_ =	shalt  }
0x74: {  	_ =	shalt  }
0x75: {  	_ =	shalt  }
0x76: {  	_ =	shalt  }
0x77: {  	_ =	shalt  }
0x78: {  	_ =	shalt  }
0x79: {  	_ =	shalt  }
0x7a: {  	_ =	shalt  }
0x7b: {  	_ =	shalt  }
0x7c: {  	_ =	shalt  }
0x7d: {  	_ =	shalt  }
0x7e: {  	_ =	shalt  }
0x7f: {  	_ =	shalt  }
0x80: {  	_ =	shalt  }
0x81: {  	_ =	shalt  }
0x82: {  	_ =	shalt  }
0x83: {  	_ =	shalt  }
0x84: {  	_ =	shalt  }
0x85: {  	_ =	shalt  }
0x86: {  	_ =	shalt  }
0x87: {  	_ =	shalt  }
.Lfunc_end0:
.L_simem_size_0:
called_computation.1_lowered:
.L_overlay_start_0:
0x88: {  	s2 =	sld [smem:$0x3FD9]  }
0x89: {  	s3 =	sld [smem:$0x3FFE];
	_ =	sdelay $0x1  }
0x8a: {  	s1 =	srdreg.scid  }
0x8b: {  	s0 =	sand.u32 $0x1, s1  }
0x8c: {  	s16 =	sshll.u32 s0, $0xA;
	s2 =	sadd.s32 s3, s2  }
0x8d: {  	s2 =	sadd.s32 s2, s16  }
0x8e: {  	[smem:$0x3FC2] =	sst s2  }
0x8f: {  	_ = 	snop  }
0x90: {  	(tm) =	ssettm $0x1  }
0x91: {  	s17 =	sld [smem:$0x3FFB];
	_ =	sdelay $0x3  }
0x92: {  	_ =	strace s17  }
0x93: {  	s2 =	sld [smem:$0x3FFC];
	_ =	sdelay $0x3  }
0x94: {  	_ =	strace s2  }
0x95: {  	s2 =	sld [smem:$0x3FFD];
	_ =	sdelay $0x3  }
0x96: {  	_ =	strace s2  }
0x97: {  	_ =	strace $0x8FFFFFFF  }
0x98: {  	s18 =	sld [smem:$0x3FDB];
	_ =	sdelay $0x1  }
0x99: {  	s19 =	simm.s32 $_scs_section_size  }
0x9a: {  	s4 =	simm.s32 $_size__tile_overlayer_lowered;
	s5 =	simm.s32 $_tile_overlayer_lowered  }
0x9b: {  	s22 =	simm.s32 $0x1BFF;
	s21 =	sshll.u32 s5, $0x1;
	s2 =	sadd.s32 s19, s18  }
0x9c: {  	s6 =	simm.s32 $0x0;
	s20 =	sshll.u32 s4, $0x1;
	s4 =	sadd.s32 s21, s2  }
0x9d: {  	[timem:s6], [sflag:s22] =	dma.local [hbm:s4], s20  }
0x9e: {  	_ =	swait.ge [sflag:s22], s20  }
0x9f: {  	s3 =	ssub.s32 $0x0, s20;
	[sflag:s22] =	ssyncset.done $0x0  }
0xa0: {  	[sflag:s22] =	ssyncadd.s32 s3;
	_ =	sdelay $0x1  }
0xa1: {  	s23 =	simm.s32 $0x1B8B  }
0xa2: {  	_ =	swait.ge [sflag:s23], $0x1  }
0xa3: {  	[sflag:s23] =	ssyncset.done $0x0  }
0xa4: {  	s25 =	simm.s32 $0x1B8E;
	s24 =	sld [smem:$0x3FFE];
	[sflag:s23] =	ssyncadd.s32 $0xFFFFFFFF  }
0xa5: {  	s26 =	simm.s32 $execute0_lowered;
	[smem:$0x3FD2] =	sst s25  }
0xa6: {  	s4 =	sshll.u32 s26, $0x1;
	_ =	strace $0x80000049;
	[dreg:$0x1] =	wrdreg $0xFFFFFFFF  }
0xa7: {  	s28 =	simm.s32 $_size_execute0_lowered;
	s2 =	sadd.s32 s2, s4;
	[dreg:$0x0] =	wrdreg $0x0  }
0xa8: {  	s4 =	sshll.u32 s28, $0x1;
	[dreg:$0x2] =	wrdreg s2  }
0xa9: {  	[dreg:$0x3] =	wrdreg s4  }
0xaa: {  	[dreg:$0x4] =	wrdreg $0xC0  }
0xab: {  	_ =	task [dreg:s6], $0x5FFFF  }
0xac: {  	[dreg:$0x1] =	wrdreg $0xFFFFFFFF  }
0xad: {  	[dreg:$0x0] =	wrdreg $0x60  }
0xae: {  	[dreg:$0x2] =	wrdreg s24  }
0xaf: {  	[dreg:$0x3] =	wrdreg $0x2BC00  }
0xb0: {  	[dreg:$0x4] =	wrdreg $0x9  }
0xb1: {  	_ =	task.clear_ibuf [dreg:s6], $0x5FFFF;
	_ =	strace $0x90000049  }
0xb2: {  	s29 =	simm.s32 $0x9;
	_ =	strace $0x8000004B  }
0xb3: {  	_ =	swait.ge [sflag:s29], $0x1  }
0xb4: {  	[sflag:s29] =	ssyncadd.s32 $0xFFFFFFFF  }
0xb5: {  	_ =	strace $0x9000004B  }
0xb6: {  	_ =	sfence  }
0xb7: {  	s30 =	sld [smem:$0x0];
	_ =	sdelay $0x2  }
0xb8: {  	s31 =	sshll.u32 s1, $0xD;
	s1 =	sshrl.u32 s1, $0x2  }
0xb9: {  	s3 =	sand.u32 $0x4000, s31;
	s1 =	sadd.s32 s1, s30  }
0xba: {  	s0 =	sor.u32 s3, s0;
	s1 =	sshll.u32 s1, $0x11  }
0xbb: {  	s0 =	sor.u32 s1, s0  }
0xbc: {  	s0 =	sadd.s32 $0x8F2B, s0  }
0xbd: {  	[sflag:s0] =	ssyncadd.remote.s32 $0x1  }
0xbe: {  	_ =	sfence.sel $0xFFFF  }
0xbf: {  	[dreg:$0x0] =	wrdreg $0xFFFFFFFF;
	(pc) =	sbr.abs _section_cstart, $3  }
0xc0: {  	[dreg:$0x1] =	wrdreg $0xFFFFFFFF  }
0xc1: {  	_ =	task.clear_ibuf [dreg:s6], $0x2FFFF;
	_ =	strace $0x9FFFFFFF  }
0xc2: {  	(tm) =	ssettm $0x7FFFFFFF  }
0xc3: {  	_ =	shalt  }
tec
execute0_lowered:
.L_overlay_start_1:
0x0: {  	(tag) =	ssettag $0x1  }
0x1: {  	s1 =	rddreg [dreg:$0x0]  }
0x2: {  	s0 =	srdreg.scid;
	s2 =	rddreg [dreg:$0x1]  }
0x3: {  	s3 =	simm.s32 $0x0;
	s14 =	simm.s32 $0x6;
	s16 =	simm.s32 $0x32  }
0x4: {  	s17 =	simm.s32 $0x16BC0;
	s19 =	simm.s32 $0x184C0;
	s21 =	simm.s32 $0x19DC0  }
0x5: {  	s23 =	simm.s32 $0x1B6C0;
	s28 =	simm.s32 $0x1CFC0;
	s29 =	simm.s32 $0x1  }
0x6: {  	s30 =	simm.s32 $0x2;
	s31 =	simm.s32 $0x3;
	s5 =	sand.u32 $0x1, s0  }
0x7: {  	s20 =	simm.s32 $0x0;
	s0 =	stileid.u32;
	s4 =	smul.u32 $0x15E00, s5  }
0x8: {  	[smem:$0x7FF] =	sst s3;
	s15 =	sadd.s32 $0x12C000, s2;
	s6 =	smul.u32 $0x15E0, s0  }
0x9: {  	s18 =	sadd.s32 $0x138800, s2;
	s8 =	sadd.s32 $0x5B900, s1;
	s9 =	smul.u32 $0x14000, s0  }
0xa: {  	s7 =	smul.u32 $0x140000, s5;
	_ =	strace $0x8000004A;
	p0 =	seq.s32 s5, $0x0  }
0xb: {  	p1 =	slt.u32 s0, $0x8;
	p2 =	seq.s32 s5, $0x1;
	p3 =	sgt.u32 s0, $0x7  }
0xc: {  	s5 =	ssub.s32 $0x2, s5;
	p5 =	sne.s32 s0, $0xF;
	p6 =	seq.s32 s0, $0xF  }
0xd: {  	p0 =	por !p0, !p1;
	p4 =	por !p3, !p2;
	s26 =	sshrl.u32 s5, $0x1  }
0xe: {  	p2 =	por !p6, !p2;
	s6 =	sadd.s32 s6, s4;
	s4 =	sadd.s32 $0xD600, s1  }
0xf: {  	s7 =	sadd.s32 s9, s7;
	s10 =	sshrl.u32 s9, $0x3;
	p0 =	por !p0, !p0  }
0x10: {  	p1 =	por !p4, !p4;
	s13 =	ssub.s32 s5, s26;
	p2 =	por !p2, !p2  }
0x11: {  	s9 =	sadd.s32 s9, s2;
	s6 =	sshrl.u32 s6, $0x3;
	s7 =	sshrl.u32 s7, $0x3  }
0x12: {  	s11 =	sadd.s32 s10, s1;
	p0 =	por p0, p1;
	s10 =	sadd.s32 s4, s10  }
0x13: {  	s13 =	smax.u32 s13, $0x1;
	s6 =	sadd.s32 s6, s1;
	s12 =	sadd.s32 s7, s1  }
0x14: {  	p1 =	por !p5, !p0;
	s7 =	sadd.s32 $0x32E00, s1;
	s11 =	sadd.s32 $0x34800, s11  }
0x15: {  	s1 =	simm.s32 $0x4;
	s5 =	sadd.s32 $0x7E00, s6;
	p1 =	por !p1, !p1  }
0x16: {  	s6 =	sadd.s32 $0x2600, s6;
	s12 =	sadd.s32 $0x5C800, s12;
	p2 =	por !p2, p1  }
0x17: {  	s24 =	sshrl.u32 @!p2 s15, $0x3;
	s25 =	sshrl.u32 @!p2 s18, $0x3;
	s15 =	simm.s32 $0x5  }
.LBB2_1:
0x18: {  	[tilespmem:s3], [sflag:$0x6] =	stream.linear.gather [hbm4b:s5+s3], $0x15E0, $0x38;
	[tilespmem:$0x1E8C0] =	vst v63  }
0x19: {  	_ =	swait.ge [sflag:s14], $0x15E0  }
0x1a: {  	[sflag:s14] =	ssyncset.done $0x0  }
0x1b: {  	s18 =	simm.s32 $0x15E0;
	[sflag:s14] =	ssyncadd.s32 $0xFFFFEA20  }
0x1c: {  	[tilespmem:s18], [sflag:$0x6] =	stream.linear.gather [hbm4b:s6+s3], $0x15E0, $0x38;
	[tilespmem:$0x1E8C0] =	vst v63  }
0x1d: {  	_ =	swait.ge [sflag:s14], $0x15E0  }
0x1e: {  	[sflag:s14] =	ssyncset.done $0x0  }
0x1f: {  	[sflag:s14] =	ssyncadd.s32 $0xFFFFEA20  }
0x20: {  	[tilespmem:s17], [sflag:$0x1] =	stream.indirect.gather [hbm4b:s4+s16], $0x80, s3, s16, $0xb8;
	[tilespmem:$0x1E8C0] =	vst v63  }
0x21: {  	s26 =	simm.s32 $0x38  }
0x22: {  	[tilespmem:s19], [sflag:$0x2] =	stream.indirect.gather [hbm4b:s4+s16], $0x80, s26, s16, $0xb8;
	[tilespmem:$0x1E8C0] =	vst v63  }
0x23: {  	s22 =	simm.s32 $0x70  }
0x24: {  	[tilespmem:s21], [sflag:$0x3] =	stream.indirect.gather [hbm4b:s4+s16], $0x80, s22, s16, $0xb8;
	[tilespmem:$0x1E8C0] =	vst v63  }
0x25: {  	s26 =	simm.s32 $0xA8  }
0x26: {  	[tilespmem:s23], [sflag:$0x4] =	stream.indirect.gather [hbm4b:s4+s16], $0x80, s26, s16, $0xb8;
	[tilespmem:$0x1E8C0] =	vst v63  }
0x27: {  	s22 =	simm.s32 $0xE0  }
0x28: {  	[tilespmem:s28], [sflag:$0x5] =	stream.indirect.gather [hbm4b:s4+s16], $0x80, s22, s16, $0xb8;
	[tilespmem:$0x1E8C0] =	vst v63  }
0x29: {  	s26 =	simm.s32 @!p2 $0x6;
	s22 =	simm.s32 @!p2 $0x1FC6  }
0x2a: {  	[spmem:s24], [sflag:s22] =	dma.local @!p2 [hbm:s7], $0x1900  }
0x2b: {  	_ =	swait.ge @!p2 [sflag:s26], $0x1900  }
0x2c: {  	[sflag:s26] =	ssyncset.done @!p2 $0x0  }
0x2d: {  	[sflag:s26] =	ssyncadd.s32 @!p2 $0xFFFFE700  }
0x2e: {  	[spmem:s25], [sflag:s22] =	dma.local @!p2 [hbm:s8], $0xF00  }
0x2f: {  	_ =	swait.ge @!p2 [sflag:s26], $0xF00  }
0x30: {  	s22 =	sshll.u32 @p1 s0, $0x6;
	[sflag:s26] =	ssyncset.done @!p2 $0x0  }
0x31: {  	s22 =	sor.u32 @p1 $0x1C06, s22;
	[sflag:s26] =	ssyncadd.s32 @!p2 $0xFFFFF100;
	s26 =	sshrl.u32 @p1 s9, $0x3  }
0x32: {  	[spmem:s26], [sflag:s22] =	dma.local @p1 [hbm:s10], $0x2800  }
0x33: {  	s22 =	simm.s32 @p1 $0x6  }
0x34: {  	_ =	swait.ge @p1 [sflag:s22], $0x2800  }
0x35: {  	s26 =	sshll.u32 @!p0 s0, $0x6;
	[sflag:s22] =	ssyncset.done @p1 $0x0  }
0x36: {  	[sflag:s22] =	ssyncadd.s32 @p1 $0xFFFFD800;
	s22 =	sor.u32 @!p0 $0x1C06, s26;
	s26 =	sshrl.u32 @!p0 s9, $0x3  }
0x37: {  	[spmem:s26], [sflag:s22] =	dma.local @!p0 [hbm:s11], $0x2800  }
0x38: {  	s22 =	simm.s32 @!p0 $0x6  }
0x39: {  	_ =	swait.ge @!p0 [sflag:s22], $0x2800  }
0x3a: {  	[sflag:s22] =	ssyncset.done @!p0 $0x0  }
0x3b: {  	[sflag:s22] =	ssyncadd.s32 @!p0 $0xFFFFD800  }
0x3c: {  	[bflag:$0x0] =	sbarrier.arrive $0xFFFF  }
0x3d: {  	_ =	swait.ge [sflag:s29], $0x1900  }
0x3e: {  	[sflag:s29] =	ssyncset.done $0x0  }
0x3f: {  	s26 =	simm.s32 $0x15E0;
	[sflag:s29] =	ssyncadd.s32 $0xFFFFE700  }
0x40: {  	[spmem:s2] =	stream.indirect.scatter.add.f32 [tilespmem:s17], [sflag:$0x6], $0x80, s26, s16, $0xb8;
	[tilespmem:$0x1E8C0] =	vst v63  }
0x41: {  	_ =	swait.ge [sflag:s14], $0x1900  }
0x42: {  	[sflag:s14] =	ssyncset.done $0x0  }
0x43: {  	s18 =	simm.s32 $0x118;
	[sflag:s14] =	ssyncadd.s32 $0xFFFFE700  }
0x44: {  	[tilespmem:s17], [sflag:$0x1] =	stream.indirect.gather [hbm4b:s4+s16], $0x80, s18, s16, $0xb8;
	[tilespmem:$0x1E8C0] =	vst v63  }
0x45: {  	_ =	swait.ge [sflag:s30], $0x1900  }
0x46: {  	[sflag:s30] =	ssyncset.done $0x0  }
0x47: {  	s26 =	simm.s32 $0x1618;
	[sflag:s30] =	ssyncadd.s32 $0xFFFFE700  }
0x48: {  	[spmem:s2] =	stream.indirect.scatter.add.f32 [tilespmem:s19], [sflag:$0x6], $0x80, s26, s16, $0xb8;
	[tilespmem:$0x1E8C0] =	vst v63  }
0x49: {  	_ =	swait.ge [sflag:s14], $0x1900  }
0x4a: {  	[sflag:s14] =	ssyncset.done $0x0  }
0x4b: {  	s18 =	simm.s32 $0x150;
	[sflag:s14] =	ssyncadd.s32 $0xFFFFE700  }
0x4c: {  	[tilespmem:s19], [sflag:$0x2] =	stream.indirect.gather [hbm4b:s4+s16], $0x80, s18, s16, $0xb8;
	[tilespmem:$0x1E8C0] =	vst v63  }
0x4d: {  	_ =	swait.ge [sflag:s31], $0x1900  }
0x4e: {  	[sflag:s31] =	ssyncset.done $0x0  }
0x4f: {  	s26 =	simm.s32 $0x1650;
	[sflag:s31] =	ssyncadd.s32 $0xFFFFE700  }
0x50: {  	[spmem:s2] =	stream.indirect.scatter.add.f32 [tilespmem:s21], [sflag:$0x6], $0x80, s26, s16, $0xb8;
	[tilespmem:$0x1E8C0] =	vst v63  }
0x51: {  	_ =	swait.ge [sflag:s14], $0x1900  }
0x52: {  	[sflag:s14] =	ssyncset.done $0x0  }
0x53: {  	s18 =	simm.s32 $0x188;
	[sflag:s14] =	ssyncadd.s32 $0xFFFFE700  }
0x54: {  	[tilespmem:s21], [sflag:$0x3] =	stream.indirect.gather [hbm4b:s4+s16], $0x80, s18, s16, $0xb8;
	[tilespmem:$0x1E8C0] =	vst v63  }
0x55: {  	_ =	swait.ge [sflag:s1], $0x1900  }
0x56: {  	[sflag:s1] =	ssyncset.done $0x0  }
0x57: {  	s26 =	simm.s32 $0x1688;
	[sflag:s1] =	ssyncadd.s32 $0xFFFFE700  }
0x58: {  	[spmem:s2] =	stream.indirect.scatter.add.f32 [tilespmem:s23], [sflag:$0x6], $0x80, s26, s16, $0xb8;
	[tilespmem:$0x1E8C0] =	vst v63  }
0x59: {  	_ =	swait.ge [sflag:s14], $0x1900  }
0x5a: {  	[sflag:s14] =	ssyncset.done $0x0  }
0x5b: {  	s18 =	simm.s32 $0x1C0;
	[sflag:s14] =	ssyncadd.s32 $0xFFFFE700  }
0x5c: {  	[tilespmem:s23], [sflag:$0x4] =	stream.indirect.gather [hbm4b:s4+s16], $0x80, s18, s16, $0xb8;
	[tilespmem:$0x1E8C0] =	vst v63  }
0x5d: {  	_ =	swait.ge [sflag:s15], $0x1900  }
0x5e: {  	[sflag:s15] =	ssyncset.done $0x0  }
0x5f: {  	s26 =	simm.s32 $0x16C0;
	[sflag:s15] =	ssyncadd.s32 $0xFFFFE700  }
0x60: {  	[spmem:s2] =	stream.indirect.scatter.add.f32 [tilespmem:s28], [sflag:$0x6], $0x80, s26, s16, $0xb8;
	[tilespmem:$0x1E8C0] =	vst v63  }
0x61: {  	_ =	swait.ge [sflag:s14], $0x1900  }
0x62: {  	[sflag:s14] =	ssyncset.done $0x0  }
0x63: {  	s22 =	simm.s32 $0x460;
	s26 =	simm.s32 $0x1F8;
	[sflag:s14] =	ssyncadd.s32 $0xFFFFE700  }
.LBB2_2:
0x64: {  	[tilespmem:s28], [sflag:$0x5] =	stream.indirect.gather [hbm4b:s4+s16], $0x80, s26, s16, $0xb8;
	[tilespmem:$0x1E8C0] =	vst v63  }
0x65: {  	s26 =	smov.u32 s22  }
0x66: {  	p3 =	sne.s32 s22, $0x4EC0;
	s22 =	sadd.s32 $0x460, s22;
	_ =	swait.ge [sflag:s29], $0x1900  }
0x67: {  	s26 =	sshra.s32 s26, $0x2;
	[sflag:s29] =	ssyncset.done $0x0  }
0x68: {  	s18 =	sadd.s32 $0x15E0, s26;
	[sflag:s29] =	ssyncadd.s32 $0xFFFFE700  }
0x69: {  	[spmem:s2] =	stream.indirect.scatter.add.f32 [tilespmem:s17], [sflag:$0x6], $0x80, s18, s16, $0xb8;
	[tilespmem:$0x1E8C0] =	vst v63  }
0x6a: {  	_ =	swait.ge [sflag:s14], $0x1900  }
0x6b: {  	[sflag:s14] =	ssyncset.done $0x0  }
0x6c: {  	s18 =	sadd.s32 $0x118, s26;
	[sflag:s14] =	ssyncadd.s32 $0xFFFFE700  }
0x6d: {  	[tilespmem:s17], [sflag:$0x1] =	stream.indirect.gather [hbm4b:s4+s16], $0x80, s18, s16, $0xb8;
	[tilespmem:$0x1E8C0] =	vst v63  }
0x6e: {  	_ =	swait.ge [sflag:s30], $0x1900  }
0x6f: {  	[sflag:s30] =	ssyncset.done $0x0  }
0x70: {  	s18 =	sadd.s32 $0x1618, s26;
	[sflag:s30] =	ssyncadd.s32 $0xFFFFE700  }
0x71: {  	[spmem:s2] =	stream.indirect.scatter.add.f32 [tilespmem:s19], [sflag:$0x6], $0x80, s18, s16, $0xb8;
	[tilespmem:$0x1E8C0] =	vst v63  }
0x72: {  	_ =	swait.ge [sflag:s14], $0x1900  }
0x73: {  	[sflag:s14] =	ssyncset.done $0x0  }
0x74: {  	s18 =	sadd.s32 $0x150, s26;
	[sflag:s14] =	ssyncadd.s32 $0xFFFFE700  }
0x75: {  	[tilespmem:s19], [sflag:$0x2] =	stream.indirect.gather [hbm4b:s4+s16], $0x80, s18, s16, $0xb8;
	[tilespmem:$0x1E8C0] =	vst v63  }
0x76: {  	_ =	swait.ge [sflag:s31], $0x1900  }
0x77: {  	[sflag:s31] =	ssyncset.done $0x0  }
0x78: {  	s18 =	sadd.s32 $0x1650, s26;
	[sflag:s31] =	ssyncadd.s32 $0xFFFFE700  }
0x79: {  	[spmem:s2] =	stream.indirect.scatter.add.f32 [tilespmem:s21], [sflag:$0x6], $0x80, s18, s16, $0xb8;
	[tilespmem:$0x1E8C0] =	vst v63  }
0x7a: {  	_ =	swait.ge [sflag:s14], $0x1900  }
0x7b: {  	[sflag:s14] =	ssyncset.done $0x0  }
0x7c: {  	s18 =	sadd.s32 $0x188, s26;
	[sflag:s14] =	ssyncadd.s32 $0xFFFFE700  }
0x7d: {  	[tilespmem:s21], [sflag:$0x3] =	stream.indirect.gather [hbm4b:s4+s16], $0x80, s18, s16, $0xb8;
	[tilespmem:$0x1E8C0] =	vst v63  }
0x7e: {  	_ =	swait.ge [sflag:s1], $0x1900  }
0x7f: {  	[sflag:s1] =	ssyncset.done $0x0  }
0x80: {  	s18 =	sadd.s32 $0x1688, s26;
	[sflag:s1] =	ssyncadd.s32 $0xFFFFE700  }
0x81: {  	[spmem:s2] =	stream.indirect.scatter.add.f32 [tilespmem:s23], [sflag:$0x6], $0x80, s18, s16, $0xb8;
	[tilespmem:$0x1E8C0] =	vst v63  }
0x82: {  	_ =	swait.ge [sflag:s14], $0x1900  }
0x83: {  	[sflag:s14] =	ssyncset.done $0x0  }
0x84: {  	s18 =	sadd.s32 $0x1C0, s26;
	[sflag:s14] =	ssyncadd.s32 $0xFFFFE700  }
0x85: {  	[tilespmem:s23], [sflag:$0x4] =	stream.indirect.gather [hbm4b:s4+s16], $0x80, s18, s16, $0xb8;
	[tilespmem:$0x1E8C0] =	vst v63  }
0x86: {  	_ =	swait.ge [sflag:s15], $0x1900  }
0x87: {  	[sflag:s15] =	ssyncset.done $0x0  }
.Ltmp0:
0x88: {  	s18 =	sadd.s32 $0x16C0, s26;
	[sflag:s15] =	ssyncadd.s32 $0xFFFFE700;
	(pc) =	sbr.rel @p3 .LBB2_2-.Ltmp0, $4  }
0x89: {  	[spmem:s2] =	stream.indirect.scatter.add.f32 [tilespmem:s28], [sflag:$0x6], $0x80, s18, s16, $0xb8;
	[tilespmem:$0x1E8C0] =	vst v63  }
0x8a: {  	_ =	swait.ge [sflag:s14], $0x1900  }
0x8b: {  	[sflag:s14] =	ssyncset.done $0x0  }
0x8c: {  	s26 =	sadd.s32 $0x1F8, s26;
	[sflag:s14] =	ssyncadd.s32 $0xFFFFE700  }
0x8d: {  	[tilespmem:s28], [sflag:$0x5] =	stream.indirect.gather [hbm4b:s4+s16], $0x80, s26, s16, $0xb8;
	[tilespmem:$0x1E8C0] =	vst v63  }
0x8e: {  	_ =	swait.ge [sflag:s29], $0x1900  }
0x8f: {  	[sflag:s29] =	ssyncset.done $0x0  }
0x90: {  	s18 =	simm.s32 $0x2AA8;
	[sflag:s29] =	ssyncadd.s32 $0xFFFFE700  }
0x91: {  	[spmem:s2] =	stream.indirect.scatter.add.f32 [tilespmem:s17], [sflag:$0x6], $0x80, s18, s16, $0xb8;
	[tilespmem:$0x1E8C0] =	vst v63  }
0x92: {  	_ =	swait.ge [sflag:s14], $0x1900  }
0x93: {  	[sflag:s14] =	ssyncset.done $0x0  }
0x94: {  	[sflag:s14] =	ssyncadd.s32 $0xFFFFE700  }
0x95: {  	_ =	swait.ge [sflag:s30], $0x1900  }
0x96: {  	[sflag:s30] =	ssyncset.done $0x0  }
0x97: {  	s26 =	simm.s32 $0x2AE0;
	[sflag:s30] =	ssyncadd.s32 $0xFFFFE700  }
0x98: {  	[spmem:s2] =	stream.indirect.scatter.add.f32 [tilespmem:s19], [sflag:$0x6], $0x80, s26, s16, $0xb8;
	[tilespmem:$0x1E8C0] =	vst v63  }
0x99: {  	_ =	swait.ge [sflag:s14], $0x1900  }
0x9a: {  	[sflag:s14] =	ssyncset.done $0x0  }
0x9b: {  	[sflag:s14] =	ssyncadd.s32 $0xFFFFE700  }
0x9c: {  	_ =	swait.ge [sflag:s31], $0x1900  }
0x9d: {  	[sflag:s31] =	ssyncset.done $0x0  }
0x9e: {  	s22 =	simm.s32 $0x2B18;
	[sflag:s31] =	ssyncadd.s32 $0xFFFFE700  }
0x9f: {  	[spmem:s2] =	stream.indirect.scatter.add.f32 [tilespmem:s21], [sflag:$0x6], $0x80, s22, s16, $0xb8;
	[tilespmem:$0x1E8C0] =	vst v63  }
0xa0: {  	_ =	swait.ge [sflag:s14], $0x1900  }
0xa1: {  	[sflag:s14] =	ssyncset.done $0x0  }
0xa2: {  	[sflag:s14] =	ssyncadd.s32 $0xFFFFE700  }
0xa3: {  	_ =	swait.ge [sflag:s1], $0x1900  }
0xa4: {  	[sflag:s1] =	ssyncset.done $0x0  }
0xa5: {  	s26 =	simm.s32 $0x2B50;
	[sflag:s1] =	ssyncadd.s32 $0xFFFFE700  }
0xa6: {  	[spmem:s2] =	stream.indirect.scatter.add.f32 [tilespmem:s23], [sflag:$0x6], $0x80, s26, s16, $0xb8;
	[tilespmem:$0x1E8C0] =	vst v63  }
0xa7: {  	_ =	swait.ge [sflag:s14], $0x1900  }
0xa8: {  	[sflag:s14] =	ssyncset.done $0x0  }
0xa9: {  	[sflag:s14] =	ssyncadd.s32 $0xFFFFE700  }
0xaa: {  	_ =	swait.ge [sflag:s15], $0x1900  }
0xab: {  	[sflag:s15] =	ssyncset.done $0x0  }
0xac: {  	s22 =	simm.s32 $0x2B88;
	[sflag:s15] =	ssyncadd.s32 $0xFFFFE700  }
0xad: {  	[spmem:s2] =	stream.indirect.scatter.add.f32 [tilespmem:s28], [sflag:$0x6], $0x80, s22, s16, $0xb8;
	[tilespmem:$0x1E8C0] =	vst v63  }
0xae: {  	_ =	swait.ge [sflag:s14], $0x1900  }
0xaf: {  	s20 =	sadd.s32 $0x1, s20;
	s26 =	sshll.u32 s0, $0x6;
	[sflag:s14] =	ssyncset.done $0x0  }
0xb0: {  	p3 =	sne.s32 s20, s13;
	s18 =	sor.u32 $0x1C06, s26;
	[sflag:s14] =	ssyncadd.s32 $0xFFFFE700  }
.Ltmp1:
0xb1: {  	s22 =	sshrl.u32 s9, $0x3;
	[bflag:$0x0] =	sbarrier.arrive $0xFFFF;
	(pc) =	sbr.rel @p3 .LBB2_1-.Ltmp1, $4  }
0xb2: {  	[hbm:s12], [sflag:s18] =	dma.local [spmem:s22], $0x2800  }
0xb3: {  	_ =	swait.ge [sflag:s14], $0x2800  }
0xb4: {  	[sflag:s14] =	ssyncset.done $0x0  }
0xb5: {  	[sflag:s14] =	ssyncadd.s32 $0xFFFFD800  }
0xb6: {  	_ =	sfence.sel $0x180000  }
0xb7: {  	[bflag:$0x0] =	sbarrier.arrive $0xFFFF  }
0xb8: {  	_ =	strace $0x9000004A  }
0xb9: {  	[bflag:$0x2] =	sbarrier.arrive $0xFFFF  }
0xba: {  	p0 =	sne.s32 s0, $0x0;
	s0 =	rddreg [dreg:$0x2]  }
0xbb: {  	s0 =	sadd.s32 @!p0 $0x100000, s0  }
0xbc: {  	[sflag:s0] =	ssyncadd.tile.s32 @!p0 $0x1;
	_ =	shalt  }
.Lfunc_end2:
_tile_overlayer_lowered:
.L_overlay_start_2:
0xbd: {  	(tag) =	ssettag $0x2  }
0xbe: {  	s0 =	rddreg [dreg:$0x0];
	s2 =	stileid.u32  }
0xbf: {  	s1 =	rddreg [dreg:$0x1];
	p0 =	sne.s32 s2, $0x0  }
0xc0: {  	s3 =	rddreg [dreg:$0x2];
	[bflag:$0x3] =	sbarrier.arrive $0xFFFF;
	s2 =	simm.s32 @!p0 $0x1C06  }
0xc1: {  	[timem:s3], [sflag:s2] =	dma.local @!p0 [hbm:s0], s1  }
0xc2: {  	s0 =	simm.s32 @!p0 $0x6  }
0xc3: {  	_ =	swait.ge @!p0 [sflag:s0], s1  }
0xc4: {  	s1 =	ssub.s32 @!p0 $0x0, s1;
	[sflag:s0] =	ssyncset.done @!p0 $0x0  }
0xc5: {  	[sflag:s0] =	ssyncadd.s32 @!p0 s1  }
0xc6: {  	[bflag:$0x3] =	sbarrier.arrive $0xFFFF  }
0xc7: {  	_ =	shalt  }

// kernel: kernel.14.cloned.1.call-start
scs
__scs_entry_jumppad:
0x0: {  	(pc) =	sbr.rel $0x88, $3  }
0x1: {  	(tag) =	ssettag $0x0;
	lr =	simm.s32 $0x1  }
0x2: {  	[smem:$0x3F9B] =	sst lr;
	_ =	strace $0xD0000000  }
0x3: {  	_ = 	snop  }
0x4: {  	_ = 	snop  }
0x5: {  	_ = 	snop  }
0x6: {  	_ = 	snop  }
0x7: {  	_ = 	snop  }
__scs_overlays_trampoline_lowered:
0x8: {  	[smem:$0x3FAA] =	sst s0  }
0x9: {  	[smem:$0x3FAB] =	sst s1  }
0xa: {  	[smem:$0x3FAC] =	sst s2  }
0xb: {  	[smem:$0x3FAD] =	sst s3  }
0xc: {  	[smem:$0x3FAE] =	sst s4  }
0xd: {  	[smem:$0x3FAF] =	sst s5  }
0xe: {  	[smem:$0x3FB0] =	sst s6  }
0xf: {  	[smem:$0x3FB1] =	sst s7  }
0x10: {  	[smem:$0x3FB2] =	sst s8  }
0x11: {  	[smem:$0x3FB3] =	sst s9;
	s0 =	simm.s32 @!p0 $0x0  }
0x12: {  	s1 =	sld [smem:$0x3F99];
	s0 =	simm.s32 @p0 $0x1  }
0x13: {  	[smem:$0x3FB4] =	sst s0;
	s0 =	simm.s32 @!p1 $0x0  }
0x14: {  	s2 =	sld [smem:$0x3F98];
	s0 =	simm.s32 @p1 $0x1  }
0x15: {  	[smem:$0x3FB5] =	sst s0;
	s0 =	simm.s32 @!p2 $0x0  }
0x16: {  	s3 =	sld [smem:$0x3FDB];
	s0 =	simm.s32 @p2 $0x1  }
0x17: {  	s4 =	simm.s32 $0x1BF5;
	[smem:$0x3FB7] =	sst s0  }
0x18: {  	s0 =	sld [smem:$0x3F9A];
	_ =	swait.ge [sflag:s4], $0x0  }
0x19: {  	s7 =	sld [smem:$0x3F9B]  }
0x1a: {  	s8 =	sadd.s32 $0xFFFFE003, lr  }
0x1b: {  	s9 =	sadd.s32 $0xFFFFFEF7, lr;
	s5 =	simm.s32 $0xFFFFFFFF;
	p2 =	slt.u32 s8, $0xFFFFF086  }
0x1c: {  	p1 =	slt.u32 s9, $0xF7A;
	s5 =	simm.s32 @!p2 $0x0  }
0x1d: {  	s5 =	simm.s32 @p1 $0x1;
	p0 =	seq.s32 s7, s2  }
0x1e: {  	s7 =	smul.u32 @!p0 $0xF7A, s2;
	p2 =	seq.s32 @!p0 s5, $0x0  }
0x1f: {  	s9 =	smul.u32 $0xF7A, s1;
	s8 =	simm.s32 @!p0 $0x1BF5;
	p2 =	por !p2, p0  }
0x20: {  	[sflag:s8] =	ssyncset.s32 @!p0 $0xFFFFF086;
	s6 =	sadd.s32 @!p0 s3, s7;
	s7 =	simm.s32 @!p0 $0x108  }
0x21: {  	s3 =	sadd.s32 s3, s9;
	s6 =	sadd.s32 @!p0 $0x88, s6;
	s7 =	simm.s32 @p2 $0x1082  }
0x22: {  	[simem:s7], [sflag:s8] =	dma.local @!p0 [hbm:s6], $0xF7A  }
0x23: {  	s9 =	sor.u32 $0xD0000000, s2;
	s6 =	simm.s32 $0x108;
	_ =	swait.ge @!p0 [sflag:s8], $0x0  }
0x24: {  	s3 =	sadd.s32 $0x88, s3;
	s6 =	simm.s32 @!p1 $0x1082;
	[sflag:s4] =	ssyncset.s32 $0xFFFFF086  }
0x25: {  	[simem:s6], [sflag:s4] =	dma.local [hbm:s3], $0xF7A  }
0x26: {  	[smem:$0x3F9B] =	sst s1;
	(tag) =	ssettag s2;
	_ =	strace s9  }
0x27: {  	s1 =	sld [smem:$0x3FAB]  }
0x28: {  	s2 =	sld [smem:$0x3FAC]  }
0x29: {  	s4 =	sld [smem:$0x3FAE]  }
0x2a: {  	p0 =	seq.s32 s5, $0x0;
	s5 =	sld [smem:$0x3FAF]  }
0x2b: {  	s6 =	sld [smem:$0x3FB0]  }
0x2c: {  	s7 =	sld [smem:$0x3FB1]  }
0x2d: {  	s3 =	simm.s32 $0x108;
	s8 =	sld [smem:$0x3FB2]  }
0x2e: {  	s3 =	simm.s32 @!p0 $0x1082;
	s9 =	sld [smem:$0x3FB3]  }
0x2f: {  	lr =	sadd.s32 s0, s3;
	s0 =	sld [smem:$0x3FAA]  }
0x30: {  	s3 =	sld [smem:$0x3FAD]  }
0x31: {  	[smem:$0x3FB6] =	sst s10  }
0x32: {  	s10 =	sld [smem:$0x3FB4];
	_ =	sdelay $0x3  }
0x33: {  	p0 =	seq.s32 s10, $0x1;
	s10 =	sld [smem:$0x3FB6];
	_ =	sdelay $0x3  }
0x34: {  	[smem:$0x3FB6] =	sst s10  }
0x35: {  	s10 =	sld [smem:$0x3FB5];
	_ =	sdelay $0x3  }
0x36: {  	p1 =	seq.s32 s10, $0x1;
	s10 =	sld [smem:$0x3FB6];
	_ =	sdelay $0x3  }
0x37: {  	[smem:$0x3FB6] =	sst s10  }
0x38: {  	s10 =	sld [smem:$0x3FB7]  }
0x39: {  	_ = 	snop;
	(pc) =	sbr.ind lr, $3  }
0x3a: {  	_ = 	snop  }
0x3b: {  	_ = 	snop  }
0x3c: {  	p2 =	seq.s32 s10, $0x1;
	s10 =	sld [smem:$0x3FB6]  }
0x3d: {  	_ =	shalt  }
0x3e: {  	_ =	shalt  }
0x3f: {  	_ =	shalt  }
0x40: {  	_ =	shalt  }
0x41: {  	_ =	shalt  }
0x42: {  	_ =	shalt  }
0x43: {  	_ =	shalt  }
0x44: {  	_ =	shalt  }
0x45: {  	_ =	shalt  }
0x46: {  	_ =	shalt  }
0x47: {  	_ =	shalt  }
0x48: {  	_ =	shalt  }
0x49: {  	_ =	shalt  }
0x4a: {  	_ =	shalt  }
0x4b: {  	_ =	shalt  }
0x4c: {  	_ =	shalt  }
0x4d: {  	_ =	shalt  }
0x4e: {  	_ =	shalt  }
0x4f: {  	_ =	shalt  }
0x50: {  	_ =	shalt  }
0x51: {  	_ =	shalt  }
0x52: {  	_ =	shalt  }
0x53: {  	_ =	shalt  }
0x54: {  	_ =	shalt  }
0x55: {  	_ =	shalt  }
0x56: {  	_ =	shalt  }
0x57: {  	_ =	shalt  }
0x58: {  	_ =	shalt  }
0x59: {  	_ =	shalt  }
0x5a: {  	_ =	shalt  }
0x5b: {  	_ =	shalt  }
0x5c: {  	_ =	shalt  }
0x5d: {  	_ =	shalt  }
0x5e: {  	_ =	shalt  }
0x5f: {  	_ =	shalt  }
0x60: {  	_ =	shalt  }
0x61: {  	_ =	shalt  }
0x62: {  	_ =	shalt  }
0x63: {  	_ =	shalt  }
0x64: {  	_ =	shalt  }
0x65: {  	_ =	shalt  }
0x66: {  	_ =	shalt  }
0x67: {  	_ =	shalt  }
0x68: {  	_ =	shalt  }
0x69: {  	_ =	shalt  }
0x6a: {  	_ =	shalt  }
0x6b: {  	_ =	shalt  }
0x6c: {  	_ =	shalt  }
0x6d: {  	_ =	shalt  }
0x6e: {  	_ =	shalt  }
0x6f: {  	_ =	shalt  }
0x70: {  	_ =	shalt  }
0x71: {  	_ =	shalt  }
0x72: {  	_ =	shalt  }
0x73: {  	_ =	shalt  }
0x74: {  	_ =	shalt  }
0x75: {  	_ =	shalt  }
0x76: {  	_ =	shalt  }
0x77: {  	_ =	shalt  }
0x78: {  	_ =	shalt  }
0x79: {  	_ =	shalt  }
0x7a: {  	_ =	shalt  }
0x7b: {  	_ =	shalt  }
0x7c: {  	_ =	shalt  }
0x7d: {  	_ =	shalt  }
0x7e: {  	_ =	shalt  }
0x7f: {  	_ =	shalt  }
0x80: {  	_ =	shalt  }
0x81: {  	_ =	shalt  }
0x82: {  	_ =	shalt  }
0x83: {  	_ =	shalt  }
0x84: {  	_ =	shalt  }
0x85: {  	_ =	shalt  }
0x86: {  	_ =	shalt  }
0x87: {  	_ =	shalt  }
.Lfunc_end0:
.L_simem_size_0:
called_computation.2_lowered:
.L_overlay_start_0:
0x88: {  	s2 =	sld [smem:$0x3FD9]  }
0x89: {  	s3 =	sld [smem:$0x3FFE];
	_ =	sdelay $0x1  }
0x8a: {  	s1 =	srdreg.scid  }
0x8b: {  	s0 =	sand.u32 $0x1, s1  }
0x8c: {  	s17 =	sshll.u32 s0, $0xA;
	s2 =	sadd.s32 s3, s2  }
0x8d: {  	s2 =	sadd.s32 s2, s17  }
0x8e: {  	[smem:$0x3FC2] =	sst s2  }
0x8f: {  	_ = 	snop  }
0x90: {  	s2 =	sld [smem:$0x3FD0];
	(tm) =	ssettm $0x1  }
0x91: {  	s18 =	sld [smem:$0x3FFB];
	_ =	sdelay $0x3  }
0x92: {  	_ =	strace s18  }
0x93: {  	s3 =	sld [smem:$0x3FFC];
	_ =	sdelay $0x3  }
0x94: {  	_ =	strace s3  }
0x95: {  	s3 =	sld [smem:$0x3FFD];
	_ =	sdelay $0x3  }
0x96: {  	_ =	strace s3  }
0x97: {  	_ =	strace $0x8FFFFFFF  }
0x98: {  	s19 =	sld [smem:$0x3FDB];
	_ =	sdelay $0x1  }
0x99: {  	s4 =	simm.s32 $_scs_section_size  }
0x9a: {  	s5 =	simm.s32 $_size__tile_overlayer_lowered;
	s6 =	simm.s32 $_tile_overlayer_lowered  }
0x9b: {  	s22 =	simm.s32 $0x1BFF;
	s21 =	sshll.u32 s6, $0x1;
	s3 =	sadd.s32 s4, s19  }
0x9c: {  	s7 =	simm.s32 $0x0;
	s20 =	sshll.u32 s5, $0x1;
	s5 =	sadd.s32 s21, s3  }
0x9d: {  	[timem:s7], [sflag:s22] =	dma.local [hbm:s5], s20  }
0x9e: {  	_ =	swait.ge [sflag:s22], s20  }
0x9f: {  	s4 =	ssub.s32 $0x0, s20;
	[sflag:s22] =	ssyncset.done $0x0  }
0xa0: {  	[sflag:s22] =	ssyncadd.s32 s4;
	_ =	sdelay $0x1  }
0xa1: {  	s23 =	simm.s32 $0x1B8B  }
0xa2: {  	_ =	swait.ge [sflag:s23], $0x1  }
0xa3: {  	[sflag:s23] =	ssyncset.done $0x0  }
0xa4: {  	s25 =	simm.s32 $0x1B8E;
	s24 =	sld [smem:$0x3FFE];
	[sflag:s23] =	ssyncadd.s32 $0xFFFFFFFF  }
0xa5: {  	s26 =	simm.s32 $execute0_lowered;
	[smem:$0x3FD2] =	sst s25  }
0xa6: {  	s5 =	sshll.u32 s26, $0x1;
	_ =	strace $0x8000004C;
	[dreg:$0x1] =	wrdreg $0xFFFFFFFF  }
0xa7: {  	s28 =	simm.s32 $_size_execute0_lowered;
	s3 =	sadd.s32 s3, s5;
	[dreg:$0x0] =	wrdreg $0x0  }
0xa8: {  	s5 =	sshll.u32 s28, $0x1;
	[dreg:$0x2] =	wrdreg s3  }
0xa9: {  	[dreg:$0x3] =	wrdreg s5  }
0xaa: {  	[dreg:$0x4] =	wrdreg $0xC0  }
0xab: {  	_ =	task [dreg:s7], $0x5FFFF  }
0xac: {  	[dreg:$0x1] =	wrdreg $0xFFFFFFFF  }
0xad: {  	[dreg:$0x0] =	wrdreg $0x60  }
0xae: {  	[dreg:$0x2] =	wrdreg s2  }
0xaf: {  	[dreg:$0x3] =	wrdreg s24  }
0xb0: {  	[dreg:$0x4] =	wrdreg $0x2BC00  }
0xb1: {  	[dreg:$0x5] =	wrdreg $0x9  }
0xb2: {  	_ =	task.clear_ibuf [dreg:s7], $0x6FFFF;
	_ =	strace $0x9000004C  }
0xb3: {  	s29 =	simm.s32 $0x9;
	_ =	strace $0x8000004E  }
0xb4: {  	_ =	swait.ge [sflag:s29], $0x1  }
0xb5: {  	[sflag:s29] =	ssyncadd.s32 $0xFFFFFFFF  }
0xb6: {  	_ =	strace $0x9000004E  }
0xb7: {  	_ =	sfence  }
0xb8: {  	s30 =	sld [smem:$0x0];
	_ =	sdelay $0x2  }
0xb9: {  	s31 =	sshll.u32 s1, $0xD;
	s1 =	sshrl.u32 s1, $0x2  }
0xba: {  	s3 =	sand.u32 $0x4000, s31;
	s1 =	sadd.s32 s1, s30  }
0xbb: {  	s0 =	sor.u32 s3, s0;
	s1 =	sshll.u32 s1, $0x11  }
0xbc: {  	s0 =	sor.u32 s1, s0  }
0xbd: {  	s0 =	sadd.s32 $0x8F2B, s0  }
0xbe: {  	[sflag:s0] =	ssyncadd.remote.s32 $0x1  }
0xbf: {  	_ =	sfence.sel $0xFFFF  }
0xc0: {  	[dreg:$0x0] =	wrdreg $0xFFFFFFFF;
	(pc) =	sbr.abs _section_cstart, $3  }
0xc1: {  	[dreg:$0x1] =	wrdreg $0xFFFFFFFF  }
0xc2: {  	_ =	task.clear_ibuf [dreg:s7], $0x2FFFF;
	_ =	strace $0x9FFFFFFF  }
0xc3: {  	(tm) =	ssettm $0x7FFFFFFF  }
tec
execute0_lowered:
.L_overlay_start_1:
0x0: {  	(tag) =	ssettag $0x1  }
0x1: {  	s1 =	rddreg [dreg:$0x0]  }
0x2: {  	s0 =	srdreg.scid;
	s8 =	rddreg [dreg:$0x1]  }
0x3: {  	s3 =	rddreg [dreg:$0x2];
	s4 =	simm.s32 $0x0;
	s14 =	simm.s32 $0x6  }
0x4: {  	s16 =	simm.s32 $0x32;
	s17 =	simm.s32 $0x7BC0;
	s19 =	simm.s32 $0x8200  }
0x5: {  	s21 =	simm.s32 $0x8840;
	s28 =	simm.s32 $0x94C0;
	s2 =	sand.u32 $0x1, s0  }
0x6: {  	s29 =	simm.s32 $0x1;
	s0 =	stileid.u32;
	s5 =	smul.u32 $0x15E00, s2  }
0x7: {  	s30 =	simm.s32 $0x2;
	s31 =	simm.s32 $0x3;
	s6 =	smul.u32 $0x15E0, s0  }
0x8: {  	s20 =	simm.s32 $0x0;
	[smem:$0x7FF] =	sst s4;
	s9 =	smul.u32 $0x5000, s0  }
0x9: {  	s15 =	sadd.s32 $0x4B000, s3;
	s18 =	sadd.s32 $0x4E200, s3;
	s7 =	smul.u32 $0x50000, s2  }
0xa: {  	_ =	strace $0x8000004D;
	p0 =	seq.s32 s2, $0x0;
	p1 =	slt.u32 s0, $0x8  }
0xb: {  	p2 =	seq.s32 s2, $0x1;
	p3 =	sgt.u32 s0, $0x7;
	s2 =	ssub.s32 $0x2, s2  }
0xc: {  	p5 =	sne.s32 s0, $0xF;
	p6 =	seq.s32 s0, $0xF;
	p0 =	por !p0, !p1  }
0xd: {  	p4 =	por !p3, !p2;
	s26 =	sshrl.u32 s2, $0x1;
	p2 =	por !p6, !p2  }
0xe: {  	s5 =	sadd.s32 s6, s5;
	s23 =	sadd.s32 s9, s7;
	s10 =	sshrl.u32 s9, $0x3  }
0xf: {  	p0 =	por !p0, !p0;
	p1 =	por !p4, !p4;
	s2 =	ssub.s32 s2, s26  }
0x10: {  	p2 =	por !p2, !p2;
	s7 =	sadd.s32 $0x9600, s1;
	s9 =	sadd.s32 s9, s3  }
0x11: {  	s5 =	sshrl.u32 s5, $0x3;
	s25 =	sshrl.u32 s23, $0x3;
	s11 =	sadd.s32 s10, s8  }
0x12: {  	p0 =	por p0, p1;
	s10 =	sadd.s32 s1, s10;
	s13 =	smax.u32 s2, $0x1  }
0x13: {  	s23 =	simm.s32 $0x8E80;
	s2 =	simm.s32 $0x4;
	s24 =	sadd.s32 s5, s8  }
0x14: {  	s12 =	sadd.s32 s25, s8;
	p1 =	por !p5, !p0;
	s8 =	sadd.s32 $0x17240, s8  }
0x15: {  	s11 =	sadd.s32 $0xD600, s11;
	s5 =	sadd.s32 $0x7E00, s24;
	p1 =	por !p1, !p1  }
0x16: {  	s6 =	sadd.s32 $0x2600, s24;
	s12 =	sadd.s32 $0x17600, s12;
	p2 =	por !p2, p1  }
0x17: {  	s24 =	sshrl.u32 @!p2 s15, $0x3;
	s25 =	sshrl.u32 @!p2 s18, $0x3;
	s15 =	simm.s32 $0x5  }
.LBB2_1:
0x18: {  	[tilespmem:s4], [sflag:$0x6] =	stream.linear.gather [hbm4b:s5+s4], $0x15E0, $0x38;
	[tilespmem:$0x9B00] =	vst v63  }
0x19: {  	_ =	swait.ge [sflag:s14], $0x15E0  }
0x1a: {  	[sflag:s14] =	ssyncset.done $0x0  }
0x1b: {  	s18 =	simm.s32 $0x15E0;
	[sflag:s14] =	ssyncadd.s32 $0xFFFFEA20  }
0x1c: {  	[tilespmem:s18], [sflag:$0x6] =	stream.linear.gather [hbm4b:s6+s4], $0x15E0, $0x38;
	[tilespmem:$0x9B00] =	vst v63  }
0x1d: {  	_ =	swait.ge [sflag:s14], $0x15E0  }
0x1e: {  	[sflag:s14] =	ssyncset.done $0x0  }
0x1f: {  	[sflag:s14] =	ssyncadd.s32 $0xFFFFEA20  }
0x20: {  	[tilespmem:s17], [sflag:$0x1] =	stream.indirect.gather [hbm4b:s1+s16], $0x20, s4, s16, $0xb8;
	[tilespmem:$0x9B00] =	vst v63  }
0x21: {  	s26 =	simm.s32 $0x38  }
0x22: {  	[tilespmem:s19], [sflag:$0x2] =	stream.indirect.gather [hbm4b:s1+s16], $0x20, s26, s16, $0xb8;
	[tilespmem:$0x9B00] =	vst v63  }
0x23: {  	s22 =	simm.s32 $0x70  }
0x24: {  	[tilespmem:s21], [sflag:$0x3] =	stream.indirect.gather [hbm4b:s1+s16], $0x20, s22, s16, $0xb8;
	[tilespmem:$0x9B00] =	vst v63  }
0x25: {  	s26 =	simm.s32 $0xA8  }
0x26: {  	[tilespmem:s23], [sflag:$0x4] =	stream.indirect.gather [hbm4b:s1+s16], $0x20, s26, s16, $0xb8;
	[tilespmem:$0x9B00] =	vst v63  }
0x27: {  	s22 =	simm.s32 $0xE0  }
0x28: {  	[tilespmem:s28], [sflag:$0x5] =	stream.indirect.gather [hbm4b:s1+s16], $0x20, s22, s16, $0xb8;
	[tilespmem:$0x9B00] =	vst v63  }
0x29: {  	s26 =	simm.s32 @!p2 $0x6;
	s22 =	simm.s32 @!p2 $0x1FC6  }
0x2a: {  	[spmem:s24], [sflag:s22] =	dma.local @!p2 [hbm:s7], $0x640  }
0x2b: {  	_ =	swait.ge @!p2 [sflag:s26], $0x640  }
0x2c: {  	[sflag:s26] =	ssyncset.done @!p2 $0x0  }
0x2d: {  	[sflag:s26] =	ssyncadd.s32 @!p2 $0xFFFFF9C0  }
0x2e: {  	[spmem:s25], [sflag:s22] =	dma.local @!p2 [hbm:s8], $0x3C0  }
0x2f: {  	_ =	swait.ge @!p2 [sflag:s26], $0x3C0  }
0x30: {  	s22 =	sshll.u32 @p1 s0, $0x6;
	[sflag:s26] =	ssyncset.done @!p2 $0x0  }
0x31: {  	s22 =	sor.u32 @p1 $0x1C06, s22;
	[sflag:s26] =	ssyncadd.s32 @!p2 $0xFFFFFC40;
	s26 =	sshrl.u32 @p1 s9, $0x3  }
0x32: {  	[spmem:s26], [sflag:s22] =	dma.local @p1 [hbm:s10], $0xA00  }
0x33: {  	s22 =	simm.s32 @p1 $0x6  }
0x34: {  	_ =	swait.ge @p1 [sflag:s22], $0xA00  }
0x35: {  	s26 =	sshll.u32 @!p0 s0, $0x6;
	[sflag:s22] =	ssyncset.done @p1 $0x0  }
0x36: {  	[sflag:s22] =	ssyncadd.s32 @p1 $0xFFFFF600;
	s22 =	sor.u32 @!p0 $0x1C06, s26;
	s26 =	sshrl.u32 @!p0 s9, $0x3  }
0x37: {  	[spmem:s26], [sflag:s22] =	dma.local @!p0 [hbm:s11], $0xA00  }
0x38: {  	s22 =	simm.s32 @!p0 $0x6  }
0x39: {  	_ =	swait.ge @!p0 [sflag:s22], $0xA00  }
0x3a: {  	[sflag:s22] =	ssyncset.done @!p0 $0x0  }
0x3b: {  	[sflag:s22] =	ssyncadd.s32 @!p0 $0xFFFFF600  }
0x3c: {  	[bflag:$0x0] =	sbarrier.arrive $0xFFFF  }
0x3d: {  	_ =	swait.ge [sflag:s29], $0x640  }
0x3e: {  	[sflag:s29] =	ssyncset.done $0x0  }
0x3f: {  	s26 =	simm.s32 $0x15E0;
	[sflag:s29] =	ssyncadd.s32 $0xFFFFF9C0  }
0x40: {  	[spmem:s3] =	stream.indirect.scatter.add.f32 [tilespmem:s17], [sflag:$0x6], $0x20, s26, s16, $0xb8;
	[tilespmem:$0x9B00] =	vst v63  }
0x41: {  	_ =	swait.ge [sflag:s14], $0x640  }
0x42: {  	[sflag:s14] =	ssyncset.done $0x0  }
0x43: {  	s18 =	simm.s32 $0x118;
	[sflag:s14] =	ssyncadd.s32 $0xFFFFF9C0  }
0x44: {  	[tilespmem:s17], [sflag:$0x1] =	stream.indirect.gather [hbm4b:s1+s16], $0x20, s18, s16, $0xb8;
	[tilespmem:$0x9B00] =	vst v63  }
0x45: {  	_ =	swait.ge [sflag:s30], $0x640  }
0x46: {  	[sflag:s30] =	ssyncset.done $0x0  }
0x47: {  	s26 =	simm.s32 $0x1618;
	[sflag:s30] =	ssyncadd.s32 $0xFFFFF9C0  }
0x48: {  	[spmem:s3] =	stream.indirect.scatter.add.f32 [tilespmem:s19], [sflag:$0x6], $0x20, s26, s16, $0xb8;
	[tilespmem:$0x9B00] =	vst v63  }
0x49: {  	_ =	swait.ge [sflag:s14], $0x640  }
0x4a: {  	[sflag:s14] =	ssyncset.done $0x0  }
0x4b: {  	s18 =	simm.s32 $0x150;
	[sflag:s14] =	ssyncadd.s32 $0xFFFFF9C0  }
0x4c: {  	[tilespmem:s19], [sflag:$0x2] =	stream.indirect.gather [hbm4b:s1+s16], $0x20, s18, s16, $0xb8;
	[tilespmem:$0x9B00] =	vst v63  }
0x4d: {  	_ =	swait.ge [sflag:s31], $0x640  }
0x4e: {  	[sflag:s31] =	ssyncset.done $0x0  }
0x4f: {  	s26 =	simm.s32 $0x1650;
	[sflag:s31] =	ssyncadd.s32 $0xFFFFF9C0  }
0x50: {  	[spmem:s3] =	stream.indirect.scatter.add.f32 [tilespmem:s21], [sflag:$0x6], $0x20, s26, s16, $0xb8;
	[tilespmem:$0x9B00] =	vst v63  }
0x51: {  	_ =	swait.ge [sflag:s14], $0x640  }
0x52: {  	[sflag:s14] =	ssyncset.done $0x0  }
0x53: {  	s18 =	simm.s32 $0x188;
	[sflag:s14] =	ssyncadd.s32 $0xFFFFF9C0  }
0x54: {  	[tilespmem:s21], [sflag:$0x3] =	stream.indirect.gather [hbm4b:s1+s16], $0x20, s18, s16, $0xb8;
	[tilespmem:$0x9B00] =	vst v63  }
0x55: {  	_ =	swait.ge [sflag:s2], $0x640  }
0x56: {  	[sflag:s2] =	ssyncset.done $0x0  }
0x57: {  	s26 =	simm.s32 $0x1688;
	[sflag:s2] =	ssyncadd.s32 $0xFFFFF9C0  }
0x58: {  	[spmem:s3] =	stream.indirect.scatter.add.f32 [tilespmem:s23], [sflag:$0x6], $0x20, s26, s16, $0xb8;
	[tilespmem:$0x9B00] =	vst v63  }
0x59: {  	_ =	swait.ge [sflag:s14], $0x640  }
0x5a: {  	[sflag:s14] =	ssyncset.done $0x0  }
0x5b: {  	s18 =	simm.s32 $0x1C0;
	[sflag:s14] =	ssyncadd.s32 $0xFFFFF9C0  }
0x5c: {  	[tilespmem:s23], [sflag:$0x4] =	stream.indirect.gather [hbm4b:s1+s16], $0x20, s18, s16, $0xb8;
	[tilespmem:$0x9B00] =	vst v63  }
0x5d: {  	_ =	swait.ge [sflag:s15], $0x640  }
0x5e: {  	[sflag:s15] =	ssyncset.done $0x0  }
0x5f: {  	s26 =	simm.s32 $0x16C0;
	[sflag:s15] =	ssyncadd.s32 $0xFFFFF9C0  }
0x60: {  	[spmem:s3] =	stream.indirect.scatter.add.f32 [tilespmem:s28], [sflag:$0x6], $0x20, s26, s16, $0xb8;
	[tilespmem:$0x9B00] =	vst v63  }
0x61: {  	_ =	swait.ge [sflag:s14], $0x640  }
0x62: {  	[sflag:s14] =	ssyncset.done $0x0  }
0x63: {  	s22 =	simm.s32 $0x460;
	s26 =	simm.s32 $0x1F8;
	[sflag:s14] =	ssyncadd.s32 $0xFFFFF9C0  }
.LBB2_2:
0x64: {  	[tilespmem:s28], [sflag:$0x5] =	stream.indirect.gather [hbm4b:s1+s16], $0x20, s26, s16, $0xb8;
	[tilespmem:$0x9B00] =	vst v63  }
0x65: {  	s26 =	smov.u32 s22  }
0x66: {  	p3 =	sne.s32 s22, $0x4EC0;
	s22 =	sadd.s32 $0x460, s22;
	_ =	swait.ge [sflag:s29], $0x640  }
0x67: {  	s26 =	sshra.s32 s26, $0x2;
	[sflag:s29] =	ssyncset.done $0x0  }
0x68: {  	s18 =	sadd.s32 $0x15E0, s26;
	[sflag:s29] =	ssyncadd.s32 $0xFFFFF9C0  }
0x69: {  	[spmem:s3] =	stream.indirect.scatter.add.f32 [tilespmem:s17], [sflag:$0x6], $0x20, s18, s16, $0xb8;
	[tilespmem:$0x9B00] =	vst v63  }
0x6a: {  	_ =	swait.ge [sflag:s14], $0x640  }
0x6b: {  	[sflag:s14] =	ssyncset.done $0x0  }
0x6c: {  	s18 =	sadd.s32 $0x118, s26;
	[sflag:s14] =	ssyncadd.s32 $0xFFFFF9C0  }
0x6d: {  	[tilespmem:s17], [sflag:$0x1] =	stream.indirect.gather [hbm4b:s1+s16], $0x20, s18, s16, $0xb8;
	[tilespmem:$0x9B00] =	vst v63  }
0x6e: {  	_ =	swait.ge [sflag:s30], $0x640  }
0x6f: {  	[sflag:s30] =	ssyncset.done $0x0  }
0x70: {  	s18 =	sadd.s32 $0x1618, s26;
	[sflag:s30] =	ssyncadd.s32 $0xFFFFF9C0  }
0x71: {  	[spmem:s3] =	stream.indirect.scatter.add.f32 [tilespmem:s19], [sflag:$0x6], $0x20, s18, s16, $0xb8;
	[tilespmem:$0x9B00] =	vst v63  }
0x72: {  	_ =	swait.ge [sflag:s14], $0x640  }
0x73: {  	[sflag:s14] =	ssyncset.done $0x0  }
0x74: {  	s18 =	sadd.s32 $0x150, s26;
	[sflag:s14] =	ssyncadd.s32 $0xFFFFF9C0  }
0x75: {  	[tilespmem:s19], [sflag:$0x2] =	stream.indirect.gather [hbm4b:s1+s16], $0x20, s18, s16, $0xb8;
	[tilespmem:$0x9B00] =	vst v63  }
0x76: {  	_ =	swait.ge [sflag:s31], $0x640  }
0x77: {  	[sflag:s31] =	ssyncset.done $0x0  }
0x78: {  	s18 =	sadd.s32 $0x1650, s26;
	[sflag:s31] =	ssyncadd.s32 $0xFFFFF9C0  }
0x79: {  	[spmem:s3] =	stream.indirect.scatter.add.f32 [tilespmem:s21], [sflag:$0x6], $0x20, s18, s16, $0xb8;
	[tilespmem:$0x9B00] =	vst v63  }
0x7a: {  	_ =	swait.ge [sflag:s14], $0x640  }
0x7b: {  	[sflag:s14] =	ssyncset.done $0x0  }
0x7c: {  	s18 =	sadd.s32 $0x188, s26;
	[sflag:s14] =	ssyncadd.s32 $0xFFFFF9C0  }
0x7d: {  	[tilespmem:s21], [sflag:$0x3] =	stream.indirect.gather [hbm4b:s1+s16], $0x20, s18, s16, $0xb8;
	[tilespmem:$0x9B00] =	vst v63  }
0x7e: {  	_ =	swait.ge [sflag:s2], $0x640  }
0x7f: {  	[sflag:s2] =	ssyncset.done $0x0  }
0x80: {  	s18 =	sadd.s32 $0x1688, s26;
	[sflag:s2] =	ssyncadd.s32 $0xFFFFF9C0  }
0x81: {  	[spmem:s3] =	stream.indirect.scatter.add.f32 [tilespmem:s23], [sflag:$0x6], $0x20, s18, s16, $0xb8;
	[tilespmem:$0x9B00] =	vst v63  }
0x82: {  	_ =	swait.ge [sflag:s14], $0x640  }
0x83: {  	[sflag:s14] =	ssyncset.done $0x0  }
0x84: {  	s18 =	sadd.s32 $0x1C0, s26;
	[sflag:s14] =	ssyncadd.s32 $0xFFFFF9C0  }
0x85: {  	[tilespmem:s23], [sflag:$0x4] =	stream.indirect.gather [hbm4b:s1+s16], $0x20, s18, s16, $0xb8;
	[tilespmem:$0x9B00] =	vst v63  }
0x86: {  	_ =	swait.ge [sflag:s15], $0x640  }
0x87: {  	[sflag:s15] =	ssyncset.done $0x0  }
.Ltmp0:
0x88: {  	s18 =	sadd.s32 $0x16C0, s26;
	[sflag:s15] =	ssyncadd.s32 $0xFFFFF9C0;
	(pc) =	sbr.rel @p3 .LBB2_2-.Ltmp0, $4  }
0x89: {  	[spmem:s3] =	stream.indirect.scatter.add.f32 [tilespmem:s28], [sflag:$0x6], $0x20, s18, s16, $0xb8;
	[tilespmem:$0x9B00] =	vst v63  }
0x8a: {  	_ =	swait.ge [sflag:s14], $0x640  }
0x8b: {  	[sflag:s14] =	ssyncset.done $0x0  }
0x8c: {  	s26 =	sadd.s32 $0x1F8, s26;
	[sflag:s14] =	ssyncadd.s32 $0xFFFFF9C0  }
0x8d: {  	[tilespmem:s28], [sflag:$0x5] =	stream.indirect.gather [hbm4b:s1+s16], $0x20, s26, s16, $0xb8;
	[tilespmem:$0x9B00] =	vst v63  }
0x8e: {  	_ =	swait.ge [sflag:s29], $0x640  }
0x8f: {  	[sflag:s29] =	ssyncset.done $0x0  }
0x90: {  	s18 =	simm.s32 $0x2AA8;
	[sflag:s29] =	ssyncadd.s32 $0xFFFFF9C0  }
0x91: {  	[spmem:s3] =	stream.indirect.scatter.add.f32 [tilespmem:s17], [sflag:$0x6], $0x20, s18, s16, $0xb8;
	[tilespmem:$0x9B00] =	vst v63  }
0x92: {  	_ =	swait.ge [sflag:s14], $0x640  }
0x93: {  	[sflag:s14] =	ssyncset.done $0x0  }
0x94: {  	[sflag:s14] =	ssyncadd.s32 $0xFFFFF9C0  }
0x95: {  	_ =	swait.ge [sflag:s30], $0x640  }
0x96: {  	[sflag:s30] =	ssyncset.done $0x0  }
0x97: {  	s26 =	simm.s32 $0x2AE0;
	[sflag:s30] =	ssyncadd.s32 $0xFFFFF9C0  }
0x98: {  	[spmem:s3] =	stream.indirect.scatter.add.f32 [tilespmem:s19], [sflag:$0x6], $0x20, s26, s16, $0xb8;
	[tilespmem:$0x9B00] =	vst v63  }
0x99: {  	_ =	swait.ge [sflag:s14], $0x640  }
0x9a: {  	[sflag:s14] =	ssyncset.done $0x0  }
0x9b: {  	[sflag:s14] =	ssyncadd.s32 $0xFFFFF9C0  }
0x9c: {  	_ =	swait.ge [sflag:s31], $0x640  }
0x9d: {  	[sflag:s31] =	ssyncset.done $0x0  }
0x9e: {  	s22 =	simm.s32 $0x2B18;
	[sflag:s31] =	ssyncadd.s32 $0xFFFFF9C0  }
0x9f: {  	[spmem:s3] =	stream.indirect.scatter.add.f32 [tilespmem:s21], [sflag:$0x6], $0x20, s22, s16, $0xb8;
	[tilespmem:$0x9B00] =	vst v63  }
0xa0: {  	_ =	swait.ge [sflag:s14], $0x640  }
0xa1: {  	[sflag:s14] =	ssyncset.done $0x0  }
0xa2: {  	[sflag:s14] =	ssyncadd.s32 $0xFFFFF9C0  }
0xa3: {  	_ =	swait.ge [sflag:s2], $0x640  }
0xa4: {  	[sflag:s2] =	ssyncset.done $0x0  }
0xa5: {  	s26 =	simm.s32 $0x2B50;
	[sflag:s2] =	ssyncadd.s32 $0xFFFFF9C0  }
0xa6: {  	[spmem:s3] =	stream.indirect.scatter.add.f32 [tilespmem:s23], [sflag:$0x6], $0x20, s26, s16, $0xb8;
	[tilespmem:$0x9B00] =	vst v63  }
0xa7: {  	_ =	swait.ge [sflag:s14], $0x640  }
0xa8: {  	[sflag:s14] =	ssyncset.done $0x0  }
0xa9: {  	[sflag:s14] =	ssyncadd.s32 $0xFFFFF9C0  }
0xaa: {  	_ =	swait.ge [sflag:s15], $0x640  }
0xab: {  	[sflag:s15] =	ssyncset.done $0x0  }
0xac: {  	s22 =	simm.s32 $0x2B88;
	[sflag:s15] =	ssyncadd.s32 $0xFFFFF9C0  }
0xad: {  	[spmem:s3] =	stream.indirect.scatter.add.f32 [tilespmem:s28], [sflag:$0x6], $0x20, s22, s16, $0xb8;
	[tilespmem:$0x9B00] =	vst v63  }
0xae: {  	_ =	swait.ge [sflag:s14], $0x640  }
0xaf: {  	s20 =	sadd.s32 $0x1, s20;
	s26 =	sshll.u32 s0, $0x6;
	[sflag:s14] =	ssyncset.done $0x0  }
0xb0: {  	p3 =	sne.s32 s20, s13;
	s18 =	sor.u32 $0x1C06, s26;
	[sflag:s14] =	ssyncadd.s32 $0xFFFFF9C0  }
.Ltmp1:
0xb1: {  	s22 =	sshrl.u32 s9, $0x3;
	[bflag:$0x0] =	sbarrier.arrive $0xFFFF;
	(pc) =	sbr.rel @p3 .LBB2_1-.Ltmp1, $4  }
0xb2: {  	[hbm:s12], [sflag:s18] =	dma.local [spmem:s22], $0xA00  }
0xb3: {  	_ =	swait.ge [sflag:s14], $0xA00  }
0xb4: {  	[sflag:s14] =	ssyncset.done $0x0  }
0xb5: {  	[sflag:s14] =	ssyncadd.s32 $0xFFFFF600  }
0xb6: {  	_ =	sfence.sel $0x180000  }
0xb7: {  	[bflag:$0x0] =	sbarrier.arrive $0xFFFF  }
0xb8: {  	_ =	strace $0x9000004D  }
0xb9: {  	[bflag:$0x2] =	sbarrier.arrive $0xFFFF  }
0xba: {  	p0 =	sne.s32 s0, $0x0;
	s0 =	rddreg [dreg:$0x3]  }
0xbb: {  	s0 =	sadd.s32 @!p0 $0x100000, s0  }
0xbc: {  	[sflag:s0] =	ssyncadd.tile.s32 @!p0 $0x1;
	_ =	shalt  }
.Lfunc_end2:
_tile_overlayer_lowered:
.L_overlay_start_2:
0xbd: {  	(tag) =	ssettag $0x2  }
0xbe: {  	s0 =	rddreg [dreg:$0x0];
	s2 =	stileid.u32  }
0xbf: {  	s1 =	rddreg [dreg:$0x1];
	p0 =	sne.s32 s2, $0x0  }
0xc0: {  	s3 =	rddreg [dreg:$0x2];
	[bflag:$0x3] =	sbarrier.arrive $0xFFFF;
	s2 =	simm.s32 @!p0 $0x1C06  }
0xc1: {  	[timem:s3], [sflag:s2] =	dma.local @!p0 [hbm:s0], s1  }
0xc2: {  	s0 =	simm.s32 @!p0 $0x6  }
0xc3: {  	_ =	swait.ge @!p0 [sflag:s0], s1  }
0xc4: {  	s1 =	ssub.s32 @!p0 $0x0, s1;
	[sflag:s0] =	ssyncset.done @!p0 $0x0  }
0xc5: {  	[sflag:s0] =	ssyncadd.s32 @!p0 s1  }
0xc6: {  	[bflag:$0x3] =	sbarrier.arrive $0xFFFF  }
0xc7: {  	_ =	shalt  }

// kernel: kernel.8.cloned.1.call-start
scs
__scs_entry_jumppad:
0x0: {  	(pc) =	sbr.rel $0x88, $3  }
0x1: {  	(tag) =	ssettag $0x0;
	lr =	simm.s32 $0x1  }
0x2: {  	[smem:$0x3F9B] =	sst lr;
	_ =	strace $0xD0000000  }
0x3: {  	_ = 	snop  }
0x4: {  	_ = 	snop  }
0x5: {  	_ = 	snop  }
0x6: {  	_ = 	snop  }
0x7: {  	_ = 	snop  }
__scs_overlays_trampoline_lowered:
0x8: {  	[smem:$0x3FAA] =	sst s0  }
0x9: {  	[smem:$0x3FAB] =	sst s1  }
0xa: {  	[smem:$0x3FAC] =	sst s2  }
0xb: {  	[smem:$0x3FAD] =	sst s3  }
0xc: {  	[smem:$0x3FAE] =	sst s4  }
0xd: {  	[smem:$0x3FAF] =	sst s5  }
0xe: {  	[smem:$0x3FB0] =	sst s6  }
0xf: {  	[smem:$0x3FB1] =	sst s7  }
0x10: {  	[smem:$0x3FB2] =	sst s8  }
0x11: {  	[smem:$0x3FB3] =	sst s9;
	s0 =	simm.s32 @!p0 $0x0  }
0x12: {  	s1 =	sld [smem:$0x3F99];
	s0 =	simm.s32 @p0 $0x1  }
0x13: {  	[smem:$0x3FB4] =	sst s0;
	s0 =	simm.s32 @!p1 $0x0  }
0x14: {  	s2 =	sld [smem:$0x3F98];
	s0 =	simm.s32 @p1 $0x1  }
0x15: {  	[smem:$0x3FB5] =	sst s0;
	s0 =	simm.s32 @!p2 $0x0  }
0x16: {  	s3 =	sld [smem:$0x3FDB];
	s0 =	simm.s32 @p2 $0x1  }
0x17: {  	s4 =	simm.s32 $0x1BF5;
	[smem:$0x3FB7] =	sst s0  }
0x18: {  	s0 =	sld [smem:$0x3F9A];
	_ =	swait.ge [sflag:s4], $0x0  }
0x19: {  	s7 =	sld [smem:$0x3F9B]  }
0x1a: {  	s8 =	sadd.s32 $0xFFFFE003, lr  }
0x1b: {  	s9 =	sadd.s32 $0xFFFFFEF7, lr;
	s5 =	simm.s32 $0xFFFFFFFF;
	p2 =	slt.u32 s8, $0xFFFFF086  }
0x1c: {  	p1 =	slt.u32 s9, $0xF7A;
	s5 =	simm.s32 @!p2 $0x0  }
0x1d: {  	s5 =	simm.s32 @p1 $0x1;
	p0 =	seq.s32 s7, s2  }
0x1e: {  	s7 =	smul.u32 @!p0 $0xF7A, s2;
	p2 =	seq.s32 @!p0 s5, $0x0  }
0x1f: {  	s9 =	smul.u32 $0xF7A, s1;
	s8 =	simm.s32 @!p0 $0x1BF5;
	p2 =	por !p2, p0  }
0x20: {  	[sflag:s8] =	ssyncset.s32 @!p0 $0xFFFFF086;
	s6 =	sadd.s32 @!p0 s3, s7;
	s7 =	simm.s32 @!p0 $0x108  }
0x21: {  	s3 =	sadd.s32 s3, s9;
	s6 =	sadd.s32 @!p0 $0x88, s6;
	s7 =	simm.s32 @p2 $0x1082  }
0x22: {  	[simem:s7], [sflag:s8] =	dma.local @!p0 [hbm:s6], $0xF7A  }
0x23: {  	s9 =	sor.u32 $0xD0000000, s2;
	s6 =	simm.s32 $0x108;
	_ =	swait.ge @!p0 [sflag:s8], $0x0  }
0x24: {  	s3 =	sadd.s32 $0x88, s3;
	s6 =	simm.s32 @!p1 $0x1082;
	[sflag:s4] =	ssyncset.s32 $0xFFFFF086  }
0x25: {  	[simem:s6], [sflag:s4] =	dma.local [hbm:s3], $0xF7A  }
0x26: {  	[smem:$0x3F9B] =	sst s1;
	(tag) =	ssettag s2;
	_ =	strace s9  }
0x27: {  	s1 =	sld [smem:$0x3FAB]  }
0x28: {  	s2 =	sld [smem:$0x3FAC]  }
0x29: {  	s4 =	sld [smem:$0x3FAE]  }
0x2a: {  	p0 =	seq.s32 s5, $0x0;
	s5 =	sld [smem:$0x3FAF]  }
0x2b: {  	s6 =	sld [smem:$0x3FB0]  }
0x2c: {  	s7 =	sld [smem:$0x3FB1]  }
0x2d: {  	s3 =	simm.s32 $0x108;
	s8 =	sld [smem:$0x3FB2]  }
0x2e: {  	s3 =	simm.s32 @!p0 $0x1082;
	s9 =	sld [smem:$0x3FB3]  }
0x2f: {  	lr =	sadd.s32 s0, s3;
	s0 =	sld [smem:$0x3FAA]  }
0x30: {  	s3 =	sld [smem:$0x3FAD]  }
0x31: {  	[smem:$0x3FB6] =	sst s10  }
0x32: {  	s10 =	sld [smem:$0x3FB4];
	_ =	sdelay $0x3  }
0x33: {  	p0 =	seq.s32 s10, $0x1;
	s10 =	sld [smem:$0x3FB6];
	_ =	sdelay $0x3  }
0x34: {  	[smem:$0x3FB6] =	sst s10  }
0x35: {  	s10 =	sld [smem:$0x3FB5];
	_ =	sdelay $0x3  }
0x36: {  	p1 =	seq.s32 s10, $0x1;
	s10 =	sld [smem:$0x3FB6];
	_ =	sdelay $0x3  }
0x37: {  	[smem:$0x3FB6] =	sst s10  }
0x38: {  	s10 =	sld [smem:$0x3FB7]  }
0x39: {  	_ = 	snop;
	(pc) =	sbr.ind lr, $3  }
0x3a: {  	_ = 	snop  }
0x3b: {  	_ = 	snop  }
0x3c: {  	p2 =	seq.s32 s10, $0x1;
	s10 =	sld [smem:$0x3FB6]  }
0x3d: {  	_ =	shalt  }
0x3e: {  	_ =	shalt  }
0x3f: {  	_ =	shalt  }
0x40: {  	_ =	shalt  }
0x41: {  	_ =	shalt  }
0x42: {  	_ =	shalt  }
0x43: {  	_ =	shalt  }
0x44: {  	_ =	shalt  }
0x45: {  	_ =	shalt  }
0x46: {  	_ =	shalt  }
0x47: {  	_ =	shalt  }
0x48: {  	_ =	shalt  }
0x49: {  	_ =	shalt  }
0x4a: {  	_ =	shalt  }
0x4b: {  	_ =	shalt  }
0x4c: {  	_ =	shalt  }
0x4d: {  	_ =	shalt  }
0x4e: {  	_ =	shalt  }
0x4f: {  	_ =	shalt  }
0x50: {  	_ =	shalt  }
0x51: {  	_ =	shalt  }
0x52: {  	_ =	shalt  }
0x53: {  	_ =	shalt  }
0x54: {  	_ =	shalt  }
0x55: {  	_ =	shalt  }
0x56: {  	_ =	shalt  }
0x57: {  	_ =	shalt  }
0x58: {  	_ =	shalt  }
0x59: {  	_ =	shalt  }
0x5a: {  	_ =	shalt  }
0x5b: {  	_ =	shalt  }
0x5c: {  	_ =	shalt  }
0x5d: {  	_ =	shalt  }
0x5e: {  	_ =	shalt  }
0x5f: {  	_ =	shalt  }
0x60: {  	_ =	shalt  }
0x61: {  	_ =	shalt  }
0x62: {  	_ =	shalt  }
0x63: {  	_ =	shalt  }
0x64: {  	_ =	shalt  }
0x65: {  	_ =	shalt  }
0x66: {  	_ =	shalt  }
0x67: {  	_ =	shalt  }
0x68: {  	_ =	shalt  }
0x69: {  	_ =	shalt  }
0x6a: {  	_ =	shalt  }
0x6b: {  	_ =	shalt  }
0x6c: {  	_ =	shalt  }
0x6d: {  	_ =	shalt  }
0x6e: {  	_ =	shalt  }
0x6f: {  	_ =	shalt  }
0x70: {  	_ =	shalt  }
0x71: {  	_ =	shalt  }
0x72: {  	_ =	shalt  }
0x73: {  	_ =	shalt  }
0x74: {  	_ =	shalt  }
0x75: {  	_ =	shalt  }
0x76: {  	_ =	shalt  }
0x77: {  	_ =	shalt  }
0x78: {  	_ =	shalt  }
0x79: {  	_ =	shalt  }
0x7a: {  	_ =	shalt  }
0x7b: {  	_ =	shalt  }
0x7c: {  	_ =	shalt  }
0x7d: {  	_ =	shalt  }
0x7e: {  	_ =	shalt  }
0x7f: {  	_ =	shalt  }
0x80: {  	_ =	shalt  }
0x81: {  	_ =	shalt  }
0x82: {  	_ =	shalt  }
0x83: {  	_ =	shalt  }
0x84: {  	_ =	shalt  }
0x85: {  	_ =	shalt  }
0x86: {  	_ =	shalt  }
0x87: {  	_ =	shalt  }
.Lfunc_end0:
.L_simem_size_0:
called_computation_lowered:
.L_overlay_start_0:
0x88: {  	s2 =	sld [smem:$0x3FD9]  }
0x89: {  	s3 =	sld [smem:$0x3FFE];
	_ =	sdelay $0x1  }
0x8a: {  	s1 =	srdreg.scid  }
0x8b: {  	s0 =	sand.u32 $0x1, s1  }
0x8c: {  	s17 =	sshll.u32 s0, $0xA;
	s2 =	sadd.s32 s3, s2  }
0x8d: {  	s2 =	sadd.s32 s2, s17  }
0x8e: {  	[smem:$0x3FC2] =	sst s2  }
0x8f: {  	_ = 	snop  }
0x90: {  	s2 =	sld [smem:$0x3FD0];
	(tm) =	ssettm $0x1  }
0x91: {  	s18 =	sld [smem:$0x3FFB];
	_ =	sdelay $0x3  }
0x92: {  	_ =	strace s18  }
0x93: {  	s3 =	sld [smem:$0x3FFC];
	_ =	sdelay $0x3  }
0x94: {  	_ =	strace s3  }
0x95: {  	s3 =	sld [smem:$0x3FFD];
	_ =	sdelay $0x3  }
0x96: {  	_ =	strace s3  }
0x97: {  	_ =	strace $0x8FFFFFFF  }
0x98: {  	s19 =	sld [smem:$0x3FDB];
	_ =	sdelay $0x1  }
0x99: {  	s4 =	simm.s32 $_scs_section_size  }
0x9a: {  	s5 =	simm.s32 $_size__tile_overlayer_lowered;
	s6 =	simm.s32 $_tile_overlayer_lowered  }
0x9b: {  	s22 =	simm.s32 $0x1BFF;
	s21 =	sshll.u32 s6, $0x1;
	s3 =	sadd.s32 s4, s19  }
0x9c: {  	s7 =	simm.s32 $0x0;
	s20 =	sshll.u32 s5, $0x1;
	s5 =	sadd.s32 s21, s3  }
0x9d: {  	[timem:s7], [sflag:s22] =	dma.local [hbm:s5], s20  }
0x9e: {  	_ =	swait.ge [sflag:s22], s20  }
0x9f: {  	s4 =	ssub.s32 $0x0, s20;
	[sflag:s22] =	ssyncset.done $0x0  }
0xa0: {  	[sflag:s22] =	ssyncadd.s32 s4;
	_ =	sdelay $0x1  }
0xa1: {  	s23 =	simm.s32 $0x1B8B  }
0xa2: {  	_ =	swait.ge [sflag:s23], $0x1  }
0xa3: {  	[sflag:s23] =	ssyncset.done $0x0  }
0xa4: {  	s25 =	simm.s32 $0x1B8E;
	s24 =	sld [smem:$0x3FFE];
	[sflag:s23] =	ssyncadd.s32 $0xFFFFFFFF  }
0xa5: {  	s26 =	simm.s32 $execute0_lowered;
	[smem:$0x3FD2] =	sst s25  }
0xa6: {  	s5 =	sshll.u32 s26, $0x1;
	_ =	strace $0x80000046;
	[dreg:$0x1] =	wrdreg $0xFFFFFFFF  }
0xa7: {  	s28 =	simm.s32 $_size_execute0_lowered;
	s3 =	sadd.s32 s3, s5;
	[dreg:$0x0] =	wrdreg $0x0  }
0xa8: {  	s5 =	sshll.u32 s28, $0x1;
	[dreg:$0x2] =	wrdreg s3  }
0xa9: {  	[dreg:$0x3] =	wrdreg s5  }
0xaa: {  	[dreg:$0x4] =	wrdreg $0xC0  }
0xab: {  	_ =	task [dreg:s7], $0x5FFFF  }
0xac: {  	[dreg:$0x1] =	wrdreg $0xFFFFFFFF  }
0xad: {  	[dreg:$0x0] =	wrdreg $0x60  }
0xae: {  	[dreg:$0x2] =	wrdreg s2  }
0xaf: {  	[dreg:$0x3] =	wrdreg s24  }
0xb0: {  	[dreg:$0x4] =	wrdreg $0x40900  }
0xb1: {  	[dreg:$0x5] =	wrdreg $0x9  }
0xb2: {  	_ =	task.clear_ibuf [dreg:s7], $0x6FFFF;
	_ =	strace $0x90000046  }
0xb3: {  	s29 =	simm.s32 $0x9;
	_ =	strace $0x80000048  }
0xb4: {  	_ =	swait.ge [sflag:s29], $0x1  }
0xb5: {  	[sflag:s29] =	ssyncadd.s32 $0xFFFFFFFF  }
0xb6: {  	_ =	strace $0x90000048  }
0xb7: {  	_ =	sfence  }
0xb8: {  	s30 =	sld [smem:$0x0];
	_ =	sdelay $0x2  }
0xb9: {  	s31 =	sshll.u32 s1, $0xD;
	s1 =	sshrl.u32 s1, $0x2  }
0xba: {  	s3 =	sand.u32 $0x4000, s31;
	s1 =	sadd.s32 s1, s30  }
0xbb: {  	s0 =	sor.u32 s3, s0;
	s1 =	sshll.u32 s1, $0x11  }
0xbc: {  	s0 =	sor.u32 s1, s0  }
0xbd: {  	s0 =	sadd.s32 $0x8F2B, s0  }
0xbe: {  	[sflag:s0] =	ssyncadd.remote.s32 $0x1  }
0xbf: {  	_ =	sfence.sel $0xFFFF  }
0xc0: {  	[dreg:$0x0] =	wrdreg $0xFFFFFFFF;
	(pc) =	sbr.abs _section_cstart, $3  }
0xc1: {  	[dreg:$0x1] =	wrdreg $0xFFFFFFFF  }
0xc2: {  	_ =	task.clear_ibuf [dreg:s7], $0x2FFFF;
	_ =	strace $0x9FFFFFFF  }
0xc3: {  	(tm) =	ssettm $0x7FFFFFFF  }
tec
execute0_lowered:
.L_overlay_start_1:
0x0: {  	(tag) =	ssettag $0x1  }
0x1: {  	s4 =	rddreg [dreg:$0x0]  }
0x2: {  	s3 =	rddreg [dreg:$0x1]  }
0x3: {  	s5 =	rddreg [dreg:$0x2]  }
0x4: {  	s0 =	rddreg [dreg:$0x3];
	s1 =	stileid.u32  }
0x5: {  	s6 =	srdreg.scid;
	s7 =	smul.u32 $0x280, s1  }
0x6: {  	s2 =	simm.s32 $0x0;
	s23 =	simm.s32 $0x1;
	s10 =	smul.u32 $0x1388, s1  }
0x7: {  	s24 =	simm.s32 $0x1390;
	s6 =	sand.u32 $0x1, s6;
	s12 =	smul.u32 $0xA000, s1  }
0x8: {  	s25 =	simm.s32 $0x3E10;
	s26 =	simm.s32 $0x3B90;
	s8 =	smul.u32 $0x2800, s6  }
0x9: {  	[smem:$0x7FF] =	sst s2;
	s9 =	smul.u32 $0x13880, s6;
	s6 =	ssub.s32 $0x2, s6  }
0xa: {  	s28 =	simm.s32 $0x0;
	_ =	strace $0x80000047;
	s11 =	sshrl.u32 s6, $0x1  }
0xb: {  	s31 =	sshrl.u32 s12, $0x2;
	s8 =	sadd.s32 s7, s8;
	s29 =	sadd.s32 s10, s9  }
0xc: {  	s22 =	ssub.s32 s6, s11;
	s8 =	sshrl.u32 s8, $0x3;
	s30 =	sshrl.u32 s29, $0x3  }
0xd: {  	s22 =	smax.u32 s22, $0x1;
	s21 =	sadd.s32 s8, s3;
	s3 =	sadd.s32 s7, s5  }
0xe: {  	s4 =	sadd.s32 s4, s30;
	s5 =	sadd.s32 s31, s5;
	s6 =	sadd.s32 $0x2800, s3  }
0xf: {  	s7 =	sadd.s32 $0x5000, s3;
	s8 =	sadd.s32 $0x7800, s3;
	s9 =	sadd.s32 $0xA000, s3  }
0x10: {  	s10 =	sadd.s32 $0xC800, s3;
	s11 =	sadd.s32 $0xF000, s3;
	s12 =	sadd.s32 $0x11800, s3  }
0x11: {  	s13 =	sadd.s32 $0x14000, s3;
	s14 =	sadd.s32 $0x16800, s3;
	s15 =	sadd.s32 $0x19000, s3  }
0x12: {  	s16 =	sadd.s32 $0x1B800, s3;
	s17 =	sadd.s32 $0x1E000, s3;
	s18 =	sadd.s32 $0x20800, s3  }
0x13: {  	v0 =	vimm.s32 $0x27FF;
	v1 =	vimm.f32 $0.0e+00;
	v2 =	vimm.f32 $1.000000000e+00;
	s19 =	sadd.s32 $0x23000, s3;
	s20 =	sadd.s32 $0x25800, s3;
	s21 =	sadd.s32 $0x1C00, s21  }
.LBB2_1:
0x14: {  	[tilespmem:$0x1380] =	vst v0  }
0x15: {  	[tilespmem:s2], [sflag:$0x1] =	stream.linear.gather [hbm4b:s4+s2], $0x1388, $0x38;
	[tilespmem:$0x6890] =	vst v63  }
0x16: {  	_ =	swait.ge [sflag:s23], $0x1388  }
0x17: {  	[sflag:s23] =	ssyncset.done $0x0  }
0x18: {  	s29 =	simm.s32 $0x0;
	[sflag:s23] =	ssyncadd.s32 $0xFFFFEC78  }
.LBB2_2:
0x19: {  	p0 =	sne.s32 s29, $0x9FC0  }
.Ltmp0:
0x1a: {  	_ = 	snop;
	(pc) =	sbr.rel @p0 .LBB2_2-.Ltmp0, $3  }
0x1b: {  	_ =	sdelay $0x1  }
0x1c: {  	s30 =	sshra.s32 s29, $0x2  }
0x1d: {  	s29 =	sadd.s32 $0x40, s29;
	[tilespmem:s30+$0x1390] =	vst v1  }
0x1e: {  	s30 =	simm.s32 $0x0;
	s29 =	simm.s32 $0x40  }
.LBB2_4:
0x1f: {  	p0 =	sne.s32 s29, $0x4E00;
	v3 =	vld [tilespmem:s30+$0x0];
	_ =	sdelay $0x3  }
.Ltmp1:
0x20: {  	(pc) =	sbr.rel @p0 .LBB2_4-.Ltmp1, $2  }
0x21: {  	_ =	sdelay $0x2  }
0x22: {  	s30 =	sshra.s32 s29, $0x2;
	s29 =	sadd.s32 $0x40, s29;
	[tilespmem:v3+s24+$0x0] =	vst.idx.add.f32.msk $0xffff, v2  }
0x23: {  	v3 =	vld [tilespmem:s30+$0x0];
	_ =	sdelay $0x7  }
0x24: {  	[tilespmem:v3+s24+$0x0] =	vst.idx.add.f32.msk $0xffff, v2  }
0x25: {  	[spmem:s5] =	stream.linear.scatter [tilespmem:s24], [sflag:$0x1], $0x2800, $0x38;
	[tilespmem:$0x6890] =	vst v63  }
0x26: {  	_ =	swait.ge [sflag:s23], $0x2800  }
0x27: {  	[sflag:s23] =	ssyncset.done $0x0  }
0x28: {  	[sflag:s23] =	ssyncadd.s32 $0xFFFFD800  }
0x29: {  	[bflag:$0x0] =	sbarrier.arrive $0xFFFF  }
0x2a: {  	[tilespmem:s25], [sflag:$0x1] =	stream.linear.gather [spmem:s3], $0x280, $0x38;
	[tilespmem:$0x6890] =	vst v63  }
0x2b: {  	_ =	swait.ge [sflag:s23], $0x280  }
0x2c: {  	[sflag:s23] =	ssyncset.done $0x0  }
0x2d: {  	[sflag:s23] =	ssyncadd.s32 $0xFFFFFD80  }
0x2e: {  	[tilespmem:s26], [sflag:$0x1] =	stream.linear.gather [spmem:s6], $0x280, $0x38;
	[tilespmem:$0x6890] =	vst v63  }
0x2f: {  	_ =	swait.ge [sflag:s23], $0x280  }
0x30: {  	[sflag:s23] =	ssyncset.done $0x0  }
0x31: {  	s29 =	simm.s32 $0x0;
	[sflag:s23] =	ssyncadd.s32 $0xFFFFFD80  }
0x32: {  	s30 =	simm.s32 $0x40;
	v3 =	vld [tilespmem:s29+$0x3B90]  }
.LBB2_6:
0x33: {  	p0 =	sne.s32 s30, $0x9C0;
	v4 =	vld [tilespmem:s29+$0x3E10];
	_ =	sdelay $0x2  }
.Ltmp2:
0x34: {  	(pc) =	sbr.rel @p0 .LBB2_6-.Ltmp2, $4  }
0x35: {  	_ = 	snop  }
0x36: {  	v4 =	vadd.f32 v3, v4  }
0x37: {  	s31 =	sshra.s32 s30, $0x2  }
0x38: {  	s30 =	sadd.s32 $0x40, s30;
	v3 =	vld [tilespmem:s31+$0x3B90];
	[tilespmem:s29+$0x3E10] =	vst v4;
	s29 =	smov.u32 s31  }
0x39: {  	v4 =	vld [tilespmem:s29+$0x3E10];
	_ =	sdelay $0x4  }
0x3a: {  	v3 =	vadd.f32 v3, v4;
	_ =	sdelay $0x1  }
0x3b: {  	[tilespmem:s29+$0x3E10] =	vst v3  }
0x3c: {  	[tilespmem:s26], [sflag:$0x1] =	stream.linear.gather [spmem:s7], $0x280, $0x38;
	[tilespmem:$0x6890] =	vst v63  }
0x3d: {  	_ =	swait.ge [sflag:s23], $0x280  }
0x3e: {  	[sflag:s23] =	ssyncset.done $0x0  }
0x3f: {  	s29 =	simm.s32 $0x0;
	[sflag:s23] =	ssyncadd.s32 $0xFFFFFD80  }
0x40: {  	s30 =	simm.s32 $0x40;
	v3 =	vld [tilespmem:s29+$0x3B90]  }
.LBB2_8:
0x41: {  	p0 =	sne.s32 s30, $0x9C0;
	v4 =	vld [tilespmem:s29+$0x3E10];
	_ =	sdelay $0x2  }
.Ltmp3:
0x42: {  	(pc) =	sbr.rel @p0 .LBB2_8-.Ltmp3, $4  }
0x43: {  	_ = 	snop  }
0x44: {  	v4 =	vadd.f32 v3, v4  }
0x45: {  	s31 =	sshra.s32 s30, $0x2  }
0x46: {  	s30 =	sadd.s32 $0x40, s30;
	v3 =	vld [tilespmem:s31+$0x3B90];
	[tilespmem:s29+$0x3E10] =	vst v4;
	s29 =	smov.u32 s31  }
0x47: {  	v4 =	vld [tilespmem:s29+$0x3E10];
	_ =	sdelay $0x4  }
0x48: {  	v3 =	vadd.f32 v3, v4;
	_ =	sdelay $0x1  }
0x49: {  	[tilespmem:s29+$0x3E10] =	vst v3  }
0x4a: {  	[tilespmem:s26], [sflag:$0x1] =	stream.linear.gather [spmem:s8], $0x280, $0x38;
	[tilespmem:$0x6890] =	vst v63  }
0x4b: {  	_ =	swait.ge [sflag:s23], $0x280  }
0x4c: {  	[sflag:s23] =	ssyncset.done $0x0  }
0x4d: {  	s29 =	simm.s32 $0x0;
	[sflag:s23] =	ssyncadd.s32 $0xFFFFFD80  }
0x4e: {  	s30 =	simm.s32 $0x40;
	v3 =	vld [tilespmem:s29+$0x3B90]  }
.LBB2_10:
0x4f: {  	p0 =	sne.s32 s30, $0x9C0;
	v4 =	vld [tilespmem:s29+$0x3E10];
	_ =	sdelay $0x2  }
.Ltmp4:
0x50: {  	(pc) =	sbr.rel @p0 .LBB2_10-.Ltmp4, $4  }
0x51: {  	_ = 	snop  }
0x52: {  	v4 =	vadd.f32 v3, v4  }
0x53: {  	s31 =	sshra.s32 s30, $0x2  }
0x54: {  	s30 =	sadd.s32 $0x40, s30;
	v3 =	vld [tilespmem:s31+$0x3B90];
	[tilespmem:s29+$0x3E10] =	vst v4;
	s29 =	smov.u32 s31  }
0x55: {  	v4 =	vld [tilespmem:s29+$0x3E10];
	_ =	sdelay $0x4  }
0x56: {  	v3 =	vadd.f32 v3, v4;
	_ =	sdelay $0x1  }
0x57: {  	[tilespmem:s29+$0x3E10] =	vst v3  }
0x58: {  	[tilespmem:s26], [sflag:$0x1] =	stream.linear.gather [spmem:s9], $0x280, $0x38;
	[tilespmem:$0x6890] =	vst v63  }
0x59: {  	_ =	swait.ge [sflag:s23], $0x280  }
0x5a: {  	[sflag:s23] =	ssyncset.done $0x0  }
0x5b: {  	s29 =	simm.s32 $0x0;
	[sflag:s23] =	ssyncadd.s32 $0xFFFFFD80  }
0x5c: {  	s30 =	simm.s32 $0x40;
	v3 =	vld [tilespmem:s29+$0x3B90]  }
.LBB2_12:
0x5d: {  	p0 =	sne.s32 s30, $0x9C0;
	v4 =	vld [tilespmem:s29+$0x3E10];
	_ =	sdelay $0x2  }
.Ltmp5:
0x5e: {  	(pc) =	sbr.rel @p0 .LBB2_12-.Ltmp5, $4  }
0x5f: {  	_ = 	snop  }
0x60: {  	v4 =	vadd.f32 v3, v4  }
0x61: {  	s31 =	sshra.s32 s30, $0x2  }
0x62: {  	s30 =	sadd.s32 $0x40, s30;
	v3 =	vld [tilespmem:s31+$0x3B90];
	[tilespmem:s29+$0x3E10] =	vst v4;
	s29 =	smov.u32 s31  }
0x63: {  	v4 =	vld [tilespmem:s29+$0x3E10];
	_ =	sdelay $0x4  }
0x64: {  	v3 =	vadd.f32 v3, v4;
	_ =	sdelay $0x1  }
0x65: {  	[tilespmem:s29+$0x3E10] =	vst v3  }
0x66: {  	[tilespmem:s26], [sflag:$0x1] =	stream.linear.gather [spmem:s10], $0x280, $0x38;
	[tilespmem:$0x6890] =	vst v63  }
0x67: {  	_ =	swait.ge [sflag:s23], $0x280  }
0x68: {  	[sflag:s23] =	ssyncset.done $0x0  }
0x69: {  	s29 =	simm.s32 $0x0;
	[sflag:s23] =	ssyncadd.s32 $0xFFFFFD80  }
0x6a: {  	s30 =	simm.s32 $0x40;
	v3 =	vld [tilespmem:s29+$0x3B90]  }
.LBB2_14:
0x6b: {  	p0 =	sne.s32 s30, $0x9C0;
	v4 =	vld [tilespmem:s29+$0x3E10];
	_ =	sdelay $0x2  }
.Ltmp6:
0x6c: {  	(pc) =	sbr.rel @p0 .LBB2_14-.Ltmp6, $4  }
0x6d: {  	_ = 	snop  }
0x6e: {  	v4 =	vadd.f32 v3, v4  }
0x6f: {  	s31 =	sshra.s32 s30, $0x2  }
0x70: {  	s30 =	sadd.s32 $0x40, s30;
	v3 =	vld [tilespmem:s31+$0x3B90];
	[tilespmem:s29+$0x3E10] =	vst v4;
	s29 =	smov.u32 s31  }
0x71: {  	v4 =	vld [tilespmem:s29+$0x3E10];
	_ =	sdelay $0x4  }
0x72: {  	v3 =	vadd.f32 v3, v4;
	_ =	sdelay $0x1  }
0x73: {  	[tilespmem:s29+$0x3E10] =	vst v3  }
0x74: {  	[tilespmem:s26], [sflag:$0x1] =	stream.linear.gather [spmem:s11], $0x280, $0x38;
	[tilespmem:$0x6890] =	vst v63  }
0x75: {  	_ =	swait.ge [sflag:s23], $0x280  }
0x76: {  	[sflag:s23] =	ssyncset.done $0x0  }
0x77: {  	s29 =	simm.s32 $0x0;
	[sflag:s23] =	ssyncadd.s32 $0xFFFFFD80  }
0x78: {  	s30 =	simm.s32 $0x40;
	v3 =	vld [tilespmem:s29+$0x3B90]  }
.LBB2_16:
0x79: {  	p0 =	sne.s32 s30, $0x9C0;
	v4 =	vld [tilespmem:s29+$0x3E10];
	_ =	sdelay $0x2  }
.Ltmp7:
0x7a: {  	(pc) =	sbr.rel @p0 .LBB2_16-.Ltmp7, $4  }
0x7b: {  	_ = 	snop  }
0x7c: {  	v4 =	vadd.f32 v3, v4  }
0x7d: {  	s31 =	sshra.s32 s30, $0x2  }
0x7e: {  	s30 =	sadd.s32 $0x40, s30;
	v3 =	vld [tilespmem:s31+$0x3B90];
	[tilespmem:s29+$0x3E10] =	vst v4;
	s29 =	smov.u32 s31  }
0x7f: {  	v4 =	vld [tilespmem:s29+$0x3E10];
	_ =	sdelay $0x4  }
0x80: {  	v3 =	vadd.f32 v3, v4;
	_ =	sdelay $0x1  }
0x81: {  	[tilespmem:s29+$0x3E10] =	vst v3  }
0x82: {  	[tilespmem:s26], [sflag:$0x1] =	stream.linear.gather [spmem:s12], $0x280, $0x38;
	[tilespmem:$0x6890] =	vst v63  }
0x83: {  	_ =	swait.ge [sflag:s23], $0x280  }
0x84: {  	[sflag:s23] =	ssyncset.done $0x0  }
0x85: {  	s29 =	simm.s32 $0x0;
	[sflag:s23] =	ssyncadd.s32 $0xFFFFFD80  }
0x86: {  	s30 =	simm.s32 $0x40;
	v3 =	vld [tilespmem:s29+$0x3B90]  }
.LBB2_18:
0x87: {  	p0 =	sne.s32 s30, $0x9C0;
	v4 =	vld [tilespmem:s29+$0x3E10];
	_ =	sdelay $0x2  }
.Ltmp8:
0x88: {  	(pc) =	sbr.rel @p0 .LBB2_18-.Ltmp8, $4  }
0x89: {  	_ = 	snop  }
0x8a: {  	v4 =	vadd.f32 v3, v4  }
0x8b: {  	s31 =	sshra.s32 s30, $0x2  }
0x8c: {  	s30 =	sadd.s32 $0x40, s30;
	v3 =	vld [tilespmem:s31+$0x3B90];
	[tilespmem:s29+$0x3E10] =	vst v4;
	s29 =	smov.u32 s31  }
0x8d: {  	v4 =	vld [tilespmem:s29+$0x3E10];
	_ =	sdelay $0x4  }
0x8e: {  	v3 =	vadd.f32 v3, v4;
	_ =	sdelay $0x1  }
0x8f: {  	[tilespmem:s29+$0x3E10] =	vst v3  }
0x90: {  	[tilespmem:s26], [sflag:$0x1] =	stream.linear.gather [spmem:s13], $0x280, $0x38;
	[tilespmem:$0x6890] =	vst v63  }
0x91: {  	_ =	swait.ge [sflag:s23], $0x280  }
0x92: {  	[sflag:s23] =	ssyncset.done $0x0  }
0x93: {  	s29 =	simm.s32 $0x0;
	[sflag:s23] =	ssyncadd.s32 $0xFFFFFD80  }
0x94: {  	s30 =	simm.s32 $0x40;
	v3 =	vld [tilespmem:s29+$0x3B90]  }
.LBB2_20:
0x95: {  	p0 =	sne.s32 s30, $0x9C0;
	v4 =	vld [tilespmem:s29+$0x3E10];
	_ =	sdelay $0x2  }
.Ltmp9:
0x96: {  	(pc) =	sbr.rel @p0 .LBB2_20-.Ltmp9, $4  }
0x97: {  	_ = 	snop  }
0x98: {  	v4 =	vadd.f32 v3, v4  }
0x99: {  	s31 =	sshra.s32 s30, $0x2  }
0x9a: {  	s30 =	sadd.s32 $0x40, s30;
	v3 =	vld [tilespmem:s31+$0x3B90];
	[tilespmem:s29+$0x3E10] =	vst v4;
	s29 =	smov.u32 s31  }
0x9b: {  	v4 =	vld [tilespmem:s29+$0x3E10];
	_ =	sdelay $0x4  }
0x9c: {  	v3 =	vadd.f32 v3, v4;
	_ =	sdelay $0x1  }
0x9d: {  	[tilespmem:s29+$0x3E10] =	vst v3  }
0x9e: {  	[tilespmem:s26], [sflag:$0x1] =	stream.linear.gather [spmem:s14], $0x280, $0x38;
	[tilespmem:$0x6890] =	vst v63  }
0x9f: {  	_ =	swait.ge [sflag:s23], $0x280  }
0xa0: {  	[sflag:s23] =	ssyncset.done $0x0  }
0xa1: {  	s29 =	simm.s32 $0x0;
	[sflag:s23] =	ssyncadd.s32 $0xFFFFFD80  }
0xa2: {  	s30 =	simm.s32 $0x40;
	v3 =	vld [tilespmem:s29+$0x3B90]  }
.LBB2_22:
0xa3: {  	p0 =	sne.s32 s30, $0x9C0;
	v4 =	vld [tilespmem:s29+$0x3E10];
	_ =	sdelay $0x2  }
.Ltmp10:
0xa4: {  	(pc) =	sbr.rel @p0 .LBB2_22-.Ltmp10, $4  }
0xa5: {  	_ = 	snop  }
0xa6: {  	v4 =	vadd.f32 v3, v4  }
0xa7: {  	s31 =	sshra.s32 s30, $0x2  }
0xa8: {  	s30 =	sadd.s32 $0x40, s30;
	v3 =	vld [tilespmem:s31+$0x3B90];
	[tilespmem:s29+$0x3E10] =	vst v4;
	s29 =	smov.u32 s31  }
0xa9: {  	v4 =	vld [tilespmem:s29+$0x3E10];
	_ =	sdelay $0x4  }
0xaa: {  	v3 =	vadd.f32 v3, v4;
	_ =	sdelay $0x1  }
0xab: {  	[tilespmem:s29+$0x3E10] =	vst v3  }
0xac: {  	[tilespmem:s26], [sflag:$0x1] =	stream.linear.gather [spmem:s15], $0x280, $0x38;
	[tilespmem:$0x6890] =	vst v63  }
0xad: {  	_ =	swait.ge [sflag:s23], $0x280  }
0xae: {  	[sflag:s23] =	ssyncset.done $0x0  }
0xaf: {  	s29 =	simm.s32 $0x0;
	[sflag:s23] =	ssyncadd.s32 $0xFFFFFD80  }
0xb0: {  	s30 =	simm.s32 $0x40;
	v3 =	vld [tilespmem:s29+$0x3B90]  }
.LBB2_24:
0xb1: {  	p0 =	sne.s32 s30, $0x9C0;
	v4 =	vld [tilespmem:s29+$0x3E10];
	_ =	sdelay $0x2  }
.Ltmp11:
0xb2: {  	(pc) =	sbr.rel @p0 .LBB2_24-.Ltmp11, $4  }
0xb3: {  	_ = 	snop  }
0xb4: {  	v4 =	vadd.f32 v3, v4  }
0xb5: {  	s31 =	sshra.s32 s30, $0x2  }
0xb6: {  	s30 =	sadd.s32 $0x40, s30;
	v3 =	vld [tilespmem:s31+$0x3B90];
	[tilespmem:s29+$0x3E10] =	vst v4;
	s29 =	smov.u32 s31  }
0xb7: {  	v4 =	vld [tilespmem:s29+$0x3E10];
	_ =	sdelay $0x4  }
0xb8: {  	v3 =	vadd.f32 v3, v4;
	_ =	sdelay $0x1  }
0xb9: {  	[tilespmem:s29+$0x3E10] =	vst v3  }
0xba: {  	[tilespmem:s26], [sflag:$0x1] =	stream.linear.gather [spmem:s16], $0x280, $0x38;
	[tilespmem:$0x6890] =	vst v63  }
0xbb: {  	_ =	swait.ge [sflag:s23], $0x280  }
0xbc: {  	[sflag:s23] =	ssyncset.done $0x0  }
0xbd: {  	s29 =	simm.s32 $0x0;
	[sflag:s23] =	ssyncadd.s32 $0xFFFFFD80  }
0xbe: {  	s30 =	simm.s32 $0x40;
	v3 =	vld [tilespmem:s29+$0x3B90]  }
.LBB2_26:
0xbf: {  	p0 =	sne.s32 s30, $0x9C0;
	v4 =	vld [tilespmem:s29+$0x3E10];
	_ =	sdelay $0x2  }
.Ltmp12:
0xc0: {  	(pc) =	sbr.rel @p0 .LBB2_26-.Ltmp12, $4  }
0xc1: {  	_ = 	snop  }
0xc2: {  	v4 =	vadd.f32 v3, v4  }
0xc3: {  	s31 =	sshra.s32 s30, $0x2  }
0xc4: {  	s30 =	sadd.s32 $0x40, s30;
	v3 =	vld [tilespmem:s31+$0x3B90];
	[tilespmem:s29+$0x3E10] =	vst v4;
	s29 =	smov.u32 s31  }
0xc5: {  	v4 =	vld [tilespmem:s29+$0x3E10];
	_ =	sdelay $0x4  }
0xc6: {  	v3 =	vadd.f32 v3, v4;
	_ =	sdelay $0x1  }
0xc7: {  	[tilespmem:s29+$0x3E10] =	vst v3  }
0xc8: {  	[tilespmem:s26], [sflag:$0x1] =	stream.linear.gather [spmem:s17], $0x280, $0x38;
	[tilespmem:$0x6890] =	vst v63  }
0xc9: {  	_ =	swait.ge [sflag:s23], $0x280  }
0xca: {  	[sflag:s23] =	ssyncset.done $0x0  }
0xcb: {  	s29 =	simm.s32 $0x0;
	[sflag:s23] =	ssyncadd.s32 $0xFFFFFD80  }
0xcc: {  	s30 =	simm.s32 $0x40;
	v3 =	vld [tilespmem:s29+$0x3B90]  }
.LBB2_28:
0xcd: {  	p0 =	sne.s32 s30, $0x9C0;
	v4 =	vld [tilespmem:s29+$0x3E10];
	_ =	sdelay $0x2  }
.Ltmp13:
0xce: {  	(pc) =	sbr.rel @p0 .LBB2_28-.Ltmp13, $4  }
0xcf: {  	_ = 	snop  }
0xd0: {  	v4 =	vadd.f32 v3, v4  }
0xd1: {  	s31 =	sshra.s32 s30, $0x2  }
0xd2: {  	s30 =	sadd.s32 $0x40, s30;
	v3 =	vld [tilespmem:s31+$0x3B90];
	[tilespmem:s29+$0x3E10] =	vst v4;
	s29 =	smov.u32 s31  }
0xd3: {  	v4 =	vld [tilespmem:s29+$0x3E10];
	_ =	sdelay $0x4  }
0xd4: {  	v3 =	vadd.f32 v3, v4;
	_ =	sdelay $0x1  }
0xd5: {  	[tilespmem:s29+$0x3E10] =	vst v3  }
0xd6: {  	[tilespmem:s26], [sflag:$0x1] =	stream.linear.gather [spmem:s18], $0x280, $0x38;
	[tilespmem:$0x6890] =	vst v63  }
0xd7: {  	_ =	swait.ge [sflag:s23], $0x280  }
0xd8: {  	[sflag:s23] =	ssyncset.done $0x0  }
0xd9: {  	s29 =	simm.s32 $0x0;
	[sflag:s23] =	ssyncadd.s32 $0xFFFFFD80  }
0xda: {  	s30 =	simm.s32 $0x40;
	v3 =	vld [tilespmem:s29+$0x3B90]  }
.LBB2_30:
0xdb: {  	p0 =	sne.s32 s30, $0x9C0;
	v4 =	vld [tilespmem:s29+$0x3E10];
	_ =	sdelay $0x2  }
.Ltmp14:
0xdc: {  	(pc) =	sbr.rel @p0 .LBB2_30-.Ltmp14, $4  }
0xdd: {  	_ = 	snop  }
0xde: {  	v4 =	vadd.f32 v3, v4  }
0xdf: {  	s31 =	sshra.s32 s30, $0x2  }
0xe0: {  	s30 =	sadd.s32 $0x40, s30;
	v3 =	vld [tilespmem:s31+$0x3B90];
	[tilespmem:s29+$0x3E10] =	vst v4;
	s29 =	smov.u32 s31  }
0xe1: {  	v4 =	vld [tilespmem:s29+$0x3E10];
	_ =	sdelay $0x4  }
0xe2: {  	v3 =	vadd.f32 v3, v4;
	_ =	sdelay $0x1  }
0xe3: {  	[tilespmem:s29+$0x3E10] =	vst v3  }
0xe4: {  	[tilespmem:s26], [sflag:$0x1] =	stream.linear.gather [spmem:s19], $0x280, $0x38;
	[tilespmem:$0x6890] =	vst v63  }
0xe5: {  	_ =	swait.ge [sflag:s23], $0x280  }
0xe6: {  	[sflag:s23] =	ssyncset.done $0x0  }
0xe7: {  	s29 =	simm.s32 $0x0;
	[sflag:s23] =	ssyncadd.s32 $0xFFFFFD80  }
0xe8: {  	s30 =	simm.s32 $0x40;
	v3 =	vld [tilespmem:s29+$0x3B90]  }
.LBB2_32:
0xe9: {  	p0 =	sne.s32 s30, $0x9C0;
	v4 =	vld [tilespmem:s29+$0x3E10];
	_ =	sdelay $0x2  }
.Ltmp15:
0xea: {  	(pc) =	sbr.rel @p0 .LBB2_32-.Ltmp15, $4  }
0xeb: {  	_ = 	snop  }
0xec: {  	v4 =	vadd.f32 v3, v4  }
0xed: {  	s31 =	sshra.s32 s30, $0x2  }
0xee: {  	s30 =	sadd.s32 $0x40, s30;
	v3 =	vld [tilespmem:s31+$0x3B90];
	[tilespmem:s29+$0x3E10] =	vst v4;
	s29 =	smov.u32 s31  }
0xef: {  	v4 =	vld [tilespmem:s29+$0x3E10];
	_ =	sdelay $0x4  }
0xf0: {  	v3 =	vadd.f32 v3, v4;
	_ =	sdelay $0x1  }
0xf1: {  	[tilespmem:s29+$0x3E10] =	vst v3  }
0xf2: {  	[tilespmem:s26], [sflag:$0x1] =	stream.linear.gather [spmem:s20], $0x280, $0x38;
	[tilespmem:$0x6890] =	vst v63  }
0xf3: {  	_ =	swait.ge [sflag:s23], $0x280  }
0xf4: {  	[sflag:s23] =	ssyncset.done $0x0  }
0xf5: {  	s29 =	simm.s32 $0x0;
	[sflag:s23] =	ssyncadd.s32 $0xFFFFFD80  }
0xf6: {  	s30 =	simm.s32 $0x40;
	v3 =	vld [tilespmem:s29+$0x3B90]  }
.LBB2_34:
0xf7: {  	p0 =	sne.s32 s30, $0x9C0;
	v4 =	vld [tilespmem:s29+$0x3E10];
	_ =	sdelay $0x2  }
.Ltmp16:
0xf8: {  	(pc) =	sbr.rel @p0 .LBB2_34-.Ltmp16, $4  }
0xf9: {  	_ = 	snop  }
0xfa: {  	v4 =	vadd.f32 v3, v4  }
0xfb: {  	s31 =	sshra.s32 s30, $0x2  }
0xfc: {  	s30 =	sadd.s32 $0x40, s30;
	v3 =	vld [tilespmem:s31+$0x3B90];
	[tilespmem:s29+$0x3E10] =	vst v4;
	s29 =	smov.u32 s31  }
0xfd: {  	v4 =	vld [tilespmem:s29+$0x3E10];
	_ =	sdelay $0x4  }
0xfe: {  	s28 =	sadd.s32 $0x1, s28;
	v3 =	vadd.f32 v3, v4  }
0xff: {  	p0 =	sne.s32 s28, s22  }
.Ltmp17:
0x100: {  	[tilespmem:s29+$0x3E10] =	vst v3;
	(pc) =	sbr.rel @p0 .LBB2_1-.Ltmp17, $4  }
0x101: {  	[hbm4b:s21+s2] =	stream.linear.scatter [tilespmem:s25], [sflag:$0x1], $0x280, $0x38;
	[tilespmem:$0x6890] =	vst v63  }
0x102: {  	_ =	swait.ge [sflag:s23], $0x280  }
0x103: {  	[sflag:s23] =	ssyncset.done $0x0  }
0x104: {  	[sflag:s23] =	ssyncadd.s32 $0xFFFFFD80  }
0x105: {  	_ =	sfence.sel $0x180000  }
0x106: {  	[bflag:$0x0] =	sbarrier.arrive $0xFFFF  }
0x107: {  	p0 =	sne.s32 s1, $0x0;
	_ =	strace $0x90000047  }
0x108: {  	s0 =	sadd.s32 @!p0 $0x100000, s0;
	[bflag:$0x2] =	sbarrier.arrive $0xFFFF  }
0x109: {  	[sflag:s0] =	ssyncadd.tile.s32 @!p0 $0x1;
	_ =	shalt  }
.Lfunc_end2:
_tile_overlayer_lowered:
.L_overlay_start_2:
0x10a: {  	(tag) =	ssettag $0x2  }
0x10b: {  	s0 =	rddreg [dreg:$0x0];
	s2 =	stileid.u32  }
0x10c: {  	s1 =	rddreg [dreg:$0x1];
	p0 =	sne.s32 s2, $0x0  }
0x10d: {  	s3 =	rddreg [dreg:$0x2];
	[bflag:$0x3] =	sbarrier.arrive $0xFFFF;
	s2 =	simm.s32 @!p0 $0x1C01  }
0x10e: {  	[timem:s3], [sflag:s2] =	dma.local @!p0 [hbm:s0], s1  }
0x10f: {  	s0 =	simm.s32 @!p0 $0x1  }
0x110: {  	_ =	swait.ge @!p0 [sflag:s0], s1  }
0x111: {  	s1 =	ssub.s32 @!p0 $0x0, s1;
	[sflag:s0] =	ssyncset.done @!p0 $0x0  }
0x112: {  	[sflag:s0] =	ssyncadd.s32 @!p0 s1  }
0x113: {  	[bflag:$0x3] =	sbarrier.arrive $0xFFFF  }
0x114: {  	_ =	shalt  }

</sc_bundles>
